<compile_context>
chip_gen: v7x
topology: tpu7x:2x2x1
jax: 0.10.2.dev20260603
libtpu: 0.0.44.dev20260713+nightly
codegen_flags: <defaults>
</compile_context>

<pallas_src>
import functools

import jax
import jax.numpy as jnp
import numpy as np
from jax import lax
from jax.experimental import pallas as pl
from jax.experimental.pallas import tpu as pltpu
from jax.experimental.pallas import tpu_sc as plsc

_BATCH = 16384
_DIM = 512
_NUM_INTERVENTIONS = 128
_LANES = 16

_INTERVENTION_IDX = np.array([
    2, 4, 5, 7, 16, 19, 29, 30, 31, 34, 35, 37, 42, 44, 45, 58, 61, 63,
    65, 72, 78, 82, 83, 85, 90, 99, 101, 102, 108, 110, 111, 112, 114,
    117, 121, 123, 129, 130, 139, 142, 144, 148, 152, 153, 155, 156, 157,
    163, 167, 174, 175, 176, 177, 178, 179, 183, 186, 188, 189, 197, 211,
    212, 219, 240, 251, 254, 257, 259, 263, 268, 269, 272, 275, 277, 278,
    284, 291, 300, 302, 304, 305, 309, 312, 315, 318, 323, 325, 336, 339,
    342, 350, 354, 356, 363, 366, 367, 368, 369, 379, 388, 398, 406, 409,
    410, 415, 417, 429, 436, 441, 444, 446, 447, 448, 452, 461, 462, 463,
    480, 481, 487, 493, 495, 499, 501, 504, 507, 509, 510,
], dtype=np.int32)

_NUM_CORES = 2
_NUM_SUBCORES = 16
_NUM_WORKERS = _NUM_CORES * _NUM_SUBCORES
_ROWS_PER_WORKER = _BATCH // _NUM_WORKERS
_CHUNK_ROWS = 16
_NUM_CHUNKS = _ROWS_PER_WORKER // _CHUNK_ROWS
_NUM_SLOTS = 4
_IDX_VECS = _NUM_INTERVENTIONS // _LANES


def _sc_body(
    x_hbm, c_hbm, idx_hbm, out_hbm,
    ob0, ob1, ob2, ob3, cb0, cb1, cb2, cb3, idxb,
    sx0, sx1, sx2, sx3, sc0, sc1, sc2, sc3, so0, so1, so2, so3,
):
    wid = lax.axis_index("s") * _NUM_CORES + lax.axis_index("c")
    base = wid * _ROWS_PER_WORKER
    ob = (ob0, ob1, ob2, ob3)
    cb = (cb0, cb1, cb2, cb3)
    sx = (sx0, sx1, sx2, sx3)
    sc = (sc0, sc1, sc2, sc3)
    so = (so0, so1, so2, so3)

    def rows_of(k):
        return pl.ds(base + k * _CHUNK_ROWS, _CHUNK_ROWS)

    pltpu.sync_copy(idx_hbm, idxb)
    colv = [idxb[pl.ds(g * _LANES, _LANES)] for g in range(_IDX_VECS)]

    def compute_chunk(p):
        @plsc.parallel_loop(0, _CHUNK_ROWS, unroll=4)
        def _(r):
            rv = jnp.full((_LANES,), r, jnp.int32)
            for g in range(_IDX_VECS):
                cv = plsc.load_gather(cb[p], [rv, colv[g]])
                plsc.store_scatter(ob[p], [rv, colv[g]], 1.0 - cv)

    for p in range(2):
        pltpu.async_copy(x_hbm.at[rows_of(p)], ob[p], sx[p])
        pltpu.async_copy(c_hbm.at[rows_of(p)], cb[p], sc[p])

    def step(t, carry):
        for p in range(_NUM_SLOTS):
            k = _NUM_SLOTS * t + p
            q = (p + 2) % _NUM_SLOTS
            @pl.when(k >= 2)
            def _():
                pltpu.make_async_copy(
                    ob[q], out_hbm.at[rows_of(k - 2)], so[q]
                ).wait()

            @pl.when(k + 2 < _NUM_CHUNKS)
            def _():
                pltpu.async_copy(x_hbm.at[rows_of(k + 2)], ob[q], sx[q])
                pltpu.async_copy(c_hbm.at[rows_of(k + 2)], cb[q], sc[q])

            pltpu.make_async_copy(x_hbm.at[rows_of(k)], ob[p], sx[p]).wait()
            pltpu.make_async_copy(c_hbm.at[rows_of(k)], cb[p], sc[p]).wait()
            compute_chunk(p)
            pltpu.async_copy(ob[p], out_hbm.at[rows_of(k)], so[p])
        return carry

    lax.fori_loop(0, _NUM_CHUNKS // _NUM_SLOTS, step, 0)

    for k in (_NUM_CHUNKS - 2, _NUM_CHUNKS - 1):
        p = k % _NUM_SLOTS
        pltpu.make_async_copy(ob[p], out_hbm.at[rows_of(k)], so[p]).wait()


@functools.partial(jax.jit, static_argnames=())
def _negative_intervention_sc(x, concepts, cols):
    mesh = plsc.VectorSubcoreMesh(core_axis_name="c", subcore_axis_name="s")
    return pl.kernel(
        _sc_body,
        mesh=mesh,
        compiler_params=pltpu.CompilerParams(needs_layout_passes=False),
        out_type=jax.ShapeDtypeStruct((_BATCH, _DIM), jnp.float32),
        scratch_types=(
            [pltpu.VMEM((_CHUNK_ROWS, _DIM), jnp.float32)] * 8
            + [pltpu.VMEM((_NUM_INTERVENTIONS,), jnp.int32)]
            + [pltpu.SemaphoreType.DMA] * 12
        ),
    )(x, concepts, cols)


def kernel(x, concepts):
    cols = jnp.asarray(_INTERVENTION_IDX)
    return _negative_intervention_sc(x, concepts, cols)

# --- scband reference (transcript-rebuilt; emitter-appended) ---
"""Pipeline reference for scband-negative-intervention-24962349924626 (READ-ONLY COPY).

The authoritative reference and input builder live on the scoring server;
editing this copy changes nothing except your own understanding.
"""

import jax, jax.numpy as jnp
import numpy as np

NUM_INTERVENTIONS = 128
BATCH = 16384
CONCEPT_DIM = 512


def setup_inputs(seed: int = 0) -> dict:
    key = jax.random.key(seed)
    k1, k2 = jax.random.split(key)
    x = jax.random.normal(k1, (BATCH, CONCEPT_DIM), dtype=jnp.float32)
    concepts = jax.random.uniform(k2, (BATCH, CONCEPT_DIM), dtype=jnp.float32)
    return {"x": x, "concepts": concepts}


def reference(x, concepts):
    # NegativeIntervention.forward
    # model_type is not ConceptWhiteningModel, so no 2*c-1 rescale branch.
    incorrect_concepts = 1.0 - concepts
    concept_dim = concepts.shape[-1]
    # torch.randperm(concept_dim)[:num_interventions] -> fixed-key permutation for determinism
    intervention_idx = jax.random.permutation(jax.random.key(42), concept_dim)[:NUM_INTERVENTIONS]
    # x[:, intervention_idx] = incorrect_concepts[:, intervention_idx]  (scatter-overwrite on columns)
    x = x.at[:, intervention_idx].set(incorrect_concepts[:, intervention_idx])
    return x

if __name__ == "__main__":
    import jax
    _d = setup_inputs()
    print(jax.jit(kernel)(*tuple(_d.values())))

</pallas_src>

<mosaic_0001>
#map = affine_map<(d0, d1) -> (0, 0)>
#map1 = affine_map<(d0, d1) -> (0)>
module attributes {stable_mosaic.version = 14 : i64} {
  func.func @_sc_body(%arg0: i32, %arg1: i32, %arg2: memref<16384x512xf32, #tpu.memory_space<hbm>>, %arg3: memref<16384x512xf32, #tpu.memory_space<hbm>>, %arg4: memref<128xi32, #tpu.memory_space<hbm>>, %arg5: memref<16384x512xf32, #tpu.memory_space<hbm>>, %arg6: memref<16x512xf32, #tpu.memory_space<vmem>>, %arg7: memref<16x512xf32, #tpu.memory_space<vmem>>, %arg8: memref<16x512xf32, #tpu.memory_space<vmem>>, %arg9: memref<16x512xf32, #tpu.memory_space<vmem>>, %arg10: memref<16x512xf32, #tpu.memory_space<vmem>>, %arg11: memref<16x512xf32, #tpu.memory_space<vmem>>, %arg12: memref<16x512xf32, #tpu.memory_space<vmem>>, %arg13: memref<16x512xf32, #tpu.memory_space<vmem>>, %arg14: memref<128xi32, #tpu.memory_space<vmem>>, %arg15: memref<!tpu.dma_semaphore, #tpu.memory_space<semaphore_mem>>, %arg16: memref<!tpu.dma_semaphore, #tpu.memory_space<semaphore_mem>>, %arg17: memref<!tpu.dma_semaphore, #tpu.memory_space<semaphore_mem>>, %arg18: memref<!tpu.dma_semaphore, #tpu.memory_space<semaphore_mem>>, %arg19: memref<!tpu.dma_semaphore, #tpu.memory_space<semaphore_mem>>, %arg20: memref<!tpu.dma_semaphore, #tpu.memory_space<semaphore_mem>>, %arg21: memref<!tpu.dma_semaphore, #tpu.memory_space<semaphore_mem>>, %arg22: memref<!tpu.dma_semaphore, #tpu.memory_space<semaphore_mem>>, %arg23: memref<!tpu.dma_semaphore, #tpu.memory_space<semaphore_mem>>, %arg24: memref<!tpu.dma_semaphore, #tpu.memory_space<semaphore_mem>>, %arg25: memref<!tpu.dma_semaphore, #tpu.memory_space<semaphore_mem>>, %arg26: memref<!tpu.dma_semaphore, #tpu.memory_space<semaphore_mem>>) attributes {dimension_semantics = [#tpu.dimension_semantics<core_parallel>, #tpu.dimension_semantics<subcore_parallel>], iteration_bounds = array<i64: 2, 16>, scalar_prefetch = 0 : i64, scratch_operands = 21 : i64, tpu.core_type = #tpu.core_type<sc_vector_subcore>, window_params = [{transform_indices = #map}, {transform_indices = #map}, {transform_indices = #map1}, {transform_indices = #map}]} {
    %mul3A = arith.constant 2 : i32
    %mul3A_0 = arith.muli %arg1, %mul3A : i32
    %add3A = arith.addi %mul3A_0, %arg0 : i32
    %mul3A_1 = arith.constant 512 : i32
    %mul3A_2 = arith.muli %add3A, %mul3A_1 : i32
    "tpu.region"() ({
      %run_scoped3A = tpu.sem_alloc : memref<!tpu.dma_semaphore, #tpu.memory_space<semaphore_mem>>
      tpu.enqueue_dma source(%arg4 : memref<128xi32, #tpu.memory_space<hbm>>) target(%arg14 : memref<128xi32, #tpu.memory_space<vmem>>) target_semaphore(%run_scoped3A : memref<!tpu.dma_semaphore, #tpu.memory_space<semaphore_mem>>)
      tpu.wait_dma2 semaphore(%run_scoped3A : memref<!tpu.dma_semaphore, #tpu.memory_space<semaphore_mem>>) src(%arg4 : memref<128xi32, #tpu.memory_space<hbm>>) dst(%arg14 : memref<128xi32, #tpu.memory_space<vmem>>)
      tpu.yield
    }) : () -> ()
    %get3A = arith.constant 0 : index
    %get3A_3 = tpu.vector_load %arg14[%get3A] {strides = array<i32>} : memref<128xi32, #tpu.memory_space<vmem>>, vector<16xi32>,
    %get3A_4 = arith.constant 16 : index
    %get3A_5 = tpu.vector_load %arg14[%get3A_4] {strides = array<i32>} : memref<128xi32, #tpu.memory_space<vmem>>, vector<16xi32>,
    %get3A_6 = arith.constant 32 : index
    %get3A_7 = tpu.vector_load %arg14[%get3A_6] {strides = array<i32>} : memref<128xi32, #tpu.memory_space<vmem>>, vector<16xi32>,
    %get3A_8 = arith.constant 48 : index
    %get3A_9 = tpu.vector_load %arg14[%get3A_8] {strides = array<i32>} : memref<128xi32, #tpu.memory_space<vmem>>, vector<16xi32>,
    %get3A_10 = arith.constant 64 : index
    %get3A_11 = tpu.vector_load %arg14[%get3A_10] {strides = array<i32>} : memref<128xi32, #tpu.memory_space<vmem>>, vector<16xi32>,
    %get3A_12 = arith.constant 80 : index
    %get3A_13 = tpu.vector_load %arg14[%get3A_12] {strides = array<i32>} : memref<128xi32, #tpu.memory_space<vmem>>, vector<16xi32>,
    %get3A_14 = arith.constant 96 : index
    %get3A_15 = tpu.vector_load %arg14[%get3A_14] {strides = array<i32>} : memref<128xi32, #tpu.memory_space<vmem>>, vector<16xi32>,
    %get3A_16 = arith.constant 112 : index
    %get3A_17 = tpu.vector_load %arg14[%get3A_16] {strides = array<i32>} : memref<128xi32, #tpu.memory_space<vmem>>, vector<16xi32>,
    %add3A_18 = arith.constant 0 : i32
    %add3A_19 = arith.addi %mul3A_2, %add3A_18 : i32
    %dma_start3A = arith.constant 0 : i32
    %dma_start3A_20 = tpu.memref_slice %arg2[%add3A_19, %dma_start3A] : memref<16384x512xf32, #tpu.memory_space<hbm>> -> memref<16x512xf32, #tpu.memory_space<hbm>>
    %dma_start3A_21 = arith.constant 0 : i32
    %dma_start3A_22 = tpu.memref_slice %arg2[%add3A_19, %dma_start3A_21] : memref<16384x512xf32, #tpu.memory_space<hbm>> -> memref<16x512xf32, #tpu.memory_space<hbm>>
    tpu.enqueue_dma source(%dma_start3A_22 : memref<16x512xf32, #tpu.memory_space<hbm>>) target(%arg6 : memref<16x512xf32, #tpu.memory_space<vmem>>) target_semaphore(%arg15 : memref<!tpu.dma_semaphore, #tpu.memory_space<semaphore_mem>>)
    %add3A_23 = arith.constant 0 : i32
    %add3A_24 = arith.addi %mul3A_2, %add3A_23 : i32
    %dma_start3A_25 = arith.constant 0 : i32
    %dma_start3A_26 = tpu.memref_slice %arg3[%add3A_24, %dma_start3A_25] : memref<16384x512xf32, #tpu.memory_space<hbm>> -> memref<16x512xf32, #tpu.memory_space<hbm>>
    %dma_start3A_27 = arith.constant 0 : i32
    %dma_start3A_28 = tpu.memref_slice %arg3[%add3A_24, %dma_start3A_27] : memref<16384x512xf32, #tpu.memory_space<hbm>> -> memref<16x512xf32, #tpu.memory_space<hbm>>
    tpu.enqueue_dma source(%dma_start3A_28 : memref<16x512xf32, #tpu.memory_space<hbm>>) target(%arg10 : memref<16x512xf32, #tpu.memory_space<vmem>>) target_semaphore(%arg19 : memref<!tpu.dma_semaphore, #tpu.memory_space<semaphore_mem>>)
    %add3A_29 = arith.constant 16 : i32
    %add3A_30 = arith.addi %mul3A_2, %add3A_29 : i32
    %dma_start3A_31 = arith.constant 0 : i32
    %dma_start3A_32 = tpu.memref_slice %arg2[%add3A_30, %dma_start3A_31] : memref<16384x512xf32, #tpu.memory_space<hbm>> -> memref<16x512xf32, #tpu.memory_space<hbm>>
    %dma_start3A_33 = arith.constant 0 : i32
    %dma_start3A_34 = tpu.memref_slice %arg2[%add3A_30, %dma_start3A_33] : memref<16384x512xf32, #tpu.memory_space<hbm>> -> memref<16x512xf32, #tpu.memory_space<hbm>>
    tpu.enqueue_dma source(%dma_start3A_34 : memref<16x512xf32, #tpu.memory_space<hbm>>) target(%arg7 : memref<16x512xf32, #tpu.memory_space<vmem>>) target_semaphore(%arg16 : memref<!tpu.dma_semaphore, #tpu.memory_space<semaphore_mem>>)
    %add3A_35 = arith.constant 16 : i32
    %add3A_36 = arith.addi %mul3A_2, %add3A_35 : i32
    %dma_start3A_37 = arith.constant 0 : i32
    %dma_start3A_38 = tpu.memref_slice %arg3[%add3A_36, %dma_start3A_37] : memref<16384x512xf32, #tpu.memory_space<hbm>> -> memref<16x512xf32, #tpu.memory_space<hbm>>
    %dma_start3A_39 = arith.constant 0 : i32
    %dma_start3A_40 = tpu.memref_slice %arg3[%add3A_36, %dma_start3A_39] : memref<16384x512xf32, #tpu.memory_space<hbm>> -> memref<16x512xf32, #tpu.memory_space<hbm>>
    tpu.enqueue_dma source(%dma_start3A_40 : memref<16x512xf32, #tpu.memory_space<hbm>>) target(%arg11 : memref<16x512xf32, #tpu.memory_space<vmem>>) target_semaphore(%arg20 : memref<!tpu.dma_semaphore, #tpu.memory_space<semaphore_mem>>)
    %scan3A = arith.constant 0 : i32
    %scan3A_41 = arith.constant 0 : i32
    %scan3A_42 = arith.constant 8 : i32
    %scan3A_43 = arith.addi %scan3A_41, %scan3A_42 : i32
    %scan3A_44 = arith.constant 1 : i32
    scf.for %scan3A_57 = %scan3A_41 to %scan3A_43 step %scan3A_44  : i32 {
      %mul3A_58 = arith.constant 4 : i32
      %mul3A_59 = arith.muli %mul3A_58, %scan3A_57 : i32
      %add3A_60 = arith.constant 0 : i32
      %add3A_61 = arith.addi %mul3A_59, %add3A_60 : i32
      %ge3A = arith.constant 2 : i32
      %ge3A_62 = arith.cmpi sge, %add3A_61, %ge3A : i32
      %convert_element_type3A = arith.extui %ge3A_62 : i1 to i32
      %cond3A = arith.constant 0 : i32
      %cond3A_63 = arith.cmpi ne, %convert_element_type3A, %cond3A : i32
      scf.if %cond3A_63 {
        %sub3A = arith.constant 2 : i32
        %sub3A_213 = arith.subi %add3A_61, %sub3A : i32
        %mul3A_214 = arith.constant 16 : i32
        %mul3A_215 = arith.muli %sub3A_213, %mul3A_214 : i32
        %add3A_216 = arith.addi %mul3A_2, %mul3A_215 : i32
        %dma_wait3A_217 = arith.constant 0 : i32
        %dma_wait3A_218 = tpu.memref_slice %arg5[%add3A_216, %dma_wait3A_217] : memref<16384x512xf32, #tpu.memory_space<hbm>> -> memref<16x512xf32, #tpu.memory_space<hbm>>
        %dma_wait3A_219 = arith.constant 0 : i32
        %dma_wait3A_220 = tpu.memref_slice %arg5[%add3A_216, %dma_wait3A_219] : memref<16384x512xf32, #tpu.memory_space<hbm>> -> memref<16x512xf32, #tpu.memory_space<hbm>>
        tpu.wait_dma2 semaphore(%arg25 : memref<!tpu.dma_semaphore, #tpu.memory_space<semaphore_mem>>) src(%arg8 : memref<16x512xf32, #tpu.memory_space<vmem>>) dst(%dma_wait3A_220 : memref<16x512xf32, #tpu.memory_space<hbm>>)
      } else {
      }
      %add3A_64 = arith.constant 2 : i32
      %add3A_65 = arith.addi %add3A_61, %add3A_64 : i32
      %lt3A = arith.constant 32 : i32
      %lt3A_66 = arith.cmpi slt, %add3A_65, %lt3A : i32
      %convert_element_type3A_67 = arith.extui %lt3A_66 : i1 to i32
      %cond3A_68 = arith.constant 0 : i32
      %cond3A_69 = arith.cmpi ne, %convert_element_type3A_67, %cond3A_68 : i32
      scf.if %cond3A_69 {
        %add3A_213 = arith.constant 2 : i32
        %add3A_214 = arith.addi %add3A_61, %add3A_213 : i32
        %mul3A_215 = arith.constant 16 : i32
        %mul3A_216 = arith.muli %add3A_214, %mul3A_215 : i32
        %add3A_217 = arith.addi %mul3A_2, %mul3A_216 : i32
        %dma_start3A_218 = arith.constant 0 : i32
        %dma_start3A_219 = tpu.memref_slice %arg2[%add3A_217, %dma_start3A_218] : memref<16384x512xf32, #tpu.memory_space<hbm>> -> memref<16x512xf32, #tpu.memory_space<hbm>>
        %dma_start3A_220 = arith.constant 0 : i32
        %dma_start3A_221 = tpu.memref_slice %arg2[%add3A_217, %dma_start3A_220] : memref<16384x512xf32, #tpu.memory_space<hbm>> -> memref<16x512xf32, #tpu.memory_space<hbm>>
        tpu.enqueue_dma source(%dma_start3A_221 : memref<16x512xf32, #tpu.memory_space<hbm>>) target(%arg8 : memref<16x512xf32, #tpu.memory_space<vmem>>) target_semaphore(%arg17 : memref<!tpu.dma_semaphore, #tpu.memory_space<semaphore_mem>>)
        %add3A_222 = arith.constant 2 : i32
        %add3A_223 = arith.addi %add3A_61, %add3A_222 : i32
        %mul3A_224 = arith.constant 16 : i32
        %mul3A_225 = arith.muli %add3A_223, %mul3A_224 : i32
        %add3A_226 = arith.addi %mul3A_2, %mul3A_225 : i32
        %dma_start3A_227 = arith.constant 0 : i32
        %dma_start3A_228 = tpu.memref_slice %arg3[%add3A_226, %dma_start3A_227] : memref<16384x512xf32, #tpu.memory_space<hbm>> -> memref<16x512xf32, #tpu.memory_space<hbm>>
        %dma_start3A_229 = arith.constant 0 : i32
        %dma_start3A_230 = tpu.memref_slice %arg3[%add3A_226, %dma_start3A_229] : memref<16384x512xf32, #tpu.memory_space<hbm>> -> memref<16x512xf32, #tpu.memory_space<hbm>>
        tpu.enqueue_dma source(%dma_start3A_230 : memref<16x512xf32, #tpu.memory_space<hbm>>) target(%arg12 : memref<16x512xf32, #tpu.memory_space<vmem>>) target_semaphore(%arg21 : memref<!tpu.dma_semaphore, #tpu.memory_space<semaphore_mem>>)
      } else {
      }
      %mul3A_70 = arith.constant 16 : i32
      %mul3A_71 = arith.muli %add3A_61, %mul3A_70 : i32
      %add3A_72 = arith.addi %mul3A_2, %mul3A_71 : i32
      %dma_wait3A_73 = arith.constant 0 : i32
      %dma_wait3A_74 = tpu.memref_slice %arg2[%add3A_72, %dma_wait3A_73] : memref<16384x512xf32, #tpu.memory_space<hbm>> -> memref<16x512xf32, #tpu.memory_space<hbm>>
      %dma_wait3A_75 = arith.constant 0 : i32
      %dma_wait3A_76 = tpu.memref_slice %arg2[%add3A_72, %dma_wait3A_75] : memref<16384x512xf32, #tpu.memory_space<hbm>> -> memref<16x512xf32, #tpu.memory_space<hbm>>
      tpu.wait_dma2 semaphore(%arg15 : memref<!tpu.dma_semaphore, #tpu.memory_space<semaphore_mem>>) src(%dma_wait3A_76 : memref<16x512xf32, #tpu.memory_space<hbm>>) dst(%arg6 : memref<16x512xf32, #tpu.memory_space<vmem>>)
      %mul3A_77 = arith.constant 16 : i32
      %mul3A_78 = arith.muli %add3A_61, %mul3A_77 : i32
      %add3A_79 = arith.addi %mul3A_2, %mul3A_78 : i32
      %dma_wait3A_80 = arith.constant 0 : i32
      %dma_wait3A_81 = tpu.memref_slice %arg3[%add3A_79, %dma_wait3A_80] : memref<16384x512xf32, #tpu.memory_space<hbm>> -> memref<16x512xf32, #tpu.memory_space<hbm>>
      %dma_wait3A_82 = arith.constant 0 : i32
      %dma_wait3A_83 = tpu.memref_slice %arg3[%add3A_79, %dma_wait3A_82] : memref<16384x512xf32, #tpu.memory_space<hbm>> -> memref<16x512xf32, #tpu.memory_space<hbm>>
      tpu.wait_dma2 semaphore(%arg19 : memref<!tpu.dma_semaphore, #tpu.memory_space<semaphore_mem>>) src(%dma_wait3A_83 : memref<16x512xf32, #tpu.memory_space<hbm>>) dst(%arg10 : memref<16x512xf32, #tpu.memory_space<vmem>>)
      %parallel_loop3A = arith.constant 0 : i32
      %parallel_loop3A_84 = arith.constant 16 : i32
      %parallel_loop3A_85 = arith.constant 1 : i32
      scf.for %parallel_loop3A_213 = %parallel_loop3A to %parallel_loop3A_84 step %parallel_loop3A_85  : i32 {
        %parallel_loop3A_214 = vector.broadcast %parallel_loop3A_213 : i32 to vector<16xi32>
        %parallel_loop3A_215 = tpu.vector_load_idx %arg10[%parallel_loop3A_214, %get3A_3] : memref<16x512xf32, #tpu.memory_space<vmem>>[vector<16xi32>, vector<16xi32>], vector<16xf32>,
        %parallel_loop3A_216 = arith.constant 1.000000e+00 : f32
        %parallel_loop3A_217 = vector.broadcast %parallel_loop3A_216 : f32 to vector<16xf32>
        %parallel_loop3A_218 = arith.subf %parallel_loop3A_217, %parallel_loop3A_215 : vector<16xf32>
        tpu.vector_store_idx %arg6[%parallel_loop3A_214, %get3A_3], %parallel_loop3A_218 : memref<16x512xf32, #tpu.memory_space<vmem>>[vector<16xi32>, vector<16xi32>], vector<16xf32>,
        %parallel_loop3A_219 = tpu.vector_load_idx %arg10[%parallel_loop3A_214, %get3A_5] : memref<16x512xf32, #tpu.memory_space<vmem>>[vector<16xi32>, vector<16xi32>], vector<16xf32>,
        %parallel_loop3A_220 = arith.constant 1.000000e+00 : f32
        %parallel_loop3A_221 = vector.broadcast %parallel_loop3A_220 : f32 to vector<16xf32>
        %parallel_loop3A_222 = arith.subf %parallel_loop3A_221, %parallel_loop3A_219 : vector<16xf32>
        tpu.vector_store_idx %arg6[%parallel_loop3A_214, %get3A_5], %parallel_loop3A_222 : memref<16x512xf32, #tpu.memory_space<vmem>>[vector<16xi32>, vector<16xi32>], vector<16xf32>,
        %parallel_loop3A_223 = tpu.vector_load_idx %arg10[%parallel_loop3A_214, %get3A_7] : memref<16x512xf32, #tpu.memory_space<vmem>>[vector<16xi32>, vector<16xi32>], vector<16xf32>,
        %parallel_loop3A_224 = arith.constant 1.000000e+00 : f32
        %parallel_loop3A_225 = vector.broadcast %parallel_loop3A_224 : f32 to vector<16xf32>
        %parallel_loop3A_226 = arith.subf %parallel_loop3A_225, %parallel_loop3A_223 : vector<16xf32>
        tpu.vector_store_idx %arg6[%parallel_loop3A_214, %get3A_7], %parallel_loop3A_226 : memref<16x512xf32, #tpu.memory_space<vmem>>[vector<16xi32>, vector<16xi32>], vector<16xf32>,
        %parallel_loop3A_227 = tpu.vector_load_idx %arg10[%parallel_loop3A_214, %get3A_9] : memref<16x512xf32, #tpu.memory_space<vmem>>[vector<16xi32>, vector<16xi32>], vector<16xf32>,
        %parallel_loop3A_228 = arith.constant 1.000000e+00 : f32
        %parallel_loop3A_229 = vector.broadcast %parallel_loop3A_228 : f32 to vector<16xf32>
        %parallel_loop3A_230 = arith.subf %parallel_loop3A_229, %parallel_loop3A_227 : vector<16xf32>
        tpu.vector_store_idx %arg6[%parallel_loop3A_214, %get3A_9], %parallel_loop3A_230 : memref<16x512xf32, #tpu.memory_space<vmem>>[vector<16xi32>, vector<16xi32>], vector<16xf32>,
        %parallel_loop3A_231 = tpu.vector_load_idx %arg10[%parallel_loop3A_214, %get3A_11] : memref<16x512xf32, #tpu.memory_space<vmem>>[vector<16xi32>, vector<16xi32>], vector<16xf32>,
        %parallel_loop3A_232 = arith.constant 1.000000e+00 : f32
        %parallel_loop3A_233 = vector.broadcast %parallel_loop3A_232 : f32 to vector<16xf32>
        %parallel_loop3A_234 = arith.subf %parallel_loop3A_233, %parallel_loop3A_231 : vector<16xf32>
        tpu.vector_store_idx %arg6[%parallel_loop3A_214, %get3A_11], %parallel_loop3A_234 : memref<16x512xf32, #tpu.memory_space<vmem>>[vector<16xi32>, vector<16xi32>], vector<16xf32>,
        %parallel_loop3A_235 = tpu.vector_load_idx %arg10[%parallel_loop3A_214, %get3A_13] : memref<16x512xf32, #tpu.memory_space<vmem>>[vector<16xi32>, vector<16xi32>], vector<16xf32>,
        %parallel_loop3A_236 = arith.constant 1.000000e+00 : f32
        %parallel_loop3A_237 = vector.broadcast %parallel_loop3A_236 : f32 to vector<16xf32>
        %parallel_loop3A_238 = arith.subf %parallel_loop3A_237, %parallel_loop3A_235 : vector<16xf32>
        tpu.vector_store_idx %arg6[%parallel_loop3A_214, %get3A_13], %parallel_loop3A_238 : memref<16x512xf32, #tpu.memory_space<vmem>>[vector<16xi32>, vector<16xi32>], vector<16xf32>,
        %parallel_loop3A_239 = tpu.vector_load_idx %arg10[%parallel_loop3A_214, %get3A_15] : memref<16x512xf32, #tpu.memory_space<vmem>>[vector<16xi32>, vector<16xi32>], vector<16xf32>,
        %parallel_loop3A_240 = arith.constant 1.000000e+00 : f32
        %parallel_loop3A_241 = vector.broadcast %parallel_loop3A_240 : f32 to vector<16xf32>
        %parallel_loop3A_242 = arith.subf %parallel_loop3A_241, %parallel_loop3A_239 : vector<16xf32>
        tpu.vector_store_idx %arg6[%parallel_loop3A_214, %get3A_15], %parallel_loop3A_242 : memref<16x512xf32, #tpu.memory_space<vmem>>[vector<16xi32>, vector<16xi32>], vector<16xf32>,
        %parallel_loop3A_243 = tpu.vector_load_idx %arg10[%parallel_loop3A_214, %get3A_17] : memref<16x512xf32, #tpu.memory_space<vmem>>[vector<16xi32>, vector<16xi32>], vector<16xf32>,
        %parallel_loop3A_244 = arith.constant 1.000000e+00 : f32
        %parallel_loop3A_245 = vector.broadcast %parallel_loop3A_244 : f32 to vector<16xf32>
        %parallel_loop3A_246 = arith.subf %parallel_loop3A_245, %parallel_loop3A_243 : vector<16xf32>
        tpu.vector_store_idx %arg6[%parallel_loop3A_214, %get3A_17], %parallel_loop3A_246 : memref<16x512xf32, #tpu.memory_space<vmem>>[vector<16xi32>, vector<16xi32>], vector<16xf32>,
      } {sc.loop_unroll_factor = 4 : i64, sc.parallel_access}
      %mul3A_86 = arith.constant 16 : i32
      %mul3A_87 = arith.muli %add3A_61, %mul3A_86 : i32
      %add3A_88 = arith.addi %mul3A_2, %mul3A_87 : i32
      %dma_start3A_89 = arith.constant 0 : i32
      %dma_start3A_90 = tpu.memref_slice %arg5[%add3A_88, %dma_start3A_89] : memref<16384x512xf32, #tpu.memory_space<hbm>> -> memref<16x512xf32, #tpu.memory_space<hbm>>
      %dma_start3A_91 = arith.constant 0 : i32
      %dma_start3A_92 = tpu.memref_slice %arg5[%add3A_88, %dma_start3A_91] : memref<16384x512xf32, #tpu.memory_space<hbm>> -> memref<16x512xf32, #tpu.memory_space<hbm>>
      tpu.enqueue_dma source(%arg6 : memref<16x512xf32, #tpu.memory_space<vmem>>) target(%dma_start3A_92 : memref<16x512xf32, #tpu.memory_space<hbm>>) target_semaphore(%arg23 : memref<!tpu.dma_semaphore, #tpu.memory_space<semaphore_mem>>)
      %mul3A_93 = arith.constant 4 : i32
      %mul3A_94 = arith.muli %mul3A_93, %scan3A_57 : i32
      %add3A_95 = arith.constant 1 : i32
      %add3A_96 = arith.addi %mul3A_94, %add3A_95 : i32
      %ge3A_97 = arith.constant 2 : i32
      %ge3A_98 = arith.cmpi sge, %add3A_96, %ge3A_97 : i32
      %convert_element_type3A_99 = arith.extui %ge3A_98 : i1 to i32
      %cond3A_100 = arith.constant 0 : i32
      %cond3A_101 = arith.cmpi ne, %convert_element_type3A_99, %cond3A_100 : i32
      scf.if %cond3A_101 {
        %sub3A = arith.constant 2 : i32
        %sub3A_213 = arith.subi %add3A_96, %sub3A : i32
        %mul3A_214 = arith.constant 16 : i32
        %mul3A_215 = arith.muli %sub3A_213, %mul3A_214 : i32
        %add3A_216 = arith.addi %mul3A_2, %mul3A_215 : i32
        %dma_wait3A_217 = arith.constant 0 : i32
        %dma_wait3A_218 = tpu.memref_slice %arg5[%add3A_216, %dma_wait3A_217] : memref<16384x512xf32, #tpu.memory_space<hbm>> -> memref<16x512xf32, #tpu.memory_space<hbm>>
        %dma_wait3A_219 = arith.constant 0 : i32
        %dma_wait3A_220 = tpu.memref_slice %arg5[%add3A_216, %dma_wait3A_219] : memref<16384x512xf32, #tpu.memory_space<hbm>> -> memref<16x512xf32, #tpu.memory_space<hbm>>
        tpu.wait_dma2 semaphore(%arg26 : memref<!tpu.dma_semaphore, #tpu.memory_space<semaphore_mem>>) src(%arg9 : memref<16x512xf32, #tpu.memory_space<vmem>>) dst(%dma_wait3A_220 : memref<16x512xf32, #tpu.memory_space<hbm>>)
      } else {
      }
      %add3A_102 = arith.constant 2 : i32
      %add3A_103 = arith.addi %add3A_96, %add3A_102 : i32
      %lt3A_104 = arith.constant 32 : i32
      %lt3A_105 = arith.cmpi slt, %add3A_103, %lt3A_104 : i32
      %convert_element_type3A_106 = arith.extui %lt3A_105 : i1 to i32
      %cond3A_107 = arith.constant 0 : i32
      %cond3A_108 = arith.cmpi ne, %convert_element_type3A_106, %cond3A_107 : i32
      scf.if %cond3A_108 {
        %add3A_213 = arith.constant 2 : i32
        %add3A_214 = arith.addi %add3A_96, %add3A_213 : i32
        %mul3A_215 = arith.constant 16 : i32
        %mul3A_216 = arith.muli %add3A_214, %mul3A_215 : i32
        %add3A_217 = arith.addi %mul3A_2, %mul3A_216 : i32
        %dma_start3A_218 = arith.constant 0 : i32
        %dma_start3A_219 = tpu.memref_slice %arg2[%add3A_217, %dma_start3A_218] : memref<16384x512xf32, #tpu.memory_space<hbm>> -> memref<16x512xf32, #tpu.memory_space<hbm>>
        %dma_start3A_220 = arith.constant 0 : i32
        %dma_start3A_221 = tpu.memref_slice %arg2[%add3A_217, %dma_start3A_220] : memref<16384x512xf32, #tpu.memory_space<hbm>> -> memref<16x512xf32, #tpu.memory_space<hbm>>
        tpu.enqueue_dma source(%dma_start3A_221 : memref<16x512xf32, #tpu.memory_space<hbm>>) target(%arg9 : memref<16x512xf32, #tpu.memory_space<vmem>>) target_semaphore(%arg18 : memref<!tpu.dma_semaphore, #tpu.memory_space<semaphore_mem>>)
        %add3A_222 = arith.constant 2 : i32
        %add3A_223 = arith.addi %add3A_96, %add3A_222 : i32
        %mul3A_224 = arith.constant 16 : i32
        %mul3A_225 = arith.muli %add3A_223, %mul3A_224 : i32
        %add3A_226 = arith.addi %mul3A_2, %mul3A_225 : i32
        %dma_start3A_227 = arith.constant 0 : i32
        %dma_start3A_228 = tpu.memref_slice %arg3[%add3A_226, %dma_start3A_227] : memref<16384x512xf32, #tpu.memory_space<hbm>> -> memref<16x512xf32, #tpu.memory_space<hbm>>
        %dma_start3A_229 = arith.constant 0 : i32
        %dma_start3A_230 = tpu.memref_slice %arg3[%add3A_226, %dma_start3A_229] : memref<16384x512xf32, #tpu.memory_space<hbm>> -> memref<16x512xf32, #tpu.memory_space<hbm>>
        tpu.enqueue_dma source(%dma_start3A_230 : memref<16x512xf32, #tpu.memory_space<hbm>>) target(%arg13 : memref<16x512xf32, #tpu.memory_space<vmem>>) target_semaphore(%arg22 : memref<!tpu.dma_semaphore, #tpu.memory_space<semaphore_mem>>)
      } else {
      }
      %mul3A_109 = arith.constant 16 : i32
      %mul3A_110 = arith.muli %add3A_96, %mul3A_109 : i32
      %add3A_111 = arith.addi %mul3A_2, %mul3A_110 : i32
      %dma_wait3A_112 = arith.constant 0 : i32
      %dma_wait3A_113 = tpu.memref_slice %arg2[%add3A_111, %dma_wait3A_112] : memref<16384x512xf32, #tpu.memory_space<hbm>> -> memref<16x512xf32, #tpu.memory_space<hbm>>
      %dma_wait3A_114 = arith.constant 0 : i32
      %dma_wait3A_115 = tpu.memref_slice %arg2[%add3A_111, %dma_wait3A_114] : memref<16384x512xf32, #tpu.memory_space<hbm>> -> memref<16x512xf32, #tpu.memory_space<hbm>>
      tpu.wait_dma2 semaphore(%arg16 : memref<!tpu.dma_semaphore, #tpu.memory_space<semaphore_mem>>) src(%dma_wait3A_115 : memref<16x512xf32, #tpu.memory_space<hbm>>) dst(%arg7 : memref<16x512xf32, #tpu.memory_space<vmem>>)
      %mul3A_116 = arith.constant 16 : i32
      %mul3A_117 = arith.muli %add3A_96, %mul3A_116 : i32
      %add3A_118 = arith.addi %mul3A_2, %mul3A_117 : i32
      %dma_wait3A_119 = arith.constant 0 : i32
      %dma_wait3A_120 = tpu.memref_slice %arg3[%add3A_118, %dma_wait3A_119] : memref<16384x512xf32, #tpu.memory_space<hbm>> -> memref<16x512xf32, #tpu.memory_space<hbm>>
      %dma_wait3A_121 = arith.constant 0 : i32
      %dma_wait3A_122 = tpu.memref_slice %arg3[%add3A_118, %dma_wait3A_121] : memref<16384x512xf32, #tpu.memory_space<hbm>> -> memref<16x512xf32, #tpu.memory_space<hbm>>
      tpu.wait_dma2 semaphore(%arg20 : memref<!tpu.dma_semaphore, #tpu.memory_space<semaphore_mem>>) src(%dma_wait3A_122 : memref<16x512xf32, #tpu.memory_space<hbm>>) dst(%arg11 : memref<16x512xf32, #tpu.memory_space<vmem>>)
      %parallel_loop3A_123 = arith.constant 0 : i32
      %parallel_loop3A_124 = arith.constant 16 : i32
      %parallel_loop3A_125 = arith.constant 1 : i32
      scf.for %parallel_loop3A_213 = %parallel_loop3A_123 to %parallel_loop3A_124 step %parallel_loop3A_125  : i32 {
        %parallel_loop3A_214 = vector.broadcast %parallel_loop3A_213 : i32 to vector<16xi32>
        %parallel_loop3A_215 = tpu.vector_load_idx %arg11[%parallel_loop3A_214, %get3A_3] : memref<16x512xf32, #tpu.memory_space<vmem>>[vector<16xi32>, vector<16xi32>], vector<16xf32>,
        %parallel_loop3A_216 = arith.constant 1.000000e+00 : f32
        %parallel_loop3A_217 = vector.broadcast %parallel_loop3A_216 : f32 to vector<16xf32>
        %parallel_loop3A_218 = arith.subf %parallel_loop3A_217, %parallel_loop3A_215 : vector<16xf32>
        tpu.vector_store_idx %arg7[%parallel_loop3A_214, %get3A_3], %parallel_loop3A_218 : memref<16x512xf32, #tpu.memory_space<vmem>>[vector<16xi32>, vector<16xi32>], vector<16xf32>,
        %parallel_loop3A_219 = tpu.vector_load_idx %arg11[%parallel_loop3A_214, %get3A_5] : memref<16x512xf32, #tpu.memory_space<vmem>>[vector<16xi32>, vector<16xi32>], vector<16xf32>,
        %parallel_loop3A_220 = arith.constant 1.000000e+00 : f32
        %parallel_loop3A_221 = vector.broadcast %parallel_loop3A_220 : f32 to vector<16xf32>
        %parallel_loop3A_222 = arith.subf %parallel_loop3A_221, %parallel_loop3A_219 : vector<16xf32>
        tpu.vector_store_idx %arg7[%parallel_loop3A_214, %get3A_5], %parallel_loop3A_222 : memref<16x512xf32, #tpu.memory_space<vmem>>[vector<16xi32>, vector<16xi32>], vector<16xf32>,
        %parallel_loop3A_223 = tpu.vector_load_idx %arg11[%parallel_loop3A_214, %get3A_7] : memref<16x512xf32, #tpu.memory_space<vmem>>[vector<16xi32>, vector<16xi32>], vector<16xf32>,
        %parallel_loop3A_224 = arith.constant 1.000000e+00 : f32
        %parallel_loop3A_225 = vector.broadcast %parallel_loop3A_224 : f32 to vector<16xf32>
        %parallel_loop3A_226 = arith.subf %parallel_loop3A_225, %parallel_loop3A_223 : vector<16xf32>
        tpu.vector_store_idx %arg7[%parallel_loop3A_214, %get3A_7], %parallel_loop3A_226 : memref<16x512xf32, #tpu.memory_space<vmem>>[vector<16xi32>, vector<16xi32>], vector<16xf32>,
        %parallel_loop3A_227 = tpu.vector_load_idx %arg11[%parallel_loop3A_214, %get3A_9] : memref<16x512xf32, #tpu.memory_space<vmem>>[vector<16xi32>, vector<16xi32>], vector<16xf32>,
        %parallel_loop3A_228 = arith.constant 1.000000e+00 : f32
        %parallel_loop3A_229 = vector.broadcast %parallel_loop3A_228 : f32 to vector<16xf32>
        %parallel_loop3A_230 = arith.subf %parallel_loop3A_229, %parallel_loop3A_227 : vector<16xf32>
        tpu.vector_store_idx %arg7[%parallel_loop3A_214, %get3A_9], %parallel_loop3A_230 : memref<16x512xf32, #tpu.memory_space<vmem>>[vector<16xi32>, vector<16xi32>], vector<16xf32>,
        %parallel_loop3A_231 = tpu.vector_load_idx %arg11[%parallel_loop3A_214, %get3A_11] : memref<16x512xf32, #tpu.memory_space<vmem>>[vector<16xi32>, vector<16xi32>], vector<16xf32>,
        %parallel_loop3A_232 = arith.constant 1.000000e+00 : f32
        %parallel_loop3A_233 = vector.broadcast %parallel_loop3A_232 : f32 to vector<16xf32>
        %parallel_loop3A_234 = arith.subf %parallel_loop3A_233, %parallel_loop3A_231 : vector<16xf32>
        tpu.vector_store_idx %arg7[%parallel_loop3A_214, %get3A_11], %parallel_loop3A_234 : memref<16x512xf32, #tpu.memory_space<vmem>>[vector<16xi32>, vector<16xi32>], vector<16xf32>,
        %parallel_loop3A_235 = tpu.vector_load_idx %arg11[%parallel_loop3A_214, %get3A_13] : memref<16x512xf32, #tpu.memory_space<vmem>>[vector<16xi32>, vector<16xi32>], vector<16xf32>,
        %parallel_loop3A_236 = arith.constant 1.000000e+00 : f32
        %parallel_loop3A_237 = vector.broadcast %parallel_loop3A_236 : f32 to vector<16xf32>
        %parallel_loop3A_238 = arith.subf %parallel_loop3A_237, %parallel_loop3A_235 : vector<16xf32>
        tpu.vector_store_idx %arg7[%parallel_loop3A_214, %get3A_13], %parallel_loop3A_238 : memref<16x512xf32, #tpu.memory_space<vmem>>[vector<16xi32>, vector<16xi32>], vector<16xf32>,
        %parallel_loop3A_239 = tpu.vector_load_idx %arg11[%parallel_loop3A_214, %get3A_15] : memref<16x512xf32, #tpu.memory_space<vmem>>[vector<16xi32>, vector<16xi32>], vector<16xf32>,
        %parallel_loop3A_240 = arith.constant 1.000000e+00 : f32
        %parallel_loop3A_241 = vector.broadcast %parallel_loop3A_240 : f32 to vector<16xf32>
        %parallel_loop3A_242 = arith.subf %parallel_loop3A_241, %parallel_loop3A_239 : vector<16xf32>
        tpu.vector_store_idx %arg7[%parallel_loop3A_214, %get3A_15], %parallel_loop3A_242 : memref<16x512xf32, #tpu.memory_space<vmem>>[vector<16xi32>, vector<16xi32>], vector<16xf32>,
        %parallel_loop3A_243 = tpu.vector_load_idx %arg11[%parallel_loop3A_214, %get3A_17] : memref<16x512xf32, #tpu.memory_space<vmem>>[vector<16xi32>, vector<16xi32>], vector<16xf32>,
        %parallel_loop3A_244 = arith.constant 1.000000e+00 : f32
        %parallel_loop3A_245 = vector.broadcast %parallel_loop3A_244 : f32 to vector<16xf32>
        %parallel_loop3A_246 = arith.subf %parallel_loop3A_245, %parallel_loop3A_243 : vector<16xf32>
        tpu.vector_store_idx %arg7[%parallel_loop3A_214, %get3A_17], %parallel_loop3A_246 : memref<16x512xf32, #tpu.memory_space<vmem>>[vector<16xi32>, vector<16xi32>], vector<16xf32>,
      } {sc.loop_unroll_factor = 4 : i64, sc.parallel_access}
      %mul3A_126 = arith.constant 16 : i32
      %mul3A_127 = arith.muli %add3A_96, %mul3A_126 : i32
      %add3A_128 = arith.addi %mul3A_2, %mul3A_127 : i32
      %dma_start3A_129 = arith.constant 0 : i32
      %dma_start3A_130 = tpu.memref_slice %arg5[%add3A_128, %dma_start3A_129] : memref<16384x512xf32, #tpu.memory_space<hbm>> -> memref<16x512xf32, #tpu.memory_space<hbm>>
      %dma_start3A_131 = arith.constant 0 : i32
      %dma_start3A_132 = tpu.memref_slice %arg5[%add3A_128, %dma_start3A_131] : memref<16384x512xf32, #tpu.memory_space<hbm>> -> memref<16x512xf32, #tpu.memory_space<hbm>>
      tpu.enqueue_dma source(%arg7 : memref<16x512xf32, #tpu.memory_space<vmem>>) target(%dma_start3A_132 : memref<16x512xf32, #tpu.memory_space<hbm>>) target_semaphore(%arg24 : memref<!tpu.dma_semaphore, #tpu.memory_space<semaphore_mem>>)
      %mul3A_133 = arith.constant 4 : i32
      %mul3A_134 = arith.muli %mul3A_133, %scan3A_57 : i32
      %add3A_135 = arith.constant 2 : i32
      %add3A_136 = arith.addi %mul3A_134, %add3A_135 : i32
      %ge3A_137 = arith.constant 2 : i32
      %ge3A_138 = arith.cmpi sge, %add3A_136, %ge3A_137 : i32
      %convert_element_type3A_139 = arith.extui %ge3A_138 : i1 to i32
      %cond3A_140 = arith.constant 0 : i32
      %cond3A_141 = arith.cmpi ne, %convert_element_type3A_139, %cond3A_140 : i32
      scf.if %cond3A_141 {
        %sub3A = arith.constant 2 : i32
        %sub3A_213 = arith.subi %add3A_136, %sub3A : i32
        %mul3A_214 = arith.constant 16 : i32
        %mul3A_215 = arith.muli %sub3A_213, %mul3A_214 : i32
        %add3A_216 = arith.addi %mul3A_2, %mul3A_215 : i32
        %dma_wait3A_217 = arith.constant 0 : i32
        %dma_wait3A_218 = tpu.memref_slice %arg5[%add3A_216, %dma_wait3A_217] : memref<16384x512xf32, #tpu.memory_space<hbm>> -> memref<16x512xf32, #tpu.memory_space<hbm>>
        %dma_wait3A_219 = arith.constant 0 : i32
        %dma_wait3A_220 = tpu.memref_slice %arg5[%add3A_216, %dma_wait3A_219] : memref<16384x512xf32, #tpu.memory_space<hbm>> -> memref<16x512xf32, #tpu.memory_space<hbm>>
        tpu.wait_dma2 semaphore(%arg23 : memref<!tpu.dma_semaphore, #tpu.memory_space<semaphore_mem>>) src(%arg6 : memref<16x512xf32, #tpu.memory_space<vmem>>) dst(%dma_wait3A_220 : memref<16x512xf32, #tpu.memory_space<hbm>>)
      } else {
      }
      %add3A_142 = arith.constant 2 : i32
      %add3A_143 = arith.addi %add3A_136, %add3A_142 : i32
      %lt3A_144 = arith.constant 32 : i32
      %lt3A_145 = arith.cmpi slt, %add3A_143, %lt3A_144 : i32
      %convert_element_type3A_146 = arith.extui %lt3A_145 : i1 to i32
      %cond3A_147 = arith.constant 0 : i32
      %cond3A_148 = arith.cmpi ne, %convert_element_type3A_146, %cond3A_147 : i32
      scf.if %cond3A_148 {
        %add3A_213 = arith.constant 2 : i32
        %add3A_214 = arith.addi %add3A_136, %add3A_213 : i32
        %mul3A_215 = arith.constant 16 : i32
        %mul3A_216 = arith.muli %add3A_214, %mul3A_215 : i32
        %add3A_217 = arith.addi %mul3A_2, %mul3A_216 : i32
        %dma_start3A_218 = arith.constant 0 : i32
        %dma_start3A_219 = tpu.memref_slice %arg2[%add3A_217, %dma_start3A_218] : memref<16384x512xf32, #tpu.memory_space<hbm>> -> memref<16x512xf32, #tpu.memory_space<hbm>>
        %dma_start3A_220 = arith.constant 0 : i32
        %dma_start3A_221 = tpu.memref_slice %arg2[%add3A_217, %dma_start3A_220] : memref<16384x512xf32, #tpu.memory_space<hbm>> -> memref<16x512xf32, #tpu.memory_space<hbm>>
        tpu.enqueue_dma source(%dma_start3A_221 : memref<16x512xf32, #tpu.memory_space<hbm>>) target(%arg6 : memref<16x512xf32, #tpu.memory_space<vmem>>) target_semaphore(%arg15 : memref<!tpu.dma_semaphore, #tpu.memory_space<semaphore_mem>>)
        %add3A_222 = arith.constant 2 : i32
        %add3A_223 = arith.addi %add3A_136, %add3A_222 : i32
        %mul3A_224 = arith.constant 16 : i32
        %mul3A_225 = arith.muli %add3A_223, %mul3A_224 : i32
        %add3A_226 = arith.addi %mul3A_2, %mul3A_225 : i32
        %dma_start3A_227 = arith.constant 0 : i32
        %dma_start3A_228 = tpu.memref_slice %arg3[%add3A_226, %dma_start3A_227] : memref<16384x512xf32, #tpu.memory_space<hbm>> -> memref<16x512xf32, #tpu.memory_space<hbm>>
        %dma_start3A_229 = arith.constant 0 : i32
        %dma_start3A_230 = tpu.memref_slice %arg3[%add3A_226, %dma_start3A_229] : memref<16384x512xf32, #tpu.memory_space<hbm>> -> memref<16x512xf32, #tpu.memory_space<hbm>>
        tpu.enqueue_dma source(%dma_start3A_230 : memref<16x512xf32, #tpu.memory_space<hbm>>) target(%arg10 : memref<16x512xf32, #tpu.memory_space<vmem>>) target_semaphore(%arg19 : memref<!tpu.dma_semaphore, #tpu.memory_space<semaphore_mem>>)
      } else {
      }
      %mul3A_149 = arith.constant 16 : i32
      %mul3A_150 = arith.muli %add3A_136, %mul3A_149 : i32
      %add3A_151 = arith.addi %mul3A_2, %mul3A_150 : i32
      %dma_wait3A_152 = arith.constant 0 : i32
      %dma_wait3A_153 = tpu.memref_slice %arg2[%add3A_151, %dma_wait3A_152] : memref<16384x512xf32, #tpu.memory_space<hbm>> -> memref<16x512xf32, #tpu.memory_space<hbm>>
      %dma_wait3A_154 = arith.constant 0 : i32
      %dma_wait3A_155 = tpu.memref_slice %arg2[%add3A_151, %dma_wait3A_154] : memref<16384x512xf32, #tpu.memory_space<hbm>> -> memref<16x512xf32, #tpu.memory_space<hbm>>
      tpu.wait_dma2 semaphore(%arg17 : memref<!tpu.dma_semaphore, #tpu.memory_space<semaphore_mem>>) src(%dma_wait3A_155 : memref<16x512xf32, #tpu.memory_space<hbm>>) dst(%arg8 : memref<16x512xf32, #tpu.memory_space<vmem>>)
      %mul3A_156 = arith.constant 16 : i32
      %mul3A_157 = arith.muli %add3A_136, %mul3A_156 : i32
      %add3A_158 = arith.addi %mul3A_2, %mul3A_157 : i32
      %dma_wait3A_159 = arith.constant 0 : i32
      %dma_wait3A_160 = tpu.memref_slice %arg3[%add3A_158, %dma_wait3A_159] : memref<16384x512xf32, #tpu.memory_space<hbm>> -> memref<16x512xf32, #tpu.memory_space<hbm>>
      %dma_wait3A_161 = arith.constant 0 : i32
      %dma_wait3A_162 = tpu.memref_slice %arg3[%add3A_158, %dma_wait3A_161] : memref<16384x512xf32, #tpu.memory_space<hbm>> -> memref<16x512xf32, #tpu.memory_space<hbm>>
      tpu.wait_dma2 semaphore(%arg21 : memref<!tpu.dma_semaphore, #tpu.memory_space<semaphore_mem>>) src(%dma_wait3A_162 : memref<16x512xf32, #tpu.memory_space<hbm>>) dst(%arg12 : memref<16x512xf32, #tpu.memory_space<vmem>>)
      %parallel_loop3A_163 = arith.constant 0 : i32
      %parallel_loop3A_164 = arith.constant 16 : i32
      %parallel_loop3A_165 = arith.constant 1 : i32
      scf.for %parallel_loop3A_213 = %parallel_loop3A_163 to %parallel_loop3A_164 step %parallel_loop3A_165  : i32 {
        %parallel_loop3A_214 = vector.broadcast %parallel_loop3A_213 : i32 to vector<16xi32>
        %parallel_loop3A_215 = tpu.vector_load_idx %arg12[%parallel_loop3A_214, %get3A_3] : memref<16x512xf32, #tpu.memory_space<vmem>>[vector<16xi32>, vector<16xi32>], vector<16xf32>,
        %parallel_loop3A_216 = arith.constant 1.000000e+00 : f32
        %parallel_loop3A_217 = vector.broadcast %parallel_loop3A_216 : f32 to vector<16xf32>
        %parallel_loop3A_218 = arith.subf %parallel_loop3A_217, %parallel_loop3A_215 : vector<16xf32>
        tpu.vector_store_idx %arg8[%parallel_loop3A_214, %get3A_3], %parallel_loop3A_218 : memref<16x512xf32, #tpu.memory_space<vmem>>[vector<16xi32>, vector<16xi32>], vector<16xf32>,
        %parallel_loop3A_219 = tpu.vector_load_idx %arg12[%parallel_loop3A_214, %get3A_5] : memref<16x512xf32, #tpu.memory_space<vmem>>[vector<16xi32>, vector<16xi32>], vector<16xf32>,
        %parallel_loop3A_220 = arith.constant 1.000000e+00 : f32
        %parallel_loop3A_221 = vector.broadcast %parallel_loop3A_220 : f32 to vector<16xf32>
        %parallel_loop3A_222 = arith.subf %parallel_loop3A_221, %parallel_loop3A_219 : vector<16xf32>
        tpu.vector_store_idx %arg8[%parallel_loop3A_214, %get3A_5], %parallel_loop3A_222 : memref<16x512xf32, #tpu.memory_space<vmem>>[vector<16xi32>, vector<16xi32>], vector<16xf32>,
        %parallel_loop3A_223 = tpu.vector_load_idx %arg12[%parallel_loop3A_214, %get3A_7] : memref<16x512xf32, #tpu.memory_space<vmem>>[vector<16xi32>, vector<16xi32>], vector<16xf32>,
        %parallel_loop3A_224 = arith.constant 1.000000e+00 : f32
        %parallel_loop3A_225 = vector.broadcast %parallel_loop3A_224 : f32 to vector<16xf32>
        %parallel_loop3A_226 = arith.subf %parallel_loop3A_225, %parallel_loop3A_223 : vector<16xf32>
        tpu.vector_store_idx %arg8[%parallel_loop3A_214, %get3A_7], %parallel_loop3A_226 : memref<16x512xf32, #tpu.memory_space<vmem>>[vector<16xi32>, vector<16xi32>], vector<16xf32>,
        %parallel_loop3A_227 = tpu.vector_load_idx %arg12[%parallel_loop3A_214, %get3A_9] : memref<16x512xf32, #tpu.memory_space<vmem>>[vector<16xi32>, vector<16xi32>], vector<16xf32>,
        %parallel_loop3A_228 = arith.constant 1.000000e+00 : f32
        %parallel_loop3A_229 = vector.broadcast %parallel_loop3A_228 : f32 to vector<16xf32>
        %parallel_loop3A_230 = arith.subf %parallel_loop3A_229, %parallel_loop3A_227 : vector<16xf32>
        tpu.vector_store_idx %arg8[%parallel_loop3A_214, %get3A_9], %parallel_loop3A_230 : memref<16x512xf32, #tpu.memory_space<vmem>>[vector<16xi32>, vector<16xi32>], vector<16xf32>,
        %parallel_loop3A_231 = tpu.vector_load_idx %arg12[%parallel_loop3A_214, %get3A_11] : memref<16x512xf32, #tpu.memory_space<vmem>>[vector<16xi32>, vector<16xi32>], vector<16xf32>,
        %parallel_loop3A_232 = arith.constant 1.000000e+00 : f32
        %parallel_loop3A_233 = vector.broadcast %parallel_loop3A_232 : f32 to vector<16xf32>
        %parallel_loop3A_234 = arith.subf %parallel_loop3A_233, %parallel_loop3A_231 : vector<16xf32>
        tpu.vector_store_idx %arg8[%parallel_loop3A_214, %get3A_11], %parallel_loop3A_234 : memref<16x512xf32, #tpu.memory_space<vmem>>[vector<16xi32>, vector<16xi32>], vector<16xf32>,
        %parallel_loop3A_235 = tpu.vector_load_idx %arg12[%parallel_loop3A_214, %get3A_13] : memref<16x512xf32, #tpu.memory_space<vmem>>[vector<16xi32>, vector<16xi32>], vector<16xf32>,
        %parallel_loop3A_236 = arith.constant 1.000000e+00 : f32
        %parallel_loop3A_237 = vector.broadcast %parallel_loop3A_236 : f32 to vector<16xf32>
        %parallel_loop3A_238 = arith.subf %parallel_loop3A_237, %parallel_loop3A_235 : vector<16xf32>
        tpu.vector_store_idx %arg8[%parallel_loop3A_214, %get3A_13], %parallel_loop3A_238 : memref<16x512xf32, #tpu.memory_space<vmem>>[vector<16xi32>, vector<16xi32>], vector<16xf32>,
        %parallel_loop3A_239 = tpu.vector_load_idx %arg12[%parallel_loop3A_214, %get3A_15] : memref<16x512xf32, #tpu.memory_space<vmem>>[vector<16xi32>, vector<16xi32>], vector<16xf32>,
        %parallel_loop3A_240 = arith.constant 1.000000e+00 : f32
        %parallel_loop3A_241 = vector.broadcast %parallel_loop3A_240 : f32 to vector<16xf32>
        %parallel_loop3A_242 = arith.subf %parallel_loop3A_241, %parallel_loop3A_239 : vector<16xf32>
        tpu.vector_store_idx %arg8[%parallel_loop3A_214, %get3A_15], %parallel_loop3A_242 : memref<16x512xf32, #tpu.memory_space<vmem>>[vector<16xi32>, vector<16xi32>], vector<16xf32>,
        %parallel_loop3A_243 = tpu.vector_load_idx %arg12[%parallel_loop3A_214, %get3A_17] : memref<16x512xf32, #tpu.memory_space<vmem>>[vector<16xi32>, vector<16xi32>], vector<16xf32>,
        %parallel_loop3A_244 = arith.constant 1.000000e+00 : f32
        %parallel_loop3A_245 = vector.broadcast %parallel_loop3A_244 : f32 to vector<16xf32>
        %parallel_loop3A_246 = arith.subf %parallel_loop3A_245, %parallel_loop3A_243 : vector<16xf32>
        tpu.vector_store_idx %arg8[%parallel_loop3A_214, %get3A_17], %parallel_loop3A_246 : memref<16x512xf32, #tpu.memory_space<vmem>>[vector<16xi32>, vector<16xi32>], vector<16xf32>,
      } {sc.loop_unroll_factor = 4 : i64, sc.parallel_access}
      %mul3A_166 = arith.constant 16 : i32
      %mul3A_167 = arith.muli %add3A_136, %mul3A_166 : i32
      %add3A_168 = arith.addi %mul3A_2, %mul3A_167 : i32
      %dma_start3A_169 = arith.constant 0 : i32
      %dma_start3A_170 = tpu.memref_slice %arg5[%add3A_168, %dma_start3A_169] : memref<16384x512xf32, #tpu.memory_space<hbm>> -> memref<16x512xf32, #tpu.memory_space<hbm>>
      %dma_start3A_171 = arith.constant 0 : i32
      %dma_start3A_172 = tpu.memref_slice %arg5[%add3A_168, %dma_start3A_171] : memref<16384x512xf32, #tpu.memory_space<hbm>> -> memref<16x512xf32, #tpu.memory_space<hbm>>
      tpu.enqueue_dma source(%arg8 : memref<16x512xf32, #tpu.memory_space<vmem>>) target(%dma_start3A_172 : memref<16x512xf32, #tpu.memory_space<hbm>>) target_semaphore(%arg25 : memref<!tpu.dma_semaphore, #tpu.memory_space<semaphore_mem>>)
      %mul3A_173 = arith.constant 4 : i32
      %mul3A_174 = arith.muli %mul3A_173, %scan3A_57 : i32
      %add3A_175 = arith.constant 3 : i32
      %add3A_176 = arith.addi %mul3A_174, %add3A_175 : i32
      %ge3A_177 = arith.constant 2 : i32
      %ge3A_178 = arith.cmpi sge, %add3A_176, %ge3A_177 : i32
      %convert_element_type3A_179 = arith.extui %ge3A_178 : i1 to i32
      %cond3A_180 = arith.constant 0 : i32
      %cond3A_181 = arith.cmpi ne, %convert_element_type3A_179, %cond3A_180 : i32
      scf.if %cond3A_181 {
        %sub3A = arith.constant 2 : i32
        %sub3A_213 = arith.subi %add3A_176, %sub3A : i32
        %mul3A_214 = arith.constant 16 : i32
        %mul3A_215 = arith.muli %sub3A_213, %mul3A_214 : i32
        %add3A_216 = arith.addi %mul3A_2, %mul3A_215 : i32
        %dma_wait3A_217 = arith.constant 0 : i32
        %dma_wait3A_218 = tpu.memref_slice %arg5[%add3A_216, %dma_wait3A_217] : memref<16384x512xf32, #tpu.memory_space<hbm>> -> memref<16x512xf32, #tpu.memory_space<hbm>>
        %dma_wait3A_219 = arith.constant 0 : i32
        %dma_wait3A_220 = tpu.memref_slice %arg5[%add3A_216, %dma_wait3A_219] : memref<16384x512xf32, #tpu.memory_space<hbm>> -> memref<16x512xf32, #tpu.memory_space<hbm>>
        tpu.wait_dma2 semaphore(%arg24 : memref<!tpu.dma_semaphore, #tpu.memory_space<semaphore_mem>>) src(%arg7 : memref<16x512xf32, #tpu.memory_space<vmem>>) dst(%dma_wait3A_220 : memref<16x512xf32, #tpu.memory_space<hbm>>)
      } else {
      }
      %add3A_182 = arith.constant 2 : i32
      %add3A_183 = arith.addi %add3A_176, %add3A_182 : i32
      %lt3A_184 = arith.constant 32 : i32
      %lt3A_185 = arith.cmpi slt, %add3A_183, %lt3A_184 : i32
      %convert_element_type3A_186 = arith.extui %lt3A_185 : i1 to i32
      %cond3A_187 = arith.constant 0 : i32
      %cond3A_188 = arith.cmpi ne, %convert_element_type3A_186, %cond3A_187 : i32
      scf.if %cond3A_188 {
        %add3A_213 = arith.constant 2 : i32
        %add3A_214 = arith.addi %add3A_176, %add3A_213 : i32
        %mul3A_215 = arith.constant 16 : i32
        %mul3A_216 = arith.muli %add3A_214, %mul3A_215 : i32
        %add3A_217 = arith.addi %mul3A_2, %mul3A_216 : i32
        %dma_start3A_218 = arith.constant 0 : i32
        %dma_start3A_219 = tpu.memref_slice %arg2[%add3A_217, %dma_start3A_218] : memref<16384x512xf32, #tpu.memory_space<hbm>> -> memref<16x512xf32, #tpu.memory_space<hbm>>
        %dma_start3A_220 = arith.constant 0 : i32
        %dma_start3A_221 = tpu.memref_slice %arg2[%add3A_217, %dma_start3A_220] : memref<16384x512xf32, #tpu.memory_space<hbm>> -> memref<16x512xf32, #tpu.memory_space<hbm>>
        tpu.enqueue_dma source(%dma_start3A_221 : memref<16x512xf32, #tpu.memory_space<hbm>>) target(%arg7 : memref<16x512xf32, #tpu.memory_space<vmem>>) target_semaphore(%arg16 : memref<!tpu.dma_semaphore, #tpu.memory_space<semaphore_mem>>)
        %add3A_222 = arith.constant 2 : i32
        %add3A_223 = arith.addi %add3A_176, %add3A_222 : i32
        %mul3A_224 = arith.constant 16 : i32
        %mul3A_225 = arith.muli %add3A_223, %mul3A_224 : i32
        %add3A_226 = arith.addi %mul3A_2, %mul3A_225 : i32
        %dma_start3A_227 = arith.constant 0 : i32
        %dma_start3A_228 = tpu.memref_slice %arg3[%add3A_226, %dma_start3A_227] : memref<16384x512xf32, #tpu.memory_space<hbm>> -> memref<16x512xf32, #tpu.memory_space<hbm>>
        %dma_start3A_229 = arith.constant 0 : i32
        %dma_start3A_230 = tpu.memref_slice %arg3[%add3A_226, %dma_start3A_229] : memref<16384x512xf32, #tpu.memory_space<hbm>> -> memref<16x512xf32, #tpu.memory_space<hbm>>
        tpu.enqueue_dma source(%dma_start3A_230 : memref<16x512xf32, #tpu.memory_space<hbm>>) target(%arg11 : memref<16x512xf32, #tpu.memory_space<vmem>>) target_semaphore(%arg20 : memref<!tpu.dma_semaphore, #tpu.memory_space<semaphore_mem>>)
      } else {
      }
      %mul3A_189 = arith.constant 16 : i32
      %mul3A_190 = arith.muli %add3A_176, %mul3A_189 : i32
      %add3A_191 = arith.addi %mul3A_2, %mul3A_190 : i32
      %dma_wait3A_192 = arith.constant 0 : i32
      %dma_wait3A_193 = tpu.memref_slice %arg2[%add3A_191, %dma_wait3A_192] : memref<16384x512xf32, #tpu.memory_space<hbm>> -> memref<16x512xf32, #tpu.memory_space<hbm>>
      %dma_wait3A_194 = arith.constant 0 : i32
      %dma_wait3A_195 = tpu.memref_slice %arg2[%add3A_191, %dma_wait3A_194] : memref<16384x512xf32, #tpu.memory_space<hbm>> -> memref<16x512xf32, #tpu.memory_space<hbm>>
      tpu.wait_dma2 semaphore(%arg18 : memref<!tpu.dma_semaphore, #tpu.memory_space<semaphore_mem>>) src(%dma_wait3A_195 : memref<16x512xf32, #tpu.memory_space<hbm>>) dst(%arg9 : memref<16x512xf32, #tpu.memory_space<vmem>>)
      %mul3A_196 = arith.constant 16 : i32
      %mul3A_197 = arith.muli %add3A_176, %mul3A_196 : i32
      %add3A_198 = arith.addi %mul3A_2, %mul3A_197 : i32
      %dma_wait3A_199 = arith.constant 0 : i32
      %dma_wait3A_200 = tpu.memref_slice %arg3[%add3A_198, %dma_wait3A_199] : memref<16384x512xf32, #tpu.memory_space<hbm>> -> memref<16x512xf32, #tpu.memory_space<hbm>>
      %dma_wait3A_201 = arith.constant 0 : i32
      %dma_wait3A_202 = tpu.memref_slice %arg3[%add3A_198, %dma_wait3A_201] : memref<16384x512xf32, #tpu.memory_space<hbm>> -> memref<16x512xf32, #tpu.memory_space<hbm>>
      tpu.wait_dma2 semaphore(%arg22 : memref<!tpu.dma_semaphore, #tpu.memory_space<semaphore_mem>>) src(%dma_wait3A_202 : memref<16x512xf32, #tpu.memory_space<hbm>>) dst(%arg13 : memref<16x512xf32, #tpu.memory_space<vmem>>)
      %parallel_loop3A_203 = arith.constant 0 : i32
      %parallel_loop3A_204 = arith.constant 16 : i32
      %parallel_loop3A_205 = arith.constant 1 : i32
      scf.for %parallel_loop3A_213 = %parallel_loop3A_203 to %parallel_loop3A_204 step %parallel_loop3A_205  : i32 {
        %parallel_loop3A_214 = vector.broadcast %parallel_loop3A_213 : i32 to vector<16xi32>
        %parallel_loop3A_215 = tpu.vector_load_idx %arg13[%parallel_loop3A_214, %get3A_3] : memref<16x512xf32, #tpu.memory_space<vmem>>[vector<16xi32>, vector<16xi32>], vector<16xf32>,
        %parallel_loop3A_216 = arith.constant 1.000000e+00 : f32
        %parallel_loop3A_217 = vector.broadcast %parallel_loop3A_216 : f32 to vector<16xf32>
        %parallel_loop3A_218 = arith.subf %parallel_loop3A_217, %parallel_loop3A_215 : vector<16xf32>
        tpu.vector_store_idx %arg9[%parallel_loop3A_214, %get3A_3], %parallel_loop3A_218 : memref<16x512xf32, #tpu.memory_space<vmem>>[vector<16xi32>, vector<16xi32>], vector<16xf32>,
        %parallel_loop3A_219 = tpu.vector_load_idx %arg13[%parallel_loop3A_214, %get3A_5] : memref<16x512xf32, #tpu.memory_space<vmem>>[vector<16xi32>, vector<16xi32>], vector<16xf32>,
        %parallel_loop3A_220 = arith.constant 1.000000e+00 : f32
        %parallel_loop3A_221 = vector.broadcast %parallel_loop3A_220 : f32 to vector<16xf32>
        %parallel_loop3A_222 = arith.subf %parallel_loop3A_221, %parallel_loop3A_219 : vector<16xf32>
        tpu.vector_store_idx %arg9[%parallel_loop3A_214, %get3A_5], %parallel_loop3A_222 : memref<16x512xf32, #tpu.memory_space<vmem>>[vector<16xi32>, vector<16xi32>], vector<16xf32>,
        %parallel_loop3A_223 = tpu.vector_load_idx %arg13[%parallel_loop3A_214, %get3A_7] : memref<16x512xf32, #tpu.memory_space<vmem>>[vector<16xi32>, vector<16xi32>], vector<16xf32>,
        %parallel_loop3A_224 = arith.constant 1.000000e+00 : f32
        %parallel_loop3A_225 = vector.broadcast %parallel_loop3A_224 : f32 to vector<16xf32>
        %parallel_loop3A_226 = arith.subf %parallel_loop3A_225, %parallel_loop3A_223 : vector<16xf32>
        tpu.vector_store_idx %arg9[%parallel_loop3A_214, %get3A_7], %parallel_loop3A_226 : memref<16x512xf32, #tpu.memory_space<vmem>>[vector<16xi32>, vector<16xi32>], vector<16xf32>,
        %parallel_loop3A_227 = tpu.vector_load_idx %arg13[%parallel_loop3A_214, %get3A_9] : memref<16x512xf32, #tpu.memory_space<vmem>>[vector<16xi32>, vector<16xi32>], vector<16xf32>,
        %parallel_loop3A_228 = arith.constant 1.000000e+00 : f32
        %parallel_loop3A_229 = vector.broadcast %parallel_loop3A_228 : f32 to vector<16xf32>
        %parallel_loop3A_230 = arith.subf %parallel_loop3A_229, %parallel_loop3A_227 : vector<16xf32>
        tpu.vector_store_idx %arg9[%parallel_loop3A_214, %get3A_9], %parallel_loop3A_230 : memref<16x512xf32, #tpu.memory_space<vmem>>[vector<16xi32>, vector<16xi32>], vector<16xf32>,
        %parallel_loop3A_231 = tpu.vector_load_idx %arg13[%parallel_loop3A_214, %get3A_11] : memref<16x512xf32, #tpu.memory_space<vmem>>[vector<16xi32>, vector<16xi32>], vector<16xf32>,
        %parallel_loop3A_232 = arith.constant 1.000000e+00 : f32
        %parallel_loop3A_233 = vector.broadcast %parallel_loop3A_232 : f32 to vector<16xf32>
        %parallel_loop3A_234 = arith.subf %parallel_loop3A_233, %parallel_loop3A_231 : vector<16xf32>
        tpu.vector_store_idx %arg9[%parallel_loop3A_214, %get3A_11], %parallel_loop3A_234 : memref<16x512xf32, #tpu.memory_space<vmem>>[vector<16xi32>, vector<16xi32>], vector<16xf32>,
        %parallel_loop3A_235 = tpu.vector_load_idx %arg13[%parallel_loop3A_214, %get3A_13] : memref<16x512xf32, #tpu.memory_space<vmem>>[vector<16xi32>, vector<16xi32>], vector<16xf32>,
        %parallel_loop3A_236 = arith.constant 1.000000e+00 : f32
        %parallel_loop3A_237 = vector.broadcast %parallel_loop3A_236 : f32 to vector<16xf32>
        %parallel_loop3A_238 = arith.subf %parallel_loop3A_237, %parallel_loop3A_235 : vector<16xf32>
        tpu.vector_store_idx %arg9[%parallel_loop3A_214, %get3A_13], %parallel_loop3A_238 : memref<16x512xf32, #tpu.memory_space<vmem>>[vector<16xi32>, vector<16xi32>], vector<16xf32>,
        %parallel_loop3A_239 = tpu.vector_load_idx %arg13[%parallel_loop3A_214, %get3A_15] : memref<16x512xf32, #tpu.memory_space<vmem>>[vector<16xi32>, vector<16xi32>], vector<16xf32>,
        %parallel_loop3A_240 = arith.constant 1.000000e+00 : f32
        %parallel_loop3A_241 = vector.broadcast %parallel_loop3A_240 : f32 to vector<16xf32>
        %parallel_loop3A_242 = arith.subf %parallel_loop3A_241, %parallel_loop3A_239 : vector<16xf32>
        tpu.vector_store_idx %arg9[%parallel_loop3A_214, %get3A_15], %parallel_loop3A_242 : memref<16x512xf32, #tpu.memory_space<vmem>>[vector<16xi32>, vector<16xi32>], vector<16xf32>,
        %parallel_loop3A_243 = tpu.vector_load_idx %arg13[%parallel_loop3A_214, %get3A_17] : memref<16x512xf32, #tpu.memory_space<vmem>>[vector<16xi32>, vector<16xi32>], vector<16xf32>,
        %parallel_loop3A_244 = arith.constant 1.000000e+00 : f32
        %parallel_loop3A_245 = vector.broadcast %parallel_loop3A_244 : f32 to vector<16xf32>
        %parallel_loop3A_246 = arith.subf %parallel_loop3A_245, %parallel_loop3A_243 : vector<16xf32>
        tpu.vector_store_idx %arg9[%parallel_loop3A_214, %get3A_17], %parallel_loop3A_246 : memref<16x512xf32, #tpu.memory_space<vmem>>[vector<16xi32>, vector<16xi32>], vector<16xf32>,
      } {sc.loop_unroll_factor = 4 : i64, sc.parallel_access}
      %mul3A_206 = arith.constant 16 : i32
      %mul3A_207 = arith.muli %add3A_176, %mul3A_206 : i32
      %add3A_208 = arith.addi %mul3A_2, %mul3A_207 : i32
      %dma_start3A_209 = arith.constant 0 : i32
      %dma_start3A_210 = tpu.memref_slice %arg5[%add3A_208, %dma_start3A_209] : memref<16384x512xf32, #tpu.memory_space<hbm>> -> memref<16x512xf32, #tpu.memory_space<hbm>>
      %dma_start3A_211 = arith.constant 0 : i32
      %dma_start3A_212 = tpu.memref_slice %arg5[%add3A_208, %dma_start3A_211] : memref<16384x512xf32, #tpu.memory_space<hbm>> -> memref<16x512xf32, #tpu.memory_space<hbm>>
      tpu.enqueue_dma source(%arg9 : memref<16x512xf32, #tpu.memory_space<vmem>>) target(%dma_start3A_212 : memref<16x512xf32, #tpu.memory_space<hbm>>) target_semaphore(%arg26 : memref<!tpu.dma_semaphore, #tpu.memory_space<semaphore_mem>>)
    }
    %scan3A_45 = arith.constant 8 : i32
    %add3A_46 = arith.constant 480 : i32
    %add3A_47 = arith.addi %mul3A_2, %add3A_46 : i32
    %dma_wait3A = arith.constant 0 : i32
    %dma_wait3A_48 = tpu.memref_slice %arg5[%add3A_47, %dma_wait3A] : memref<16384x512xf32, #tpu.memory_space<hbm>> -> memref<16x512xf32, #tpu.memory_space<hbm>>
    %dma_wait3A_49 = arith.constant 0 : i32
    %dma_wait3A_50 = tpu.memref_slice %arg5[%add3A_47, %dma_wait3A_49] : memref<16384x512xf32, #tpu.memory_space<hbm>> -> memref<16x512xf32, #tpu.memory_space<hbm>>
    tpu.wait_dma2 semaphore(%arg25 : memref<!tpu.dma_semaphore, #tpu.memory_space<semaphore_mem>>) src(%arg8 : memref<16x512xf32, #tpu.memory_space<vmem>>) dst(%dma_wait3A_50 : memref<16x512xf32, #tpu.memory_space<hbm>>)
    %add3A_51 = arith.constant 496 : i32
    %add3A_52 = arith.addi %mul3A_2, %add3A_51 : i32
    %dma_wait3A_53 = arith.constant 0 : i32
    %dma_wait3A_54 = tpu.memref_slice %arg5[%add3A_52, %dma_wait3A_53] : memref<16384x512xf32, #tpu.memory_space<hbm>> -> memref<16x512xf32, #tpu.memory_space<hbm>>
    %dma_wait3A_55 = arith.constant 0 : i32
    %dma_wait3A_56 = tpu.memref_slice %arg5[%add3A_52, %dma_wait3A_55] : memref<16384x512xf32, #tpu.memory_space<hbm>> -> memref<16x512xf32, #tpu.memory_space<hbm>>
    tpu.wait_dma2 semaphore(%arg26 : memref<!tpu.dma_semaphore, #tpu.memory_space<semaphore_mem>>) src(%arg9 : memref<16x512xf32, #tpu.memory_space<vmem>>) dst(%dma_wait3A_56 : memref<16x512xf32, #tpu.memory_space<hbm>>)
    return
  }
}

</mosaic_0001>

<sc_bundles>
// kernel: _negative_intervention_sc.3.cloned.1.call-start
scs
__scs_entry_jumppad:
0x0: {  	(pc) =	sbr.rel $0x88, $3  }
0x1: {  	(tag) =	ssettag $0x0;
	lr =	simm.s32 $0x1  }
0x2: {  	[smem:$0x3F9E] =	sst lr;
	_ =	strace $0xD0000000  }
0x3: {  	_ = 	snop  }
0x4: {  	_ = 	snop  }
0x5: {  	_ = 	snop  }
0x6: {  	_ = 	snop  }
0x7: {  	_ = 	snop  }
__scs_overlays_trampoline_lowered:
0x8: {  	[smem:$0x3FAD] =	sst s0  }
0x9: {  	[smem:$0x3FAE] =	sst s1  }
0xa: {  	[smem:$0x3FAF] =	sst s2  }
0xb: {  	[smem:$0x3FB0] =	sst s3  }
0xc: {  	[smem:$0x3FB1] =	sst s4  }
0xd: {  	[smem:$0x3FB2] =	sst s5  }
0xe: {  	[smem:$0x3FB3] =	sst s6  }
0xf: {  	[smem:$0x3FB4] =	sst s7  }
0x10: {  	[smem:$0x3FB5] =	sst s8  }
0x11: {  	[smem:$0x3FB6] =	sst s9;
	s0 =	simm.s32 @!p0 $0x0  }
0x12: {  	s1 =	sld [smem:$0x3F9C];
	s0 =	simm.s32 @p0 $0x1  }
0x13: {  	[smem:$0x3FB7] =	sst s0;
	s0 =	simm.s32 @!p1 $0x0  }
0x14: {  	s2 =	sld [smem:$0x3F9B];
	s0 =	simm.s32 @p1 $0x1  }
0x15: {  	[smem:$0x3FB8] =	sst s0;
	s0 =	simm.s32 @!p2 $0x0  }
0x16: {  	s3 =	sld [smem:$0x3FDB];
	s0 =	simm.s32 @p2 $0x1  }
0x17: {  	s4 =	simm.s32 $0x1BF5;
	[smem:$0x3FBA] =	sst s0  }
0x18: {  	s0 =	sld [smem:$0x3F9D];
	_ =	swait.ge [sflag:s4], $0x0  }
0x19: {  	s7 =	sld [smem:$0x3F9E]  }
0x1a: {  	s8 =	sadd.s32 $0xFFFFE003, lr  }
0x1b: {  	s9 =	sadd.s32 $0xFFFFFEF7, lr;
	s5 =	simm.s32 $0xFFFFFFFF;
	p2 =	slt.u32 s8, $0xFFFFF086  }
0x1c: {  	p1 =	slt.u32 s9, $0xF7A;
	s5 =	simm.s32 @!p2 $0x0  }
0x1d: {  	s5 =	simm.s32 @p1 $0x1;
	p0 =	seq.s32 s7, s2  }
0x1e: {  	s7 =	smul.u32 @!p0 $0xF7A, s2;
	p2 =	seq.s32 @!p0 s5, $0x0  }
0x1f: {  	s9 =	smul.u32 $0xF7A, s1;
	s8 =	simm.s32 @!p0 $0x1BF5;
	p2 =	por !p2, p0  }
0x20: {  	[sflag:s8] =	ssyncset.s32 @!p0 $0xFFFFF086;
	s6 =	sadd.s32 @!p0 s3, s7;
	s7 =	simm.s32 @!p0 $0x108  }
0x21: {  	s3 =	sadd.s32 s3, s9;
	s6 =	sadd.s32 @!p0 $0x88, s6;
	s7 =	simm.s32 @p2 $0x1082  }
0x22: {  	[simem:s7], [sflag:s8] =	dma.local @!p0 [hbm:s6], $0xF7A  }
0x23: {  	s9 =	sor.u32 $0xD0000000, s2;
	s6 =	simm.s32 $0x108;
	_ =	swait.ge @!p0 [sflag:s8], $0x0  }
0x24: {  	s3 =	sadd.s32 $0x88, s3;
	s6 =	simm.s32 @!p1 $0x1082;
	[sflag:s4] =	ssyncset.s32 $0xFFFFF086  }
0x25: {  	[simem:s6], [sflag:s4] =	dma.local [hbm:s3], $0xF7A  }
0x26: {  	[smem:$0x3F9E] =	sst s1;
	(tag) =	ssettag s2;
	_ =	strace s9  }
0x27: {  	s1 =	sld [smem:$0x3FAE]  }
0x28: {  	s2 =	sld [smem:$0x3FAF]  }
0x29: {  	s4 =	sld [smem:$0x3FB1]  }
0x2a: {  	p0 =	seq.s32 s5, $0x0;
	s5 =	sld [smem:$0x3FB2]  }
0x2b: {  	s6 =	sld [smem:$0x3FB3]  }
0x2c: {  	s7 =	sld [smem:$0x3FB4]  }
0x2d: {  	s3 =	simm.s32 $0x108;
	s8 =	sld [smem:$0x3FB5]  }
0x2e: {  	s3 =	simm.s32 @!p0 $0x1082;
	s9 =	sld [smem:$0x3FB6]  }
0x2f: {  	lr =	sadd.s32 s0, s3;
	s0 =	sld [smem:$0x3FAD]  }
0x30: {  	s3 =	sld [smem:$0x3FB0]  }
0x31: {  	[smem:$0x3FB9] =	sst s10  }
0x32: {  	s10 =	sld [smem:$0x3FB7];
	_ =	sdelay $0x3  }
0x33: {  	p0 =	seq.s32 s10, $0x1;
	s10 =	sld [smem:$0x3FB9];
	_ =	sdelay $0x3  }
0x34: {  	[smem:$0x3FB9] =	sst s10  }
0x35: {  	s10 =	sld [smem:$0x3FB8];
	_ =	sdelay $0x3  }
0x36: {  	p1 =	seq.s32 s10, $0x1;
	s10 =	sld [smem:$0x3FB9];
	_ =	sdelay $0x3  }
0x37: {  	[smem:$0x3FB9] =	sst s10  }
0x38: {  	s10 =	sld [smem:$0x3FBA]  }
0x39: {  	_ = 	snop;
	(pc) =	sbr.ind lr, $3  }
0x3a: {  	_ = 	snop  }
0x3b: {  	_ = 	snop  }
0x3c: {  	p2 =	seq.s32 s10, $0x1;
	s10 =	sld [smem:$0x3FB9]  }
0x3d: {  	_ =	shalt  }
0x3e: {  	_ =	shalt  }
0x3f: {  	_ =	shalt  }
0x40: {  	_ =	shalt  }
0x41: {  	_ =	shalt  }
0x42: {  	_ =	shalt  }
0x43: {  	_ =	shalt  }
0x44: {  	_ =	shalt  }
0x45: {  	_ =	shalt  }
0x46: {  	_ =	shalt  }
0x47: {  	_ =	shalt  }
0x48: {  	_ =	shalt  }
0x49: {  	_ =	shalt  }
0x4a: {  	_ =	shalt  }
0x4b: {  	_ =	shalt  }
0x4c: {  	_ =	shalt  }
0x4d: {  	_ =	shalt  }
0x4e: {  	_ =	shalt  }
0x4f: {  	_ =	shalt  }
0x50: {  	_ =	shalt  }
0x51: {  	_ =	shalt  }
0x52: {  	_ =	shalt  }
0x53: {  	_ =	shalt  }
0x54: {  	_ =	shalt  }
0x55: {  	_ =	shalt  }
0x56: {  	_ =	shalt  }
0x57: {  	_ =	shalt  }
0x58: {  	_ =	shalt  }
0x59: {  	_ =	shalt  }
0x5a: {  	_ =	shalt  }
0x5b: {  	_ =	shalt  }
0x5c: {  	_ =	shalt  }
0x5d: {  	_ =	shalt  }
0x5e: {  	_ =	shalt  }
0x5f: {  	_ =	shalt  }
0x60: {  	_ =	shalt  }
0x61: {  	_ =	shalt  }
0x62: {  	_ =	shalt  }
0x63: {  	_ =	shalt  }
0x64: {  	_ =	shalt  }
0x65: {  	_ =	shalt  }
0x66: {  	_ =	shalt  }
0x67: {  	_ =	shalt  }
0x68: {  	_ =	shalt  }
0x69: {  	_ =	shalt  }
0x6a: {  	_ =	shalt  }
0x6b: {  	_ =	shalt  }
0x6c: {  	_ =	shalt  }
0x6d: {  	_ =	shalt  }
0x6e: {  	_ =	shalt  }
0x6f: {  	_ =	shalt  }
0x70: {  	_ =	shalt  }
0x71: {  	_ =	shalt  }
0x72: {  	_ =	shalt  }
0x73: {  	_ =	shalt  }
0x74: {  	_ =	shalt  }
0x75: {  	_ =	shalt  }
0x76: {  	_ =	shalt  }
0x77: {  	_ =	shalt  }
0x78: {  	_ =	shalt  }
0x79: {  	_ =	shalt  }
0x7a: {  	_ =	shalt  }
0x7b: {  	_ =	shalt  }
0x7c: {  	_ =	shalt  }
0x7d: {  	_ =	shalt  }
0x7e: {  	_ =	shalt  }
0x7f: {  	_ =	shalt  }
0x80: {  	_ =	shalt  }
0x81: {  	_ =	shalt  }
0x82: {  	_ =	shalt  }
0x83: {  	_ =	shalt  }
0x84: {  	_ =	shalt  }
0x85: {  	_ =	shalt  }
0x86: {  	_ =	shalt  }
0x87: {  	_ =	shalt  }
.Lfunc_end0:
.L_simem_size_0:
called_computation_lowered:
.L_overlay_start_0:
0x88: {  	s2 =	sld [smem:$0x3FD9]  }
0x89: {  	s3 =	sld [smem:$0x3FFE];
	_ =	sdelay $0x1  }
0x8a: {  	s1 =	srdreg.scid  }
0x8b: {  	s0 =	sand.u32 $0x1, s1  }
0x8c: {  	s18 =	sshll.u32 s0, $0xA;
	s2 =	sadd.s32 s3, s2  }
0x8d: {  	s2 =	sadd.s32 s2, s18  }
0x8e: {  	[smem:$0x3FC5] =	sst s2  }
0x8f: {  	_ = 	snop  }
0x90: {  	s2 =	sld [smem:$0x3FC9]  }
0x91: {  	s19 =	sld [smem:$0x3FC8]  }
0x92: {  	s4 =	sld [smem:$0x3FC7]  }
0x93: {  	s5 =	sld [smem:$0x3FD0];
	(tm) =	ssettm $0x1  }
0x94: {  	s6 =	sld [smem:$0x3FFB];
	_ =	sdelay $0x3  }
0x95: {  	_ =	strace s6  }
0x96: {  	s6 =	sld [smem:$0x3FFC];
	_ =	sdelay $0x3  }
0x97: {  	_ =	strace s6  }
0x98: {  	s6 =	sld [smem:$0x3FFD];
	_ =	sdelay $0x3  }
0x99: {  	_ =	strace s6  }
0x9a: {  	_ =	strace $0x8FFFFFFF  }
0x9b: {  	s20 =	sld [smem:$0x3FDB];
	_ =	sdelay $0x1  }
0x9c: {  	s7 =	simm.s32 $_scs_section_size  }
0x9d: {  	s8 =	simm.s32 $_size__tile_overlayer_lowered;
	s9 =	simm.s32 $_tile_overlayer_lowered  }
0x9e: {  	s23 =	simm.s32 $0x1BFF;
	s22 =	sshll.u32 s9, $0x1;
	s6 =	sadd.s32 s7, s20  }
0x9f: {  	s10 =	simm.s32 $0x0;
	s21 =	sshll.u32 s8, $0x1;
	s8 =	sadd.s32 s22, s6  }
0xa0: {  	[timem:s10], [sflag:s23] =	dma.local [hbm:s8], s21  }
0xa1: {  	_ =	swait.ge [sflag:s23], s21  }
0xa2: {  	s7 =	ssub.s32 $0x0, s21;
	[sflag:s23] =	ssyncset.done $0x0  }
0xa3: {  	[sflag:s23] =	ssyncadd.s32 s7;
	_ =	sdelay $0x1  }
0xa4: {  	s24 =	simm.s32 $0x1B8B  }
0xa5: {  	_ =	swait.ge [sflag:s24], $0x1  }
0xa6: {  	[sflag:s24] =	ssyncset.done $0x0  }
0xa7: {  	s25 =	simm.s32 $0x1B8E;
	[sflag:s24] =	ssyncadd.s32 $0xFFFFFFFF  }
0xa8: {  	s26 =	simm.s32 $execute0_lowered;
	[smem:$0x3FD2] =	sst s25  }
0xa9: {  	s7 =	sshll.u32 s26, $0x1;
	_ =	strace $0x80000046;
	[dreg:$0x1] =	wrdreg $0xFFFFFFFF  }
0xaa: {  	s28 =	simm.s32 $_size_execute0_lowered;
	s6 =	sadd.s32 s6, s7;
	[dreg:$0x0] =	wrdreg $0x0  }
0xab: {  	s7 =	sshll.u32 s28, $0x1;
	[dreg:$0x2] =	wrdreg s6  }
0xac: {  	[dreg:$0x3] =	wrdreg s7  }
0xad: {  	[dreg:$0x4] =	wrdreg $0xC0  }
0xae: {  	_ =	task [dreg:s10], $0x5FFFF  }
0xaf: {  	[dreg:$0x1] =	wrdreg $0xFFFFFFFF  }
0xb0: {  	[dreg:$0x0] =	wrdreg $0x60  }
0xb1: {  	[dreg:$0x2] =	wrdreg s2  }
0xb2: {  	[dreg:$0x3] =	wrdreg s19  }
0xb3: {  	[dreg:$0x4] =	wrdreg s4  }
0xb4: {  	[dreg:$0x5] =	wrdreg s5  }
0xb5: {  	[dreg:$0x6] =	wrdreg $0x9  }
0xb6: {  	_ =	task.clear_ibuf [dreg:s10], $0x7FFFF;
	_ =	strace $0x90000046  }
0xb7: {  	s29 =	simm.s32 $0x9;
	_ =	strace $0x80000048  }
0xb8: {  	_ =	swait.ge [sflag:s29], $0x1  }
0xb9: {  	[sflag:s29] =	ssyncadd.s32 $0xFFFFFFFF  }
0xba: {  	_ =	strace $0x90000048  }
0xbb: {  	_ =	sfence  }
0xbc: {  	s30 =	sld [smem:$0x0];
	_ =	sdelay $0x2  }
0xbd: {  	s31 =	sshll.u32 s1, $0xD;
	s1 =	sshrl.u32 s1, $0x2  }
0xbe: {  	s3 =	sand.u32 $0x4000, s31;
	s1 =	sadd.s32 s1, s30  }
0xbf: {  	s0 =	sor.u32 s3, s0;
	s1 =	sshll.u32 s1, $0x11  }
0xc0: {  	s0 =	sor.u32 s1, s0  }
0xc1: {  	s0 =	sadd.s32 $0x8F2B, s0  }
0xc2: {  	[sflag:s0] =	ssyncadd.remote.s32 $0x1  }
0xc3: {  	_ =	sfence.sel $0xFFFF  }
0xc4: {  	[dreg:$0x0] =	wrdreg $0xFFFFFFFF;
	(pc) =	sbr.abs _section_cstart, $3  }
0xc5: {  	[dreg:$0x1] =	wrdreg $0xFFFFFFFF  }
0xc6: {  	_ =	task.clear_ibuf [dreg:s10], $0x2FFFF;
	_ =	strace $0x9FFFFFFF  }
0xc7: {  	(tm) =	ssettm $0x7FFFFFFF  }
tec
execute0_lowered:
.L_overlay_start_1:
0x0: {  	(tag) =	ssettag $0x1  }
0x1: {  	s1 =	rddreg [dreg:$0x0]  }
0x2: {  	s2 =	rddreg [dreg:$0x1]  }
0x3: {  	s14 =	rddreg [dreg:$0x3]  }
0x4: {  	s0 =	srdreg.scid;
	s6 =	simm.s32 $0x0;
	s4 =	stileid.u32  }
0x5: {  	s28 =	simm.s32 $0x6000;
	s29 =	simm.s32 $0xE000;
	s30 =	simm.s32 $0x2  }
0x6: {  	s31 =	simm.s32 $0x6;
	s7 =	simm.s32 $0x4;
	s0 =	sand.u32 $0x1, s0  }
0x7: {  	s4 =	sshll.u32 s4, $0x10;
	s3 =	ssub.s32 $0x2, s0;
	s0 =	sshll.u32 s0, $0xF  }
0x8: {  	s8 =	simm.s32 $0x8;
	[smem:$0x7FF] =	sst s6;
	s0 =	sor.u32 s0, s4  }
0x9: {  	s10 =	simm.s32 $0x0;
	_ =	strace $0x80000047;
	s18 =	sadd.s32 s1, s0  }
0xa: {  	s5 =	sshrl.u32 s3, $0x1;
	s19 =	sadd.s32 s2, s0;
	[dreg:$0x5] =	wrdreg s18  }
0xb: {  	s3 =	ssub.s32 s3, s5;
	s22 =	sor.u32 $0x800, s0;
	[dreg:$0x6] =	wrdreg s19  }
0xc: {  	s4 =	sor.u32 $0x400, s0;
	s23 =	sor.u32 $0xC00, s0;
	[dreg:$0x9] =	wrdreg s22  }
0xd: {  	s24 =	sadd.s32 s14, s0;
	s25 =	sor.u32 $0x1000, s0;
	[dreg:$0xa] =	wrdreg s23  }
0xe: {  	s15 =	sor.u32 $0x1400, s0;
	s0 =	simm.s32 $0x9;
	[dreg:$0xb] =	wrdreg s24  }
0xf: {  	s20 =	sadd.s32 s1, s4;
	s21 =	sadd.s32 s2, s4;
	[dreg:$0xc] =	wrdreg s25  }
0x10: {  	s26 =	smax.u32 s3, $0x1;
	s17 =	sadd.s32 s14, s4;
	s22 =	simm.s32 $0xA000  }
0x11: {  	s23 =	simm.s32 $0x4000;
	s24 =	simm.s32 $0xC000;
	[dreg:$0x7] =	wrdreg s20  }
0x12: {  	s25 =	simm.s32 $0x1;
	s4 =	simm.s32 $0x3;
	[dreg:$0x8] =	wrdreg s21  }
0x13: {  	s3 =	simm.s32 $0x7;
	s18 =	simm.s32 $0xA;
	[dreg:$0xd] =	wrdreg s26  }
0x14: {  	s20 =	simm.s32 $0x8000;
	s21 =	simm.s32 $0x2000;
	s26 =	simm.s32 $0x5  }
.LBB2_1:
0x15: {  	[dreg:$0xe] =	wrdreg s10  }
0x16: {  	s5 =	rddreg [dreg:$0x2];
	s9 =	simm.s32 $0x10000;
	s11 =	simm.s32 $0xD  }
0x17: {  	[tilespmem:s9], [sflag:$0xD] =	stream.linear.gather [hbm4b:s5+s6], $0x80, $0x38;
	[tilespmem:$0x10080] =	vst v63  }
0x18: {  	_ =	swait.ge [sflag:s11], $0x80  }
0x19: {  	[sflag:s11] =	ssyncset.done $0x0  }
0x1a: {  	[sflag:s11] =	ssyncadd.s32 $0xFFFFFF80  }
0x1b: {  	v0 =	vld [tilespmem:$0x10000]  }
0x1c: {  	v1 =	vld [tilespmem:$0x10010]  }
0x1d: {  	v5 =	vld [tilespmem:$0x10020]  }
0x1e: {  	v6 =	vld [tilespmem:$0x10030]  }
0x1f: {  	v9 =	vld [tilespmem:$0x10040]  }
0x20: {  	v10 =	vld [tilespmem:$0x10050]  }
0x21: {  	s12 =	rddreg [dreg:$0x5];
	v13 =	vld [tilespmem:$0x10060]  }
0x22: {  	v14 =	vld [tilespmem:$0x10070];
	[tilespmem:s6], [sflag:$0x1] =	stream.linear.gather [hbm4b:s12+s6], $0x2000, $0x38  }
0x23: {  	s13 =	rddreg [dreg:$0x6]  }
0x24: {  	[tilespmem:s20], [sflag:$0x5] =	stream.linear.gather [hbm4b:s13+s6], $0x2000, $0x38;
	[tilespmem:$0x10080] =	vst v63  }
0x25: {  	s16 =	rddreg [dreg:$0x7]  }
0x26: {  	[tilespmem:s21], [sflag:$0x2] =	stream.linear.gather [hbm4b:s16+s6], $0x2000, $0x38;
	[tilespmem:$0x10080] =	vst v63  }
0x27: {  	s19 =	rddreg [dreg:$0x8]  }
0x28: {  	v8 =	vand.u32 $0x7F, v5;
	[tilespmem:s22], [sflag:$0x6] =	stream.linear.gather [hbm4b:s19+s6], $0x2000, $0x38;
	[tilespmem:$0x10080] =	vst v63  }
0x29: {  	v11 =	vand.u32 $0x7F, v9;
	[tilespmem:$0x1FF90] =	vst v8  }
0x2a: {  	v7 =	vand.u32 $0x7F, v1;
	[tilespmem:$0x1FFB0] =	vst v11  }
0x2b: {  	v4 =	vand.u32 $0x7F, v0;
	v0 =	vshll.u32 v0, $0x3;
	[tilespmem:$0x1FFD0] =	vst v7  }
0x2c: {  	v3 =	vshll.u32 v1, $0x3;
	v2 =	vand.u32 $0xFFFFFC00, v0;
	[tilespmem:$0x1FFF0] =	vst v4  }
0x2d: {  	v3 =	vand.u32 $0xFFFFFC00, v3;
	v0 =	vshll.u32 v5, $0x3;
	[tilespmem:$0x1FFA0] =	vst v2  }
0x2e: {  	v5 =	vand.u32 $0xFFFFFC00, v0;
	v0 =	vand.u32 $0x7F, v6;
	[tilespmem:$0x1FFE0] =	vst v3  }
0x2f: {  	v1 =	vshll.u32 v6, $0x3;
	[tilespmem:$0x1FF00] =	vst v0  }
0x30: {  	v6 =	vand.u32 $0xFFFFFC00, v1;
	v0 =	vshll.u32 v9, $0x3;
	[tilespmem:$0x1FF50] =	vst v5  }
0x31: {  	[tilespmem:$0x1FFC0] =	vst v6;
	v9 =	vand.u32 $0xFFFFFC00, v0;
	v0 =	vand.u32 $0x7F, v10  }
0x32: {  	v1 =	vshll.u32 v10, $0x3;
	[tilespmem:$0x1FF10] =	vst v0  }
0x33: {  	v10 =	vand.u32 $0xFFFFFC00, v1;
	[tilespmem:$0x1FF60] =	vst v9  }
0x34: {  	v1 =	vshll.u32 v14, $0x3;
	v0 =	vand.u32 $0x7F, v13;
	[tilespmem:$0x1FF70] =	vst v10  }
0x35: {  	[tilespmem:$0x1FF20] =	vst v0;
	v0 =	vshll.u32 v13, $0x3;
	v13 =	vand.u32 $0xFFFFFC00, v1  }
0x36: {  	v12 =	vand.u32 $0xFFFFFC00, v0;
	v0 =	vand.u32 $0x7F, v14;
	[tilespmem:$0x1FF40] =	vst v13  }
0x37: {  	[tilespmem:$0x1FF30] =	vst v0  }
0x38: {  	s19 =	simm.s32 $0x0;
	[tilespmem:$0x1FF80] =	vst v12  }
.LBB2_2:
0x39: {  	s5 =	simm.s32 $0x1;
	s9 =	simm.s32 $0x2;
	s12 =	simm.s32 $0x3  }
0x3a: {  	p0 =	seq.s32 s19, $0x0;
	v0 =	vmov s5;
	v1 =	vmov s9;
	v18 =	vmov s12  }
0x3b: {  	s5 =	simm.s32 @!p0 $0xB;
	v16 =	vshll.u32 v0, $0x9;
	v17 =	vshll.u32 v1, $0x9;
	v0 =	vshll.u32 v0, $0x7  }
0x3c: {  	v1 =	vshll.u32 v1, $0x7;
	v19 =	vshll.u32 v18, $0x9;
	_ =	swait.ge @!p0 [sflag:s5], $0x2000;
	v18 =	vshll.u32 v18, $0x7  }
0x3d: {  	s9 =	sshll.u32 s19, $0xC;
	v16 =	vand.u32 $0x1000, v16;
	v0 =	vand.u32 $0x280, v0;
	v21 =	vand.u32 $0x1000, v17;
	s10 =	rddreg [dreg:$0x9]  }
0x3e: {  	[sflag:s5] =	ssyncset.done @!p0 $0x0;
	v23 =	vand.u32 $0x1000, v19;
	v1 =	vand.u32 $0x300, v1;
	v18 =	vand.u32 $0x380, v18;
	s10 =	sadd.s32 s10, s9  }
0x3f: {  	v14 =	vmovc v5;
	s11 =	simm.s32 $0x0;
	v20 =	vadd.s32 v13, v16;
	v17 =	vadd.s32 v2, v16;
	[sflag:s5] =	ssyncadd.s32 @!p0 $0xFFFFE000;
	v24 =	vadd.s32 v13, v23;
	s13 =	sadd.s32 s1, s10  }
0x40: {  	v22 =	vadd.s32 v5, v16;
	v19 =	vadd.s32 v5, v21;
	v60 =	vor.u32 v18, v24;
	[tilespmem:s23], [sflag:$0x3] =	stream.linear.gather [hbm4b:s13+s11], $0x2000, $0x38;
	[tilespmem:$0x10080] =	vst v63  }
0x41: {  	v25 =	vadd.s32 v9, v16;
	v26 =	vadd.s32 v3, v16;
	v27 =	vadd.s32 v2, v21;
	s16 =	sadd.s32 s2, s10;
	[tilespmem:$0x1FED0] =	vst v60  }
0x42: {  	v28 =	vadd.s32 v10, v16;
	v29 =	vadd.s32 v10, v21;
	v30 =	vadd.s32 v3, v21;
	[tilespmem:s24], [sflag:$0x7] =	stream.linear.gather [hbm4b:s16+s11], $0x2000, $0x38;
	[tilespmem:$0x10080] =	vst v63  }
0x43: {  	v31 =	vadd.s32 v14, v23;
	v32 =	vadd.s32 v3, v23;
	v17 =	vor.u32 v0, v17;
	_ =	swait.ge [sflag:s25], $0x2000  }
0x44: {  	v33 =	vadd.s32 v6, v16;
	v34 =	vadd.s32 v12, v21;
	v17 =	vor.u32 v4, v17;
	[sflag:s25] =	ssyncset.done $0x0  }
0x45: {  	v36 =	vadd.s32 v9, v21;
	v16 =	vadd.s32 v12, v16;
	v42 =	vadd.s32 v9, v23;
	[sflag:s25] =	ssyncadd.s32 $0xFFFFE000  }
0x46: {  	v63 =	vadd.s32 v10, v23;
	v51 =	vadd.s32 v13, v21;
	v54 =	vadd.s32 v12, v23;
	_ =	swait.ge [sflag:s26], $0x2000  }
0x47: {  	v26 =	vor.u32 v0, v26;
	v22 =	vor.u32 v0, v22;
	v27 =	vor.u32 v1, v27;
	[sflag:s26] =	ssyncset.done $0x0  }
0x48: {  	v32 =	vor.u32 v18, v32;
	v35 =	vor.u32 v1, v19;
	v19 =	vor.u32 v4, v27;
	[sflag:s26] =	ssyncadd.s32 $0xFFFFE000  }
0x49: {  	v33 =	vor.u32 v0, v33;
	v37 =	vor.u32 v0, v25;
	v25 =	vadd.s32 v6, v23;
	v38 =	vld.idx.msk [tilespmem:v17+s20+$0x0], $0xffff  }
0x4a: {  	v40 =	vor.u32 v0, v28;
	v41 =	vor.u32 v18, v25;
	v25 =	vadd.s32 v2, v23  }
0x4b: {  	v39 =	vor.u32 v18, v31;
	v28 =	vmov s11;
	v25 =	vor.u32 v18, v25  }
0x4c: {  	v26 =	vor.u32 v7, v26;
	v31 =	vor.u32 v4, v25;
	v25 =	vshll.u32 v28, $0x9  }
0x4d: {  	v30 =	vor.u32 v1, v30;
	v28 =	vshll.u32 v28, $0x7;
	v43 =	vand.u32 $0x1000, v25;
	v25 =	vld.idx.msk [tilespmem:v19+s20+$0x0], $0xffff  }
0x4e: {  	v28 =	vand.u32 $0x200, v28;
	v44 =	vadd.s32 v2, v43;
	v38 =	vsub.f32 $1.000000000e+00, v38  }
0x4f: {  	v45 =	vor.u32 v1, v36;
	v42 =	vor.u32 v18, v42;
	v61 =	vor.u32 v28, v44  }
0x50: {  	v36 =	vor.u32 v18, v54;
	[tilespmem:v17+s6+$0x0] =	vst.idx.msk $0xffff, v38;
	v38 =	vor.u32 v4, v61  }
0x51: {  	v27 =	vadd.s32 v6, v21;
	v30 =	vor.u32 v7, v30;
	v50 =	vadd.s32 v10, v43;
	v46 =	vld.idx.msk [tilespmem:v26+s20+$0x0], $0xffff  }
0x52: {  	v32 =	vor.u32 v7, v32;
	v56 =	vor.u32 v28, v50;
	v25 =	vsub.f32 $1.000000000e+00, v25  }
0x53: {  	v52 =	vor.u32 v8, v22;
	v22 =	vadd.s32 v12, v43;
	v48 =	vld.idx.msk [tilespmem:v31+s20+$0x0], $0xffff;
	[tilespmem:$0x1FEB0] =	vst v56  }
0x54: {  	v37 =	vor.u32 v11, v37;
	v58 =	vor.u32 v28, v22;
	[tilespmem:v19+s6+$0x0] =	vst.idx.msk $0xffff, v25  }
0x55: {  	v27 =	vor.u32 v1, v27;
	v62 =	vadd.s32 v14, v43;
	v57 =	vld.idx.msk [tilespmem:v38+s20+$0x0], $0xffff;
	[tilespmem:$0x1FEC0] =	vst v58  }
0x56: {  	v55 =	vadd.s32 v3, v43;
	v19 =	vor.u32 v0, v16;
	v16 =	vsub.f32 $1.000000000e+00, v46;
	v59 =	vld.idx.msk [tilespmem:v30+s20+$0x0], $0xffff  }
0x57: {  	v47 =	vadd.s32 v6, v43;
	v49 =	vadd.s32 v9, v43;
	v44 =	vor.u32 v28, v55  }
0x58: {  	v60 =	vsub.f32 $1.000000000e+00, v48;
	v17 =	vor.u32 v28, v62;
	v62 =	vor.u32 v1, v34;
	v5 =	vld [tilespmem:$0x1FF00];
	[tilespmem:v26+s6+$0x0] =	vst.idx.msk $0xffff, v16  }
0x59: {  	v47 =	vor.u32 v28, v47;
	v44 =	vor.u32 v7, v44;
	v26 =	vadd.s32 v13, v43;
	[tilespmem:$0x1FEE0] =	vst v62  }
0x5a: {  	v61 =	vor.u32 v28, v49;
	v43 =	vor.u32 v28, v26;
	[tilespmem:v31+s6+$0x0] =	vst.idx.msk $0xffff, v60;
	v50 =	vsub.f32 $1.000000000e+00, v57  }
0x5b: {  	v49 =	vor.u32 v8, v35;
	v16 =	vor.u32 v18, v63;
	v63 =	vld.idx.msk [tilespmem:v52+s20+$0x0], $0xffff;
	[tilespmem:$0x1FEF0] =	vst v43;
	v23 =	vsub.f32 $1.000000000e+00, v59  }
0x5c: {  	v15 =	vmov v8;
	v17 =	vor.u32 v8, v17;
	v25 =	vor.u32 v1, v29;
	[tilespmem:v38+s6+$0x0] =	vst.idx.msk $0xffff, v50  }
0x5d: {  	v29 =	vor.u32 v11, v61;
	v31 =	vor.u32 v0, v20;
	v20 =	vld.idx.msk [tilespmem:v32+s20+$0x0], $0xffff;
	[tilespmem:v30+s6+$0x0] =	vst.idx.msk $0xffff, v23  }
0x5e: {  	s12 =	simm.s32 $0x6;
	v53 =	vor.u32 v5, v33;
	v33 =	vor.u32 v1, v51;
	v18 =	vor.u32 v15, v39;
	v8 =	vld [tilespmem:$0x1FF10]  }
0x5f: {  	v34 =	vor.u32 v5, v27;
	v41 =	vor.u32 v5, v41;
	v55 =	vld.idx.msk [tilespmem:v44+s20+$0x0], $0xffff;
	v30 =	vmov s12  }
0x60: {  	v0 =	vor.u32 v11, v45;
	v38 =	vor.u32 v11, v42;
	v26 =	vld.idx.msk [tilespmem:v49+s20+$0x0], $0xffff;
	v57 =	vshll.u32 v30, $0x9  }
0x61: {  	v30 =	vshll.u32 v30, $0x7;
	v23 =	vsub.f32 $1.000000000e+00, v63;
	v43 =	vand.u32 $0x1000, v57  }
0x62: {  	s11 =	simm.s32 $0x5;
	v48 =	vadd.s32 v14, v43;
	v39 =	vadd.s32 v10, v43;
	v46 =	vadd.s32 v6, v43  }
0x63: {  	v35 =	vmovc v2;
	v2 =	vor.u32 v8, v16;
	v16 =	vsub.f32 $1.000000000e+00, v20;
	v20 =	vmov s11  }
0x64: {  	s13 =	simm.s32 $0x7;
	v45 =	vsub.f32 $1.000000000e+00, v55;
	v27 =	vor.u32 v8, v40;
	v56 =	vshll.u32 v20, $0x9  }
0x65: {  	v58 =	vshll.u32 v20, $0x7;
	v20 =	vsub.f32 $1.000000000e+00, v26;
	v26 =	vmov s13  }
0x66: {  	v40 =	vor.u32 v5, v47;
	v42 =	vand.u32 $0x1000, v56;
	v59 =	vshll.u32 v26, $0x9  }
0x67: {  	[tilespmem:v32+s6+$0x0] =	vst.idx.msk $0xffff, v16;
	v16 =	vshll.u32 v26, $0x7;
	v32 =	vand.u32 $0x280, v58;
	v56 =	vadd.s32 v35, v43  }
0x68: {  	v58 =	vadd.s32 v3, v43;
	v26 =	vld.idx.msk [tilespmem:v18+s20+$0x0], $0xffff;
	v60 =	vadd.s32 v35, v42;
	v50 =	vadd.s32 v14, v42  }
0x69: {  	[tilespmem:v52+s6+$0x0] =	vst.idx.msk $0xffff, v23;
	v1 =	vand.u32 $0x1000, v59;
	v23 =	vadd.s32 v9, v42;
	v61 =	vor.u32 v32, v60  }
0x6a: {  	v52 =	vand.u32 $0x380, v16;
	v54 =	vadd.s32 v3, v42;
	v47 =	vor.u32 v4, v61  }
0x6b: {  	v55 =	vld.idx.msk [tilespmem:v53+s20+$0x0], $0xffff;
	v51 =	vadd.s32 v10, v42;
	v62 =	vadd.s32 v13, v1;
	v54 =	vor.u32 v32, v54  }
0x6c: {  	v59 =	vadd.s32 v14, v1;
	v60 =	vand.u32 $0x300, v30;
	v16 =	vor.u32 v52, v62  }
0x6d: {  	v30 =	vadd.s32 v3, v1;
	v28 =	vor.u32 v32, v51;
	[tilespmem:$0x1FEA0] =	vst v16;
	v26 =	vsub.f32 $1.000000000e+00, v26  }
0x6e: {  	v61 =	vor.u32 v32, v50;
	v63 =	vor.u32 v60, v56;
	[tilespmem:v44+s6+$0x0] =	vst.idx.msk $0xffff, v45  }
0x6f: {  	v45 =	vor.u32 v4, v63;
	[tilespmem:v18+s6+$0x0] =	vst.idx.msk $0xffff, v26;
	v18 =	vadd.s32 v6, v42;
	v63 =	vld.idx.msk [tilespmem:v47+s20+$0x0], $0xffff  }
0x70: {  	v57 =	vor.u32 v60, v48;
	v50 =	vld.idx.msk [tilespmem:v17+s20+$0x0], $0xffff;
	v44 =	vor.u32 v32, v18;
	v18 =	vsub.f32 $1.000000000e+00, v55  }
0x71: {  	[tilespmem:v49+s6+$0x0] =	vst.idx.msk $0xffff, v20;
	v20 =	vadd.s32 v6, v1;
	v26 =	vor.u32 v52, v30;
	v30 =	vld.idx.msk [tilespmem:v41+s20+$0x0], $0xffff  }
0x72: {  	v49 =	vor.u32 v7, v54;
	v56 =	vor.u32 v52, v20;
	v20 =	vld.idx.msk [tilespmem:v34+s20+$0x0], $0xffff;
	[tilespmem:v53+s6+$0x0] =	vst.idx.msk $0xffff, v18  }
0x73: {  	v21 =	vor.u32 v52, v59;
	v55 =	vor.u32 v60, v58;
	v53 =	vor.u32 v32, v23;
	v23 =	vld.idx.msk [tilespmem:v37+s20+$0x0], $0xffff  }
0x74: {  	v58 =	vadd.s32 v9, v43;
	v18 =	vadd.s32 v35, v1;
	v59 =	vsub.f32 $1.000000000e+00, v63  }
0x75: {  	s16 =	simm.s32 $0x4;
	v24 =	vor.u32 v60, v58;
	v50 =	vsub.f32 $1.000000000e+00, v50;
	v18 =	vor.u32 v52, v18  }
0x76: {  	v54 =	vld.idx.msk [tilespmem:v45+s20+$0x0], $0xffff;
	v18 =	vor.u32 v4, v18;
	v63 =	vmov s16;
	v48 =	vsub.f32 $1.000000000e+00, v30;
	[tilespmem:v47+s6+$0x0] =	vst.idx.msk $0xffff, v59  }
0x77: {  	v20 =	vsub.f32 $1.000000000e+00, v20;
	[tilespmem:v17+s6+$0x0] =	vst.idx.msk $0xffff, v50;
	v58 =	vshll.u32 v63, $0x9;
	v59 =	vadd.s32 v9, v1;
	v17 =	vld.idx.msk [tilespmem:v49+s20+$0x0], $0xffff  }
0x78: {  	[tilespmem:v41+s6+$0x0] =	vst.idx.msk $0xffff, v48;
	v41 =	vor.u32 v7, v55;
	v55 =	vshll.u32 v63, $0x7;
	v63 =	vld.idx.msk [tilespmem:v40+s20+$0x0], $0xffff;
	v23 =	vsub.f32 $1.000000000e+00, v23  }
0x79: {  	[tilespmem:v34+s6+$0x0] =	vst.idx.msk $0xffff, v20;
	v47 =	vand.u32 $0x1000, v58;
	v16 =	vor.u32 v52, v59;
	v51 =	vld.idx.msk [tilespmem:v38+s20+$0x0], $0xffff  }
0x7a: {  	v59 =	vld.idx.msk [tilespmem:v0+s20+$0x0], $0xffff;
	v55 =	vand.u32 $0x200, v55;
	[tilespmem:v37+s6+$0x0] =	vst.idx.msk $0xffff, v23;
	v23 =	vadd.s32 v35, v47  }
0x7b: {  	v26 =	vor.u32 v7, v26;
	v20 =	vadd.s32 v14, v47;
	v37 =	vld.idx.msk [tilespmem:v18+s20+$0x0], $0xffff;
	v23 =	vor.u32 v55, v23  }
0x7c: {  	v50 =	vsub.f32 $1.000000000e+00, v54;
	v20 =	vor.u32 v55, v20;
	v58 =	vor.u32 v4, v23  }
0x7d: {  	v23 =	vor.u32 v15, v20;
	v20 =	vadd.s32 v3, v47;
	v17 =	vsub.f32 $1.000000000e+00, v17  }
0x7e: {  	[tilespmem:v45+s6+$0x0] =	vst.idx.msk $0xffff, v50;
	v4 =	vadd.s32 v6, v47;
	v48 =	vsub.f32 $1.000000000e+00, v51;
	v45 =	vor.u32 v55, v20  }
0x7f: {  	v50 =	vor.u32 v55, v4;
	v20 =	vsub.f32 $1.000000000e+00, v63;
	v51 =	vadd.s32 v13, v47;
	[tilespmem:v49+s6+$0x0] =	vst.idx.msk $0xffff, v17  }
0x80: {  	v6 =	vld.idx.msk [tilespmem:v27+s20+$0x0], $0xffff;
	v17 =	vadd.s32 v9, v47;
	v49 =	vsub.f32 $1.000000000e+00, v59;
	[tilespmem:v38+s6+$0x0] =	vst.idx.msk $0xffff, v48;
	v3 =	vsub.f32 $1.000000000e+00, v37  }
0x81: {  	v14 =	vor.u32 v55, v51;
	v59 =	vor.u32 v15, v61;
	[tilespmem:v40+s6+$0x0] =	vst.idx.msk $0xffff, v20;
	v63 =	vld.idx.msk [tilespmem:v58+s20+$0x0], $0xffff  }
0x82: {  	v20 =	vadd.s32 v12, v47;
	[tilespmem:v18+s6+$0x0] =	vst.idx.msk $0xffff, v3;
	v18 =	vadd.s32 v10, v47  }
0x83: {  	v40 =	vor.u32 v55, v17;
	v35 =	vor.u32 v55, v18;
	v18 =	vor.u32 v55, v20;
	v55 =	vld.idx.msk [tilespmem:v41+s20+$0x0], $0xffff  }
0x84: {  	v22 =	vadd.s32 v13, v42;
	v54 =	vadd.s32 v10, v1;
	[tilespmem:v0+s6+$0x0] =	vst.idx.msk $0xffff, v49;
	v10 =	vld.idx.msk [tilespmem:v2+s20+$0x0], $0xffff  }
0x85: {  	v62 =	vadd.s32 v12, v43;
	v34 =	vor.u32 v8, v25;
	v6 =	vsub.f32 $1.000000000e+00, v6;
	v9 =	vld [tilespmem:$0x1FF20]  }
0x86: {  	v1 =	vadd.s32 v12, v1;
	v4 =	vadd.s32 v13, v43;
	v0 =	vld.idx.msk [tilespmem:v29+s20+$0x0], $0xffff;
	v47 =	vsub.f32 $1.000000000e+00, v63  }
0x87: {  	v13 =	vor.u32 v60, v62;
	v3 =	vor.u32 v52, v54;
	v62 =	vld.idx.msk [tilespmem:v26+s20+$0x0], $0xffff;
	[tilespmem:v27+s6+$0x0] =	vst.idx.msk $0xffff, v6  }
0x88: {  	v54 =	vor.u32 v52, v1;
	v1 =	vld.idx.msk [tilespmem:v59+s20+$0x0], $0xffff;
	v25 =	vsub.f32 $1.000000000e+00, v55;
	[tilespmem:v58+s6+$0x0] =	vst.idx.msk $0xffff, v47  }
0x89: {  	v42 =	vadd.s32 v12, v42;
	v63 =	vor.u32 v7, v45;
	v49 =	vld [tilespmem:$0x1FEB0]  }
0x8a: {  	v43 =	vor.u32 v9, v19;
	v19 =	vor.u32 v32, v42;
	v42 =	vsub.f32 $1.000000000e+00, v10;
	v52 =	vld [tilespmem:$0x1FEC0];
	[tilespmem:v41+s6+$0x0] =	vst.idx.msk $0xffff, v25  }
0x8b: {  	v46 =	vor.u32 v60, v46;
	v0 =	vsub.f32 $1.000000000e+00, v0;
	v10 =	vld [tilespmem:$0x1FF30]  }
0x8c: {  	v48 =	vor.u32 v60, v4;
	v36 =	vor.u32 v9, v36;
	v55 =	vld [tilespmem:$0x1FED0];
	[tilespmem:v2+s6+$0x0] =	vst.idx.msk $0xffff, v42  }
0x8d: {  	v27 =	vor.u32 v60, v39;
	v60 =	vor.u32 v15, v57;
	v57 =	vld [tilespmem:$0x1FEE0];
	[tilespmem:v29+s6+$0x0] =	vst.idx.msk $0xffff, v0  }
0x8e: {  	v28 =	vor.u32 v8, v28;
	v46 =	vor.u32 v5, v46;
	v51 =	vor.u32 v32, v22;
	v0 =	vld [tilespmem:$0x1FEF0]  }
0x8f: {  	v37 =	vor.u32 v5, v44;
	v38 =	vor.u32 v11, v53;
	v12 =	vor.u32 v8, v3;
	v61 =	vld.idx.msk [tilespmem:v63+s20+$0x0], $0xffff  }
0x90: {  	v58 =	vor.u32 v15, v21;
	v44 =	vsub.f32 $1.000000000e+00, v1;
	v42 =	vld.idx.msk [tilespmem:v43+s20+$0x0], $0xffff;
	v47 =	vor.u32 v8, v49  }
0x91: {  	v41 =	vor.u32 v11, v16;
	v29 =	vor.u32 v11, v24;
	v53 =	vld.idx.msk [tilespmem:v36+s20+$0x0], $0xffff;
	v32 =	vor.u32 v9, v52  }
0x92: {  	v52 =	vld.idx.msk [tilespmem:v34+s20+$0x0], $0xffff;
	v20 =	vor.u32 v10, v33;
	v25 =	vor.u32 v10, v55;
	v55 =	vor.u32 v11, v40  }
0x93: {  	s16 =	simm.s32 $0x8;
	v49 =	vld.idx.msk [tilespmem:v60+s20+$0x0], $0xffff;
	v33 =	vor.u32 v10, v31;
	v40 =	vor.u32 v9, v57;
	v31 =	vor.u32 v10, v0  }
.LBB2_3:
0x94: {  	v39 =	vld [tilespmem:$0x1FF00];
	v5 =	vmov v51  }
0x95: {  	v1 =	vld.idx.msk [tilespmem:v47+s20+$0x0], $0xffff;
	[tilespmem:$0x1FE50] =	vst v5  }
0x96: {  	s5 =	sadd.s32 $0x1, s16;
	s11 =	sadd.s32 $0x2, s16;
	s12 =	sadd.s32 $0x3, s16;
	v4 =	vmov v48;
	v48 =	vmov v18;
	v18 =	vld [tilespmem:$0x1FF40];
	[tilespmem:v59+s6+$0x0] =	vst.idx.msk $0xffff, v44  }
0x97: {  	v3 =	vmovc v54;
	v22 =	vld [tilespmem:$0x1FFA0];
	v30 =	vmov s5;
	v45 =	vmov s11;
	[tilespmem:$0x1FE30] =	vst v4;
	v10 =	vmov s12  }
0x98: {  	v2 =	vmovc v55;
	v16 =	vld [tilespmem:$0x1FF50];
	[tilespmem:$0x1FE40] =	vst v3;
	v7 =	vshll.u32 v30, $0x9;
	v8 =	vshll.u32 v45, $0x9;
	v30 =	vshll.u32 v30, $0x7  }
0x99: {  	v17 =	vld [tilespmem:$0x1FF60];
	[tilespmem:$0x1FE20] =	vst v2;
	v55 =	vshll.u32 v45, $0x7;
	v49 =	vsub.f32 $1.000000000e+00, v49;
	v0 =	vor.u32 v39, v50  }
0x9a: {  	v21 =	vld [tilespmem:$0x1FFE0];
	v11 =	vshll.u32 v10, $0x9;
	v45 =	vshll.u32 v10, $0x7;
	[tilespmem:$0x1FE00] =	vst v0;
	v0 =	vsub.f32 $1.000000000e+00, v62  }
0x9b: {  	v6 =	vmovc v19;
	v19 =	vld [tilespmem:$0x1FF70];
	v57 =	vsub.f32 $1.000000000e+00, v61;
	[tilespmem:v60+s6+$0x0] =	vst.idx.msk $0xffff, v49;
	v60 =	vsub.f32 $1.000000000e+00, v52;
	v52 =	vand.u32 $0x1000, v11  }
0x9c: {  	v54 =	vand.u32 $0x380, v45;
	v62 =	vsub.f32 $1.000000000e+00, v42;
	v42 =	vmovc v27;
	v27 =	vld [tilespmem:$0x1FFC0];
	v10 =	vadd.s32 v18, v52;
	[tilespmem:v26+s6+$0x0] =	vst.idx.msk $0xffff, v0  }
0x9d: {  	v59 =	vand.u32 $0x1000, v7;
	v51 =	vand.u32 $0x280, v30;
	[tilespmem:v63+s6+$0x0] =	vst.idx.msk $0xffff, v57;
	v45 =	vor.u32 v54, v10;
	v30 =	vld.idx.msk [tilespmem:v58+s20+$0x0], $0xffff  }
0x9e: {  	v50 =	vor.u32 v39, v56;
	v9 =	vadd.s32 v18, v59;
	v4 =	vadd.s32 v17, v59;
	[tilespmem:$0x1FE60] =	vst v45;
	v45 =	vld [tilespmem:$0x1FFF0]  }
0x9f: {  	[tilespmem:$0x1FE10] =	vst v9;
	v9 =	vadd.s32 v22, v59;
	v11 =	vadd.s32 v21, v59;
	v63 =	vld.idx.msk [tilespmem:v23+s20+$0x0], $0xffff  }
0xa0: {  	v61 =	vor.u32 v51, v4;
	v2 =	vld.idx.msk [tilespmem:v46+s20+$0x0], $0xffff;
	[tilespmem:v43+s6+$0x0] =	vst.idx.msk $0xffff, v62;
	v43 =	vand.u32 $0x1000, v8;
	v8 =	vsub.f32 $1.000000000e+00, v1  }
0xa1: {  	v26 =	vadd.s32 v16, v59;
	v1 =	vor.u32 v51, v9;
	[tilespmem:v34+s6+$0x0] =	vst.idx.msk $0xffff, v60;
	v56 =	vld.idx.msk [tilespmem:v37+s20+$0x0], $0xffff  }
0xa2: {  	v0 =	vor.u32 v51, v11;
	v3 =	vld.idx.msk [tilespmem:v33+s20+$0x0], $0xffff;
	[tilespmem:v47+s6+$0x0] =	vst.idx.msk $0xffff, v8;
	v30 =	vsub.f32 $1.000000000e+00, v30  }
0xa3: {  	v57 =	vadd.s32 v16, v43;
	v7 =	vadd.s32 v21, v43;
	v49 =	vld.idx.msk [tilespmem:v32+s20+$0x0], $0xffff;
	v5 =	vor.u32 v45, v1  }
0xa4: {  	v55 =	vand.u32 $0x300, v55;
	v47 =	vadd.s32 v22, v43;
	[tilespmem:v58+s6+$0x0] =	vst.idx.msk $0xffff, v30;
	v30 =	vadd.s32 v27, v43  }
0xa5: {  	v24 =	vmovc v20;
	v20 =	vld [tilespmem:$0x1FF80];
	v8 =	vadd.s32 v16, v52;
	v7 =	vor.u32 v55, v7;
	v11 =	vor.u32 v55, v57  }
0xa6: {  	v60 =	vld.idx.msk [tilespmem:v40+s20+$0x0], $0xffff;
	v10 =	vadd.s32 v27, v59;
	v47 =	vor.u32 v55, v47;
	v1 =	vadd.s32 v19, v59  }
0xa7: {  	[tilespmem:$0x1FE70] =	vst v14;
	v34 =	vsub.f32 $1.000000000e+00, v56;
	v47 =	vor.u32 v45, v47;
	v56 =	vor.u32 v55, v30;
	v30 =	vmovc v35;
	v35 =	vld [tilespmem:$0x1FFD0]  }
0xa8: {  	v57 =	vmovc v12;
	v3 =	vsub.f32 $1.000000000e+00, v3;
	v12 =	vsub.f32 $1.000000000e+00, v49;
	v58 =	vadd.s32 v27, v52;
	[tilespmem:$0x1FE80] =	vst v56;
	v15 =	vld.idx.msk [tilespmem:v5+s20+$0x0], $0xffff  }
0xa9: {  	v1 =	vor.u32 v51, v1;
	v14 =	vld.idx.msk [tilespmem:v50+s20+$0x0], $0xffff;
	v56 =	vor.u32 v54, v58;
	[tilespmem:v37+s6+$0x0] =	vst.idx.msk $0xffff, v34  }
0xaa: {  	v58 =	vor.u32 v54, v8;
	[tilespmem:v32+s6+$0x0] =	vst.idx.msk $0xffff, v12;
	v37 =	vsub.f32 $1.000000000e+00, v53;
	v8 =	vld.idx.msk [tilespmem:v38+s20+$0x0], $0xffff  }
0xab: {  	v49 =	vmov v13;
	v13 =	vadd.s32 v17, v43;
	v32 =	vld.idx.msk [tilespmem:v31+s20+$0x0], $0xffff;
	[tilespmem:v33+s6+$0x0] =	vst.idx.msk $0xffff, v3  }
0xac: {  	v12 =	vsub.f32 $1.000000000e+00, v60;
	v53 =	vadd.s32 v22, v52;
	[tilespmem:v36+s6+$0x0] =	vst.idx.msk $0xffff, v37;
	v4 =	vor.u32 v35, v0  }
0xad: {  	[tilespmem:$0x1FE90] =	vst v1;
	v36 =	vld.idx.msk [tilespmem:v47+s20+$0x0], $0xffff;
	v0 =	vor.u32 v54, v53;
	v53 =	vor.u32 v35, v7;
	v15 =	vsub.f32 $1.000000000e+00, v15  }
0xae: {  	[tilespmem:v40+s6+$0x0] =	vst.idx.msk $0xffff, v12;
	v7 =	vor.u32 v45, v0;
	v0 =	vor.u32 v55, v13;
	v13 =	vsub.f32 $1.000000000e+00, v14  }
0xaf: {  	s13 =	smov.u32 s16;
	v34 =	vadd.s32 v20, v59;
	v59 =	vadd.s32 v17, v52;
	v8 =	vsub.f32 $1.000000000e+00, v8;
	[tilespmem:v5+s6+$0x0] =	vst.idx.msk $0xffff, v15  }
0xb0: {  	v37 =	vsub.f32 $1.000000000e+00, v63;
	v12 =	vmov s13;
	v63 =	vsub.f32 $1.000000000e+00, v32;
	v14 =	vld.idx.msk [tilespmem:v25+s20+$0x0], $0xffff;
	[tilespmem:v50+s6+$0x0] =	vst.idx.msk $0xffff, v13  }
0xb1: {  	v1 =	vor.u32 v54, v59;
	v13 =	vshll.u32 v12, $0x9;
	[tilespmem:v38+s6+$0x0] =	vst.idx.msk $0xffff, v8;
	v59 =	vld.idx.msk [tilespmem:v41+s20+$0x0], $0xffff  }
0xb2: {  	[tilespmem:v31+s6+$0x0] =	vst.idx.msk $0xffff, v63;
	v3 =	vand.u32 $0x1000, v13;
	v31 =	vld.idx.msk [tilespmem:v28+s20+$0x0], $0xffff  }
0xb3: {  	v12 =	vshll.u32 v12, $0x7;
	v13 =	vadd.s32 v22, v3;
	v22 =	vld [tilespmem:$0x1FF90]  }
0xb4: {  	v9 =	vor.u32 v51, v26;
	v12 =	vand.u32 $0x200, v12;
	v33 =	vld.idx.msk [tilespmem:v4+s20+$0x0], $0xffff  }
0xb5: {  	v26 =	vadd.s32 v21, v52;
	v2 =	vsub.f32 $1.000000000e+00, v2;
	v13 =	vor.u32 v12, v13;
	v32 =	vld.idx.msk [tilespmem:v7+s20+$0x0], $0xffff  }
0xb6: {  	v60 =	vadd.s32 v16, v3;
	v13 =	vor.u32 v45, v13;
	v45 =	vadd.s32 v21, v3;
	v21 =	vld [tilespmem:$0x1FE00]  }
0xb7: {  	v44 =	vadd.s32 v19, v43;
	[tilespmem:v23+s6+$0x0] =	vst.idx.msk $0xffff, v37;
	v15 =	vor.u32 v12, v60;
	v60 =	vld.idx.msk [tilespmem:v24+s20+$0x0], $0xffff  }
0xb8: {  	v50 =	vadd.s32 v27, v3;
	v14 =	vsub.f32 $1.000000000e+00, v14;
	[tilespmem:v46+s6+$0x0] =	vst.idx.msk $0xffff, v2;
	v2 =	vadd.s32 v17, v3;
	v17 =	vld [tilespmem:$0x1FF20]  }
0xb9: {  	v27 =	vadd.s32 v20, v3;
	v50 =	vor.u32 v12, v50;
	v46 =	vld.idx.msk [tilespmem:v29+s20+$0x0], $0xffff;
	v8 =	vor.u32 v12, v45  }
0xba: {  	[tilespmem:v25+s6+$0x0] =	vst.idx.msk $0xffff, v14;
	v14 =	vadd.s32 v19, v3;
	v45 =	vld [tilespmem:$0x1FE30];
	v63 =	vsub.f32 $1.000000000e+00, v59;
	v15 =	vor.u32 v22, v15  }
0xbb: {  	v2 =	vor.u32 v12, v2;
	v3 =	vadd.s32 v18, v3;
	v14 =	vor.u32 v12, v14;
	v23 =	vmovc v15;
	v15 =	vld [tilespmem:$0x1FF10]  }
0xbc: {  	v36 =	vsub.f32 $1.000000000e+00, v36;
	v3 =	vor.u32 v12, v3;
	[tilespmem:v41+s6+$0x0] =	vst.idx.msk $0xffff, v63;
	v41 =	vor.u32 v12, v27;
	v12 =	vld [tilespmem:$0x1FE10]  }
0xbd: {  	v62 =	vadd.s32 v20, v43;
	v26 =	vor.u32 v54, v26;
	v10 =	vor.u32 v51, v10;
	v38 =	vld.idx.msk [tilespmem:v13+s20+$0x0], $0xffff  }
0xbe: {  	v26 =	vor.u32 v35, v26;
	[tilespmem:v47+s6+$0x0] =	vst.idx.msk $0xffff, v36;
	v36 =	vsub.f32 $1.000000000e+00, v32;
	v16 =	vld.idx.msk [tilespmem:v21+s20+$0x0], $0xffff  }
0xbf: {  	v40 =	vadd.s32 v19, v52;
	v59 =	vor.u32 v22, v9;
	v5 =	vsub.f32 $1.000000000e+00, v60;
	v9 =	vld.idx.msk [tilespmem:v57+s20+$0x0], $0xffff  }
0xc0: {  	v37 =	vor.u32 v39, v10;
	v19 =	vor.u32 v51, v34;
	[tilespmem:v7+s6+$0x0] =	vst.idx.msk $0xffff, v36;
	v7 =	vld [tilespmem:$0x1FF30]  }
0xc1: {  	[tilespmem:v24+s6+$0x0] =	vst.idx.msk $0xffff, v5;
	v36 =	vsub.f32 $1.000000000e+00, v46;
	v46 =	vld [tilespmem:$0x1FEA0];
	v34 =	vor.u32 v15, v42;
	v42 =	vsub.f32 $1.000000000e+00, v33  }
0xc2: {  	v25 =	vadd.s32 v18, v43;
	v43 =	vor.u32 v17, v6;
	v5 =	vor.u32 v54, v40;
	v10 =	vld.idx.msk [tilespmem:v53+s20+$0x0], $0xffff  }
0xc3: {  	[tilespmem:v4+s6+$0x0] =	vst.idx.msk $0xffff, v42;
	v4 =	vor.u32 v55, v62;
	v62 =	vld.idx.msk [tilespmem:v26+s20+$0x0], $0xffff;
	v40 =	vsub.f32 $1.000000000e+00, v16  }
0xc4: {  	v6 =	vor.u32 v55, v44;
	v32 =	vor.u32 v17, v48;
	v48 =	vor.u32 v55, v25;
	v55 =	vld [tilespmem:$0x1FE40]  }
0xc5: {  	[tilespmem:v21+s6+$0x0] =	vst.idx.msk $0xffff, v40;
	v21 =	vld [tilespmem:$0x1FE20]  }
0xc6: {  	v25 =	vor.u32 v7, v46;
	v46 =	vld [tilespmem:$0x1FE70]  }
0xc7: {  	v9 =	vsub.f32 $1.000000000e+00, v9;
	v16 =	vld [tilespmem:$0x1FFB0]  }
0xc8: {  	v63 =	vor.u32 v35, v8;
	[tilespmem:v29+s6+$0x0] =	vst.idx.msk $0xffff, v36;
	v8 =	vld.idx.msk [tilespmem:v59+s20+$0x0], $0xffff  }
0xc9: {  	v27 =	vmov v6;
	v6 =	vsub.f32 $1.000000000e+00, v10;
	[tilespmem:v57+s6+$0x0] =	vst.idx.msk $0xffff, v9;
	v57 =	vld [tilespmem:$0x1FE90]  }
0xca: {  	v42 =	vadd.s32 v20, v52;
	v52 =	vld.idx.msk [tilespmem:v34+s20+$0x0], $0xffff  }
0xcb: {  	[tilespmem:v53+s6+$0x0] =	vst.idx.msk $0xffff, v6;
	v53 =	vld [tilespmem:$0x1FE80]  }
0xcc: {  	v36 =	vor.u32 v17, v55;
	v55 =	vor.u32 v16, v2;
	v2 =	vld [tilespmem:$0x1FE60]  }
0xcd: {  	v60 =	vor.u32 v22, v11;
	v51 =	vor.u32 v51, v12;
	v12 =	vld.idx.msk [tilespmem:v21+s20+$0x0], $0xffff  }
0xce: {  	v35 =	vmovc v14;
	v44 =	vsub.f32 $1.000000000e+00, v31;
	v14 =	vsub.f32 $1.000000000e+00, v38;
	v38 =	vor.u32 v16, v61;
	v61 =	vld [tilespmem:$0x1FE50]  }
0xcf: {  	p1 =	slt.u32 s16, $0xC;
	v58 =	vor.u32 v22, v58;
	v47 =	vor.u32 v15, v30;
	v20 =	vor.u32 v7, v45  }
.Ltmp0:
0xd0: {  	v18 =	vmov v41;
	v54 =	vor.u32 v54, v42;
	[tilespmem:v28+s6+$0x0] =	vst.idx.msk $0xffff, v44;
	v40 =	vor.u32 v17, v49;
	(pc) =	sbr.rel @p1 .LBB2_3-.Ltmp0, $4  }
0xd1: {  	v42 =	vld.idx.msk [tilespmem:v43+s20+$0x0], $0xffff;
	v31 =	vor.u32 v7, v46;
	v28 =	vor.u32 v15, v57;
	v29 =	vor.u32 v16, v0  }
0xd2: {  	v49 =	vld.idx.msk [tilespmem:v60+s20+$0x0], $0xffff;
	v41 =	vor.u32 v16, v1;
	[tilespmem:v13+s6+$0x0] =	vst.idx.msk $0xffff, v14;
	v10 =	vmov v2;
	v11 =	vsub.f32 $1.000000000e+00, v12  }
0xd3: {  	v44 =	vsub.f32 $1.000000000e+00, v8;
	v46 =	vor.u32 v39, v53;
	v53 =	vld.idx.msk [tilespmem:v36+s20+$0x0], $0xffff;
	v33 =	vor.u32 v7, v61;
	[tilespmem:$0x1FEA0] =	vst v10  }
0xd4: {  	s16 =	sadd.s32 $0x4, s16;
	v13 =	vmov v4;
	v14 =	vmov v3;
	v61 =	vld.idx.msk [tilespmem:v63+s20+$0x0], $0xffff;
	v12 =	vor.u32 v15, v5;
	[tilespmem:v21+s6+$0x0] =	vst.idx.msk $0xffff, v11  }
0xd5: {  	_ =	sdelay $0x2  }
0xd6: {  	v1 =	vsub.f32 $1.000000000e+00, v62  }
0xd7: {  	v0 =	vsub.f32 $1.000000000e+00, v61  }
0xd8: {  	[tilespmem:v26+s6+$0x0] =	vst.idx.msk $0xffff, v1  }
0xd9: {  	[tilespmem:v63+s6+$0x0] =	vst.idx.msk $0xffff, v0  }
0xda: {  	v45 =	vld [tilespmem:$0x1FF00];
	_ =	sdelay $0x1  }
0xdb: {  	v1 =	vld.idx.msk [tilespmem:v58+s20+$0x0], $0xffff  }
0xdc: {  	v0 =	vld.idx.msk [tilespmem:v23+s20+$0x0], $0xffff;
	_ =	sdelay $0x1  }
0xdd: {  	v3 =	vor.u32 v45, v56  }
0xde: {  	v4 =	vsub.f32 $1.000000000e+00, v49;
	v2 =	vor.u32 v45, v50  }
0xdf: {  	[tilespmem:v59+s6+$0x0] =	vst.idx.msk $0xffff, v44;
	v1 =	vsub.f32 $1.000000000e+00, v1  }
0xe0: {  	[tilespmem:v60+s6+$0x0] =	vst.idx.msk $0xffff, v4;
	v5 =	vld.idx.msk [tilespmem:v37+s20+$0x0], $0xffff;
	v0 =	vsub.f32 $1.000000000e+00, v0  }
0xe1: {  	v4 =	vld.idx.msk [tilespmem:v46+s20+$0x0], $0xffff;
	[tilespmem:v58+s6+$0x0] =	vst.idx.msk $0xffff, v1  }
0xe2: {  	[tilespmem:v23+s6+$0x0] =	vst.idx.msk $0xffff, v0;
	v1 =	vld.idx.msk [tilespmem:v3+s20+$0x0], $0xffff  }
0xe3: {  	v0 =	vld.idx.msk [tilespmem:v2+s20+$0x0], $0xffff;
	_ =	sdelay $0x1  }
0xe4: {  	v5 =	vsub.f32 $1.000000000e+00, v5  }
0xe5: {  	v4 =	vsub.f32 $1.000000000e+00, v4  }
0xe6: {  	[tilespmem:v37+s6+$0x0] =	vst.idx.msk $0xffff, v5;
	v1 =	vsub.f32 $1.000000000e+00, v1  }
0xe7: {  	[tilespmem:v46+s6+$0x0] =	vst.idx.msk $0xffff, v4;
	v5 =	vld.idx.msk [tilespmem:v38+s20+$0x0], $0xffff;
	v0 =	vsub.f32 $1.000000000e+00, v0  }
0xe8: {  	v57 =	vld.idx.msk [tilespmem:v29+s20+$0x0], $0xffff;
	[tilespmem:v3+s6+$0x0] =	vst.idx.msk $0xffff, v1  }
0xe9: {  	[tilespmem:v2+s6+$0x0] =	vst.idx.msk $0xffff, v0;
	v1 =	vld.idx.msk [tilespmem:v41+s20+$0x0], $0xffff  }
0xea: {  	v49 =	vld [tilespmem:$0x1FF10]  }
0xeb: {  	v0 =	vld.idx.msk [tilespmem:v55+s20+$0x0], $0xffff;
	_ =	sdelay $0x1  }
0xec: {  	v5 =	vsub.f32 $1.000000000e+00, v5  }
0xed: {  	v2 =	vsub.f32 $1.000000000e+00, v57  }
0xee: {  	v59 =	vld.idx.msk [tilespmem:v47+s20+$0x0], $0xffff;
	[tilespmem:v38+s6+$0x0] =	vst.idx.msk $0xffff, v5;
	v58 =	vor.u32 v49, v35;
	v1 =	vsub.f32 $1.000000000e+00, v1  }
0xef: {  	[tilespmem:v29+s6+$0x0] =	vst.idx.msk $0xffff, v2;
	v6 =	vor.u32 v49, v27;
	v0 =	vsub.f32 $1.000000000e+00, v0  }
0xf0: {  	v5 =	vld.idx.msk [tilespmem:v28+s20+$0x0], $0xffff;
	[tilespmem:v41+s6+$0x0] =	vst.idx.msk $0xffff, v1  }
0xf1: {  	[tilespmem:v55+s6+$0x0] =	vst.idx.msk $0xffff, v0;
	v61 =	vld.idx.msk [tilespmem:v12+s20+$0x0], $0xffff  }
0xf2: {  	v46 =	vld [tilespmem:$0x1FF20]  }
0xf3: {  	v60 =	vsub.f32 $1.000000000e+00, v59;
	v0 =	vld.idx.msk [tilespmem:v58+s20+$0x0], $0xffff  }
0xf4: {  	v8 =	vsub.f32 $1.000000000e+00, v52;
	v7 =	vld.idx.msk [tilespmem:v6+s20+$0x0], $0xffff  }
0xf5: {  	v5 =	vsub.f32 $1.000000000e+00, v5;
	[tilespmem:v47+s6+$0x0] =	vst.idx.msk $0xffff, v60  }
0xf6: {  	v42 =	vsub.f32 $1.000000000e+00, v42;
	[tilespmem:v34+s6+$0x0] =	vst.idx.msk $0xffff, v8;
	v9 =	vld.idx.msk [tilespmem:v32+s20+$0x0], $0xffff  }
0xf7: {  	[tilespmem:v28+s6+$0x0] =	vst.idx.msk $0xffff, v5;
	v4 =	vsub.f32 $1.000000000e+00, v61  }
0xf8: {  	[tilespmem:v43+s6+$0x0] =	vst.idx.msk $0xffff, v42;
	v62 =	vor.u32 v46, v19;
	v0 =	vsub.f32 $1.000000000e+00, v0  }
0xf9: {  	v63 =	vor.u32 v46, v18;
	v7 =	vsub.f32 $1.000000000e+00, v7;
	[tilespmem:v12+s6+$0x0] =	vst.idx.msk $0xffff, v4  }
0xfa: {  	[tilespmem:v58+s6+$0x0] =	vst.idx.msk $0xffff, v0  }
0xfb: {  	v11 =	vld.idx.msk [tilespmem:v40+s20+$0x0], $0xffff;
	v35 =	vor.u32 v46, v13;
	v44 =	vsub.f32 $1.000000000e+00, v9;
	[tilespmem:v6+s6+$0x0] =	vst.idx.msk $0xffff, v7  }
0xfc: {  	v50 =	vsub.f32 $1.000000000e+00, v53;
	v10 =	vor.u32 v46, v54;
	v39 =	vld [tilespmem:$0x1FF30]  }
0xfd: {  	v5 =	vld.idx.msk [tilespmem:v62+s20+$0x0], $0xffff;
	[tilespmem:v32+s6+$0x0] =	vst.idx.msk $0xffff, v44  }
0xfe: {  	v3 =	vld.idx.msk [tilespmem:v63+s20+$0x0], $0xffff;
	[tilespmem:v36+s6+$0x0] =	vst.idx.msk $0xffff, v50  }
0xff: {  	v0 =	vld [tilespmem:$0x1FEA0]  }
0x100: {  	v7 =	vld.idx.msk [tilespmem:v35+s20+$0x0], $0xffff  }
0x101: {  	v52 =	vsub.f32 $1.000000000e+00, v11;
	v47 =	vld.idx.msk [tilespmem:v10+s20+$0x0], $0xffff;
	v51 =	vor.u32 v39, v51  }
0x102: {  	v12 =	vld.idx.msk [tilespmem:v33+s20+$0x0], $0xffff;
	v53 =	vor.u32 v39, v14  }
0x103: {  	v13 =	vld.idx.msk [tilespmem:v31+s20+$0x0], $0xffff;
	[tilespmem:v40+s6+$0x0] =	vst.idx.msk $0xffff, v52;
	v5 =	vsub.f32 $1.000000000e+00, v5;
	v54 =	vor.u32 v39, v48  }
0x104: {  	v15 =	vld.idx.msk [tilespmem:v20+s20+$0x0], $0xffff;
	v3 =	vsub.f32 $1.000000000e+00, v3;
	v0 =	vor.u32 v39, v0  }
0x105: {  	v14 =	vld.idx.msk [tilespmem:v25+s20+$0x0], $0xffff;
	v56 =	vsub.f32 $1.000000000e+00, v7;
	[tilespmem:v62+s6+$0x0] =	vst.idx.msk $0xffff, v5  }
0x106: {  	v55 =	vsub.f32 $1.000000000e+00, v47;
	[tilespmem:v63+s6+$0x0] =	vst.idx.msk $0xffff, v3;
	v5 =	vld.idx.msk [tilespmem:v51+s20+$0x0], $0xffff  }
0x107: {  	v57 =	vsub.f32 $1.000000000e+00, v12;
	[tilespmem:v35+s6+$0x0] =	vst.idx.msk $0xffff, v56;
	v58 =	vld.idx.msk [tilespmem:v53+s20+$0x0], $0xffff  }
0x108: {  	v59 =	vsub.f32 $1.000000000e+00, v13;
	[tilespmem:v10+s6+$0x0] =	vst.idx.msk $0xffff, v55;
	v62 =	vld.idx.msk [tilespmem:v54+s20+$0x0], $0xffff  }
0x109: {  	[tilespmem:v33+s6+$0x0] =	vst.idx.msk $0xffff, v57;
	v63 =	vsub.f32 $1.000000000e+00, v15;
	v60 =	vld.idx.msk [tilespmem:v0+s20+$0x0], $0xffff  }
0x10a: {  	[tilespmem:v31+s6+$0x0] =	vst.idx.msk $0xffff, v59;
	v61 =	vsub.f32 $1.000000000e+00, v14  }
0x10b: {  	[tilespmem:v20+s6+$0x0] =	vst.idx.msk $0xffff, v63;
	v5 =	vsub.f32 $1.000000000e+00, v5  }
0x10c: {  	[tilespmem:v25+s6+$0x0] =	vst.idx.msk $0xffff, v61;
	v7 =	vsub.f32 $1.000000000e+00, v58  }
0x10d: {  	v9 =	vsub.f32 $1.000000000e+00, v62;
	[tilespmem:v51+s6+$0x0] =	vst.idx.msk $0xffff, v5  }
0x10e: {  	v8 =	vsub.f32 $1.000000000e+00, v60;
	[tilespmem:v53+s6+$0x0] =	vst.idx.msk $0xffff, v7  }
0x10f: {  	[tilespmem:v54+s6+$0x0] =	vst.idx.msk $0xffff, v9  }
0x110: {  	[tilespmem:v0+s6+$0x0] =	vst.idx.msk $0xffff, v8  }
0x111: {  	s5 =	simm.s32 $0x1;
	s12 =	rddreg [dreg:$0xb]  }
0x112: {  	v10 =	vmov s5;
	s5 =	sadd.s32 s9, s12  }
0x113: {  	[hbm4b:s5+s6] =	stream.linear.scatter [tilespmem:s6], [sflag:$0x9], $0x2000, $0x38;
	[tilespmem:$0x10080] =	vst v63  }
0x114: {  	s5 =	simm.s32 @!p0 $0xC  }
0x115: {  	v52 =	vld [tilespmem:$0x1FF40];
	_ =	swait.ge @!p0 [sflag:s5], $0x2000  }
0x116: {  	s11 =	simm.s32 $0x2;
	v59 =	vld [tilespmem:$0x1FFA0]  }
0x117: {  	s13 =	simm.s32 $0x3;
	v11 =	vmov s11;
	v50 =	vld [tilespmem:$0x1FF50]  }
0x118: {  	v34 =	vmov s13;
	v1 =	vshll.u32 v11, $0x7;
	v54 =	vld [tilespmem:$0x1FF60]  }
0x119: {  	v4 =	vshll.u32 v34, $0x7;
	v1 =	vand.u32 $0x300, v1;
	v33 =	vshll.u32 v11, $0x9;
	v53 =	vld [tilespmem:$0x1FFE0]  }
0x11a: {  	v4 =	vand.u32 $0x380, v4;
	v35 =	vshll.u32 v34, $0x9;
	v3 =	vand.u32 $0x1000, v33;
	v58 =	vld [tilespmem:$0x1FF70]  }
0x11b: {  	v32 =	vshll.u32 v10, $0x9;
	v6 =	vand.u32 $0x1000, v35;
	v0 =	vshll.u32 v10, $0x7;
	s16 =	rddreg [dreg:$0xa]  }
0x11c: {  	v2 =	vand.u32 $0x1000, v32;
	v0 =	vand.u32 $0x280, v0;
	[sflag:s5] =	ssyncset.done @!p0 $0x0;
	s16 =	sadd.s32 s16, s9;
	v43 =	vadd.s32 v52, v6  }
0x11d: {  	s12 =	simm.s32 $0x0;
	v11 =	vld [tilespmem:$0x1FFF0];
	v5 =	vadd.s32 v52, v2;
	[sflag:s5] =	ssyncadd.s32 @!p0 $0xFFFFE000;
	s11 =	sadd.s32 s1, s16;
	v10 =	vor.u32 v4, v43;
	v36 =	vadd.s32 v59, v2  }
0x11e: {  	[tilespmem:s28], [sflag:$0x4] =	stream.linear.gather [hbm4b:s11+s12], $0x2000, $0x38;
	v37 =	vadd.s32 v50, v2;
	v38 =	vadd.s32 v50, v3;
	v22 =	vadd.s32 v54, v2;
	[tilespmem:$0x10080] =	vst v63  }
0x11f: {  	s13 =	sadd.s32 s2, s16;
	[tilespmem:$0x1FDC0] =	vst v10;
	v12 =	vadd.s32 v53, v2;
	v13 =	vadd.s32 v59, v3;
	v44 =	vadd.s32 v58, v2  }
0x120: {  	[tilespmem:s29], [sflag:$0x8] =	stream.linear.gather [hbm4b:s13+s12], $0x2000, $0x38;
	v40 =	vadd.s32 v58, v3;
	v15 =	vadd.s32 v53, v3;
	v16 =	vadd.s32 v50, v6;
	[tilespmem:$0x10080] =	vst v63  }
0x121: {  	v17 =	vadd.s32 v53, v6;
	v21 =	vadd.s32 v54, v3;
	v7 =	vor.u32 v0, v36;
	_ =	swait.ge [sflag:s30], $0x2000  }
0x122: {  	v25 =	vadd.s32 v54, v6;
	v29 =	vadd.s32 v58, v6;
	v7 =	vor.u32 v11, v7;
	[sflag:s30] =	ssyncset.done $0x0;
	v14 =	vld [tilespmem:$0x1FFC0]  }
0x123: {  	v12 =	vor.u32 v0, v12;
	v8 =	vor.u32 v0, v37;
	v17 =	vor.u32 v4, v17;
	v60 =	vld [tilespmem:$0x1FF80];
	[sflag:s30] =	ssyncadd.s32 $0xFFFFE000  }
0x124: {  	v15 =	vor.u32 v1, v15;
	v13 =	vor.u32 v1, v13;
	v9 =	vor.u32 v1, v38;
	_ =	swait.ge [sflag:s31], $0x2000  }
0x125: {  	v41 =	vor.u32 v0, v22;
	v10 =	vor.u32 v0, v44;
	v16 =	vor.u32 v4, v16;
	[sflag:s31] =	ssyncset.done $0x0;
	v24 =	vld [tilespmem:$0x1FFD0]  }
0x126: {  	v32 =	vor.u32 v1, v21;
	v34 =	vor.u32 v4, v25;
	v61 =	vor.u32 v4, v29;
	[sflag:s31] =	ssyncadd.s32 $0xFFFFE000  }
0x127: {  	v62 =	vor.u32 v1, v40;
	v13 =	vor.u32 v11, v13;
	v61 =	vor.u32 v49, v61;
	v22 =	vld.idx.msk [tilespmem:v7+s22+$0x0], $0xffff  }
0x128: {  	v18 =	vadd.s32 v14, v2;
	v20 =	vadd.s32 v60, v3;
	v19 =	vadd.s32 v14, v3  }
0x129: {  	v2 =	vadd.s32 v60, v2;
	v23 =	vor.u32 v1, v19;
	v19 =	vadd.s32 v14, v6  }
0x12a: {  	v26 =	vor.u32 v4, v19;
	v19 =	vadd.s32 v59, v6;
	v12 =	vor.u32 v24, v12  }
0x12b: {  	v19 =	vor.u32 v4, v19;
	v30 =	vor.u32 v24, v17;
	v17 =	vmov s12  }
0x12c: {  	v27 =	vor.u32 v11, v19;
	v19 =	vshll.u32 v17, $0x9;
	v22 =	vsub.f32 $1.000000000e+00, v22  }
0x12d: {  	v3 =	vadd.s32 v52, v3;
	v17 =	vshll.u32 v17, $0x7;
	v28 =	vand.u32 $0x1000, v19  }
0x12e: {  	v19 =	vld.idx.msk [tilespmem:v13+s22+$0x0], $0xffff;
	v31 =	vand.u32 $0x200, v17;
	v17 =	vadd.s32 v59, v28;
	[tilespmem:v7+s21+$0x0] =	vst.idx.msk $0xffff, v22  }
0x12f: {  	v38 =	vadd.s32 v60, v6;
	v18 =	vor.u32 v0, v18;
	v17 =	vor.u32 v31, v17;
	v44 =	vld [tilespmem:$0x1FF90]  }
0x130: {  	v63 =	vor.u32 v0, v2;
	v33 =	vor.u32 v1, v3;
	v7 =	vor.u32 v11, v17;
	v22 =	vld.idx.msk [tilespmem:v12+s22+$0x0], $0xffff  }
0x131: {  	v36 =	vor.u32 v4, v38;
	v15 =	vor.u32 v24, v15;
	v25 =	vadd.s32 v14, v28  }
0x132: {  	v36 =	vor.u32 v46, v36;
	v21 =	vadd.s32 v50, v28;
	v37 =	vor.u32 v31, v25;
	v48 =	vld.idx.msk [tilespmem:v27+s22+$0x0], $0xffff  }
0x133: {  	v17 =	vor.u32 v31, v21;
	v21 =	vadd.s32 v53, v28;
	v19 =	vsub.f32 $1.000000000e+00, v19  }
0x134: {  	v25 =	vadd.s32 v60, v28;
	v47 =	vor.u32 v31, v21;
	v8 =	vor.u32 v44, v8  }
0x135: {  	v21 =	vadd.s32 v58, v28;
	[tilespmem:v13+s21+$0x0] =	vst.idx.msk $0xffff, v19;
	v57 =	vld.idx.msk [tilespmem:v7+s22+$0x0], $0xffff;
	v42 =	vsub.f32 $1.000000000e+00, v22  }
0x136: {  	v51 =	vadd.s32 v54, v28;
	v25 =	vor.u32 v31, v25;
	v55 =	vor.u32 v31, v21;
	v13 =	vld.idx.msk [tilespmem:v15+s22+$0x0], $0xffff  }
0x137: {  	v19 =	vor.u32 v1, v20;
	v17 =	vor.u32 v44, v17;
	v43 =	vsub.f32 $1.000000000e+00, v48;
	[tilespmem:v12+s21+$0x0] =	vst.idx.msk $0xffff, v42  }
0x138: {  	v22 =	vor.u32 v45, v18;
	v18 =	vor.u32 v24, v47;
	v12 =	vadd.s32 v52, v28;
	[tilespmem:$0x1FDD0] =	vst v19  }
0x139: {  	v47 =	vor.u32 v31, v51;
	v12 =	vor.u32 v31, v12;
	[tilespmem:v27+s21+$0x0] =	vst.idx.msk $0xffff, v43;
	v20 =	vld.idx.msk [tilespmem:v8+s22+$0x0], $0xffff  }
0x13a: {  	v9 =	vor.u32 v44, v9;
	v4 =	vor.u32 v44, v16;
	[tilespmem:$0x1FDE0] =	vst v12;
	v48 =	vsub.f32 $1.000000000e+00, v57  }
0x13b: {  	s12 =	simm.s32 $0x5;
	v31 =	vor.u32 v0, v5;
	v0 =	vor.u32 v45, v23;
	v40 =	vsub.f32 $1.000000000e+00, v13;
	v51 =	vld.idx.msk [tilespmem:v30+s22+$0x0], $0xffff  }
0x13c: {  	s13 =	simm.s32 $0x6;
	v27 =	vor.u32 v49, v10;
	v10 =	vor.u32 v45, v37;
	v12 =	vmov s12;
	[tilespmem:v7+s21+$0x0] =	vst.idx.msk $0xffff, v48  }
0x13d: {  	s12 =	simm.s32 $0x7;
	v16 =	vshll.u32 v12, $0x9;
	v48 =	vshll.u32 v12, $0x7;
	v57 =	vld [tilespmem:$0x1FFB0];
	[tilespmem:v15+s21+$0x0] =	vst.idx.msk $0xffff, v40;
	v15 =	vmov s13  }
0x13e: {  	v12 =	vmov s12;
	v42 =	vld.idx.msk [tilespmem:v18+s22+$0x0], $0xffff;
	v43 =	vsub.f32 $1.000000000e+00, v20;
	v20 =	vshll.u32 v15, $0x9  }
0x13f: {  	v19 =	vmovc v49;
	v13 =	vor.u32 v45, v26;
	v49 =	vshll.u32 v12, $0x7;
	v37 =	vand.u32 $0x1000, v20  }
0x140: {  	v15 =	vshll.u32 v15, $0x7;
	v5 =	vsub.f32 $1.000000000e+00, v51;
	v38 =	vadd.s32 v50, v37  }
0x141: {  	v15 =	vand.u32 $0x300, v15;
	[tilespmem:v8+s21+$0x0] =	vst.idx.msk $0xffff, v43;
	v35 =	vadd.s32 v58, v37;
	v56 =	vadd.s32 v53, v37  }
0x142: {  	v43 =	vadd.s32 v54, v37;
	v29 =	vor.u32 v57, v47;
	v47 =	vld.idx.msk [tilespmem:v9+s22+$0x0], $0xffff;
	[tilespmem:v30+s21+$0x0] =	vst.idx.msk $0xffff, v5  }
0x143: {  	v6 =	vor.u32 v57, v41;
	v21 =	vor.u32 v57, v32;
	v23 =	vsub.f32 $1.000000000e+00, v42;
	v20 =	vld.idx.msk [tilespmem:v4+s22+$0x0], $0xffff  }
0x144: {  	v32 =	vand.u32 $0x1000, v16;
	v16 =	vshll.u32 v12, $0x9;
	v12 =	vand.u32 $0x280, v48;
	v40 =	vld.idx.msk [tilespmem:v22+s22+$0x0], $0xffff  }
0x145: {  	v5 =	vand.u32 $0x380, v49;
	v26 =	vadd.s32 v59, v32;
	v1 =	vand.u32 $0x1000, v16  }
0x146: {  	v30 =	vadd.s32 v50, v32;
	v26 =	vor.u32 v12, v26;
	v16 =	vadd.s32 v52, v1  }
0x147: {  	v51 =	vadd.s32 v53, v32;
	v16 =	vor.u32 v5, v16;
	v42 =	vor.u32 v11, v26  }
0x148: {  	v8 =	vor.u32 v12, v51;
	v51 =	vor.u32 v12, v30;
	[tilespmem:$0x1FDA0] =	vst v16;
	v20 =	vsub.f32 $1.000000000e+00, v20  }
0x149: {  	v30 =	vadd.s32 v53, v1;
	v7 =	vsub.f32 $1.000000000e+00, v47;
	[tilespmem:v18+s21+$0x0] =	vst.idx.msk $0xffff, v23;
	v18 =	vsub.f32 $1.000000000e+00, v40  }
0x14a: {  	v40 =	vor.u32 v15, v56;
	v56 =	vadd.s32 v14, v37;
	v23 =	vld.idx.msk [tilespmem:v17+s22+$0x0], $0xffff;
	[tilespmem:v4+s21+$0x0] =	vst.idx.msk $0xffff, v20  }
0x14b: {  	v47 =	vor.u32 v5, v30;
	v16 =	vor.u32 v15, v56;
	[tilespmem:v22+s21+$0x0] =	vst.idx.msk $0xffff, v18;
	v30 =	vld.idx.msk [tilespmem:v13+s22+$0x0], $0xffff  }
0x14c: {  	v41 =	vadd.s32 v59, v37;
	v20 =	vadd.s32 v14, v32;
	v49 =	vld.idx.msk [tilespmem:v42+s22+$0x0], $0xffff;
	[tilespmem:$0x1FDF0] =	vst v16  }
0x14d: {  	v2 =	vor.u32 v57, v34;
	v48 =	vor.u32 v12, v20;
	v20 =	vor.u32 v15, v41;
	v41 =	vld.idx.msk [tilespmem:v6+s22+$0x0], $0xffff  }
0x14e: {  	v38 =	vor.u32 v15, v38;
	v35 =	vor.u32 v15, v35;
	v18 =	vadd.s32 v59, v1  }
0x14f: {  	v20 =	vor.u32 v11, v20;
	[tilespmem:v9+s21+$0x0] =	vst.idx.msk $0xffff, v7;
	v9 =	vor.u32 v5, v18  }
0x150: {  	v34 =	vadd.s32 v52, v32;
	v7 =	vor.u32 v11, v9;
	v18 =	vsub.f32 $1.000000000e+00, v30  }
0x151: {  	v28 =	vmovc v45;
	v3 =	vadd.s32 v54, v32;
	v45 =	vadd.s32 v50, v1;
	v8 =	vor.u32 v24, v8  }
0x152: {  	v26 =	vadd.s32 v58, v32;
	v9 =	vld.idx.msk [tilespmem:v0+s22+$0x0], $0xffff;
	v41 =	vsub.f32 $1.000000000e+00, v41;
	[tilespmem:v13+s21+$0x0] =	vst.idx.msk $0xffff, v18  }
0x153: {  	s13 =	simm.s32 $0x4;
	v23 =	vsub.f32 $1.000000000e+00, v23;
	v13 =	vor.u32 v24, v40;
	v18 =	vsub.f32 $1.000000000e+00, v49;
	v40 =	vld.idx.msk [tilespmem:v2+s22+$0x0], $0xffff  }
0x154: {  	v30 =	vor.u32 v12, v26;
	v26 =	vor.u32 v24, v47;
	v47 =	vld.idx.msk [tilespmem:v20+s22+$0x0], $0xffff;
	v49 =	vmov s13;
	[tilespmem:v6+s21+$0x0] =	vst.idx.msk $0xffff, v41  }
0x155: {  	v4 =	vadd.s32 v60, v37;
	v6 =	vld.idx.msk [tilespmem:v7+s22+$0x0], $0xffff;
	[tilespmem:v42+s21+$0x0] =	vst.idx.msk $0xffff, v18;
	v18 =	vshll.u32 v49, $0x9  }
0x156: {  	v16 =	vor.u32 v15, v43;
	[tilespmem:v17+s21+$0x0] =	vst.idx.msk $0xffff, v23;
	v43 =	vshll.u32 v49, $0x7;
	v49 =	vand.u32 $0x1000, v18;
	v17 =	vld.idx.msk [tilespmem:v8+s22+$0x0], $0xffff  }
0x157: {  	v9 =	vsub.f32 $1.000000000e+00, v9;
	v41 =	vand.u32 $0x200, v43;
	v18 =	vadd.s32 v59, v49  }
0x158: {  	v42 =	vadd.s32 v54, v1;
	v18 =	vor.u32 v41, v18;
	v23 =	vsub.f32 $1.000000000e+00, v40  }
0x159: {  	[tilespmem:v0+s21+$0x0] =	vst.idx.msk $0xffff, v9;
	v22 =	vor.u32 v5, v42;
	v11 =	vor.u32 v11, v18;
	v18 =	vsub.f32 $1.000000000e+00, v47  }
0x15a: {  	v42 =	vadd.s32 v58, v1;
	v59 =	vld.idx.msk [tilespmem:v10+s22+$0x0], $0xffff;
	v6 =	vsub.f32 $1.000000000e+00, v6;
	[tilespmem:v2+s21+$0x0] =	vst.idx.msk $0xffff, v23  }
0x15b: {  	v0 =	vadd.s32 v50, v49;
	v50 =	vadd.s32 v53, v49;
	[tilespmem:v20+s21+$0x0] =	vst.idx.msk $0xffff, v18;
	v17 =	vsub.f32 $1.000000000e+00, v17  }
0x15c: {  	v53 =	vadd.s32 v58, v49;
	v9 =	vor.u32 v41, v0;
	[tilespmem:v7+s21+$0x0] =	vst.idx.msk $0xffff, v6  }
0x15d: {  	v43 =	vld.idx.msk [tilespmem:v27+s22+$0x0], $0xffff;
	v40 =	vor.u32 v41, v53;
	v47 =	vadd.s32 v60, v49;
	[tilespmem:v8+s21+$0x0] =	vst.idx.msk $0xffff, v17  }
0x15e: {  	v53 =	vadd.s32 v52, v49;
	v2 =	vld.idx.msk [tilespmem:v21+s22+$0x0], $0xffff;
	v23 =	vor.u32 v44, v9;
	[tilespmem:$0x1FDB0] =	vst v40  }
0x15f: {  	v18 =	vadd.s32 v14, v49;
	v9 =	vor.u32 v41, v50;
	v58 =	vsub.f32 $1.000000000e+00, v59;
	v6 =	vld.idx.msk [tilespmem:v11+s22+$0x0], $0xffff  }
0x160: {  	v20 =	vor.u32 v41, v47;
	v50 =	vor.u32 v41, v18;
	v59 =	vadd.s32 v54, v49;
	v8 =	vld.idx.msk [tilespmem:v13+s22+$0x0], $0xffff  }
0x161: {  	v7 =	vor.u32 v41, v59;
	v17 =	vor.u32 v41, v53;
	[tilespmem:v10+s21+$0x0] =	vst.idx.msk $0xffff, v58;
	v41 =	vld.idx.msk [tilespmem:v61+s22+$0x0], $0xffff  }
0x162: {  	v54 =	vadd.s32 v52, v37;
	v37 =	vsub.f32 $1.000000000e+00, v43;
	v59 =	vor.u32 v44, v51;
	v49 =	vld.idx.msk [tilespmem:v29+s22+$0x0], $0xffff  }
0x163: {  	v3 =	vor.u32 v12, v3;
	v45 =	vor.u32 v5, v45;
	v2 =	vsub.f32 $1.000000000e+00, v2  }
0x164: {  	v43 =	vor.u32 v46, v63;
	v63 =	vor.u32 v24, v9;
	[tilespmem:v27+s21+$0x0] =	vst.idx.msk $0xffff, v37;
	v47 =	vsub.f32 $1.000000000e+00, v6  }
0x165: {  	v9 =	vor.u32 v5, v42;
	v51 =	vor.u32 v12, v34;
	[tilespmem:v21+s21+$0x0] =	vst.idx.msk $0xffff, v2;
	v8 =	vsub.f32 $1.000000000e+00, v8  }
0x166: {  	v34 =	vor.u32 v19, v62;
	v62 =	vld.idx.msk [tilespmem:v26+s22+$0x0], $0xffff;
	v42 =	vsub.f32 $1.000000000e+00, v41;
	[tilespmem:v11+s21+$0x0] =	vst.idx.msk $0xffff, v47  }
0x167: {  	v56 =	vadd.s32 v14, v1;
	v0 =	vsub.f32 $1.000000000e+00, v49;
	v11 =	vld.idx.msk [tilespmem:v59+s22+$0x0], $0xffff;
	[tilespmem:v13+s21+$0x0] =	vst.idx.msk $0xffff, v8  }
0x168: {  	v56 =	vor.u32 v5, v56;
	v32 =	vadd.s32 v60, v32;
	v2 =	vld [tilespmem:$0x1FDC0];
	[tilespmem:v61+s21+$0x0] =	vst.idx.msk $0xffff, v42  }
0x169: {  	v1 =	vadd.s32 v60, v1;
	v60 =	vor.u32 v44, v38;
	v49 =	vld [tilespmem:$0x1FDD0];
	[tilespmem:v29+s21+$0x0] =	vst.idx.msk $0xffff, v0  }
0x16a: {  	v38 =	vor.u32 v57, v3;
	v24 =	vor.u32 v39, v33;
	v33 =	vor.u32 v39, v31;
	v0 =	vld [tilespmem:$0x1FDE0]  }
0x16b: {  	v37 =	vor.u32 v28, v48;
	v48 =	vor.u32 v15, v54;
	v54 =	vor.u32 v5, v1;
	v53 =	vld [tilespmem:$0x1FDF0]  }
0x16c: {  	v58 =	vor.u32 v44, v45;
	v21 =	vor.u32 v12, v32;
	v12 =	vor.u32 v15, v4;
	v52 =	vld.idx.msk [tilespmem:v34+s22+$0x0], $0xffff  }
0x16d: {  	v32 =	vor.u32 v46, v25;
	v41 =	vor.u32 v57, v22;
	v47 =	vor.u32 v19, v55;
	v42 =	vld.idx.msk [tilespmem:v43+s22+$0x0], $0xffff  }
0x16e: {  	v55 =	vor.u32 v57, v7;
	v13 =	vor.u32 v19, v9;
	v61 =	vld.idx.msk [tilespmem:v63+s22+$0x0], $0xffff;
	v29 =	vor.u32 v57, v16  }
0x16f: {  	v44 =	vsub.f32 $1.000000000e+00, v11;
	v25 =	vor.u32 v39, v2;
	v40 =	vor.u32 v46, v49;
	v49 =	vld.idx.msk [tilespmem:v60+s22+$0x0], $0xffff  }
0x170: {  	s5 =	simm.s32 $0x8;
	v31 =	vor.u32 v39, v0;
	v46 =	vor.u32 v28, v53;
	v28 =	vor.u32 v19, v30;
	v53 =	vld.idx.msk [tilespmem:v36+s22+$0x0], $0xffff  }
.LBB2_5:
0x171: {  	v18 =	vld [tilespmem:$0x1FF00]  }
0x172: {  	[tilespmem:$0x1FD50] =	vst v12;
	v1 =	vld.idx.msk [tilespmem:v47+s22+$0x0], $0xffff  }
0x173: {  	[tilespmem:$0x1FD70] =	vst v17;
	s11 =	sadd.s32 $0x1, s5;
	s12 =	sadd.s32 $0x2, s5;
	s13 =	sadd.s32 $0x3, s5;
	v17 =	vld [tilespmem:$0x1FF50]  }
0x174: {  	v2 =	vmovc v51;
	[tilespmem:v59+s21+$0x0] =	vst.idx.msk $0xffff, v44;
	v8 =	vmovc v55;
	v19 =	vld [tilespmem:$0x1FF60];
	v45 =	vmov s11;
	v3 =	vmov s12;
	v59 =	vmov s13  }
0x175: {  	v5 =	vmovc v54;
	v44 =	vmovc v21;
	v21 =	vld [tilespmem:$0x1FFE0];
	[tilespmem:$0x1FD10] =	vst v8;
	v8 =	vsub.f32 $1.000000000e+00, v52;
	v51 =	vshll.u32 v45, $0x9;
	v54 =	vshll.u32 v3, $0x9  }
0x176: {  	v6 =	vmovc v48;
	v22 =	vld [tilespmem:$0x1FF70];
	[tilespmem:$0x1FD40] =	vst v2;
	v2 =	vshll.u32 v45, $0x7;
	v3 =	vshll.u32 v3, $0x7;
	v39 =	vsub.f32 $1.000000000e+00, v62  }
0x177: {  	[tilespmem:$0x1FD20] =	vst v6;
	v0 =	vor.u32 v18, v50;
	v50 =	vor.u32 v18, v56;
	v56 =	vsub.f32 $1.000000000e+00, v49;
	v49 =	vmovc v20;
	v20 =	vld [tilespmem:$0x1FF40]  }
0x178: {  	[tilespmem:$0x1FD30] =	vst v5;
	v9 =	vshll.u32 v59, $0x9;
	v45 =	vld [tilespmem:$0x1FFF0];
	v5 =	vand.u32 $0x1000, v51;
	v4 =	vsub.f32 $1.000000000e+00, v42  }
0x179: {  	v51 =	vand.u32 $0x280, v2;
	v52 =	vand.u32 $0x1000, v9;
	v7 =	vsub.f32 $1.000000000e+00, v61;
	v42 =	vmovc v35;
	v35 =	vld [tilespmem:$0x1FFC0];
	[tilespmem:v26+s21+$0x0] =	vst.idx.msk $0xffff, v39  }
0x17a: {  	v62 =	vadd.s32 v17, v5;
	v14 =	vadd.s32 v19, v5;
	[tilespmem:v43+s21+$0x0] =	vst.idx.msk $0xffff, v4;
	v9 =	vld.idx.msk [tilespmem:v58+s22+$0x0], $0xffff  }
0x17b: {  	v30 =	vadd.s32 v21, v52;
	[tilespmem:v63+s21+$0x0] =	vst.idx.msk $0xffff, v7;
	v4 =	vshll.u32 v59, $0x7;
	v43 =	vand.u32 $0x1000, v54;
	v7 =	vld.idx.msk [tilespmem:v37+s22+$0x0], $0xffff  }
0x17c: {  	v63 =	vadd.s32 v21, v5;
	v10 =	vld.idx.msk [tilespmem:v23+s22+$0x0], $0xffff;
	[tilespmem:v60+s21+$0x0] =	vst.idx.msk $0xffff, v56;
	v57 =	vadd.s32 v20, v5  }
0x17d: {  	v48 =	vmovc v13;
	v6 =	vor.u32 v51, v62;
	v60 =	vsub.f32 $1.000000000e+00, v1;
	v11 =	vadd.s32 v17, v43;
	[tilespmem:$0x1FD00] =	vst v57;
	v57 =	vld [tilespmem:$0x1FFA0]  }
0x17e: {  	[tilespmem:$0x1FCF0] =	vst v0;
	v13 =	vld.idx.msk [tilespmem:v33+s22+$0x0], $0xffff;
	v54 =	vand.u32 $0x380, v4;
	v15 =	vadd.s32 v22, v43;
	v12 =	vadd.s32 v20, v52  }
0x17f: {  	v0 =	vor.u32 v51, v63;
	v2 =	vld.idx.msk [tilespmem:v46+s22+$0x0], $0xffff;
	[tilespmem:v47+s21+$0x0] =	vst.idx.msk $0xffff, v60;
	v4 =	vor.u32 v54, v12  }
0x180: {  	v55 =	vand.u32 $0x300, v3;
	v26 =	vadd.s32 v21, v43;
	v63 =	vadd.s32 v19, v43;
	[tilespmem:$0x1FD60] =	vst v4;
	v4 =	vld.idx.msk [tilespmem:v32+s22+$0x0], $0xffff  }
0x181: {  	v59 =	vor.u32 v54, v30;
	[tilespmem:v34+s21+$0x0] =	vst.idx.msk $0xffff, v8;
	v34 =	vor.u32 v55, v26;
	v9 =	vsub.f32 $1.000000000e+00, v9  }
0x182: {  	v30 =	vld [tilespmem:$0x1FFD0];
	v47 =	vadd.s32 v17, v52;
	v39 =	vadd.s32 v35, v5;
	v61 =	vadd.s32 v57, v5  }
0x183: {  	v60 =	vld.idx.msk [tilespmem:v40+s22+$0x0], $0xffff;
	v56 =	vadd.s32 v35, v43;
	[tilespmem:v58+s21+$0x0] =	vst.idx.msk $0xffff, v9;
	v1 =	vor.u32 v51, v61  }
0x184: {  	v8 =	vor.u32 v51, v39;
	v16 =	vld.idx.msk [tilespmem:v50+s22+$0x0], $0xffff;
	v3 =	vadd.s32 v57, v43;
	v12 =	vor.u32 v45, v1  }
0x185: {  	v7 =	vsub.f32 $1.000000000e+00, v7;
	v3 =	vor.u32 v55, v3;
	v4 =	vsub.f32 $1.000000000e+00, v4  }
0x186: {  	v9 =	vor.u32 v55, v56;
	v58 =	vadd.s32 v35, v52;
	v3 =	vor.u32 v45, v3  }
0x187: {  	v27 =	vld [tilespmem:$0x1FF80];
	v13 =	vsub.f32 $1.000000000e+00, v13;
	v26 =	vor.u32 v30, v59;
	v56 =	vor.u32 v54, v58;
	[tilespmem:v32+s21+$0x0] =	vst.idx.msk $0xffff, v4  }
0x188: {  	[tilespmem:$0x1FD80] =	vst v9;
	v58 =	vor.u32 v54, v47;
	v60 =	vsub.f32 $1.000000000e+00, v60;
	v61 =	vor.u32 v51, v14;
	v32 =	vld.idx.msk [tilespmem:v31+s22+$0x0], $0xffff  }
0x189: {  	v16 =	vsub.f32 $1.000000000e+00, v16;
	v39 =	vld.idx.msk [tilespmem:v12+s22+$0x0], $0xffff;
	[tilespmem:v37+s21+$0x0] =	vst.idx.msk $0xffff, v7;
	v37 =	vsub.f32 $1.000000000e+00, v53;
	v53 =	vadd.s32 v57, v52  }
0x18a: {  	s12 =	smov.u32 s5;
	v7 =	vor.u32 v30, v0;
	v9 =	vld.idx.msk [tilespmem:v38+s22+$0x0], $0xffff;
	v0 =	vor.u32 v54, v53;
	[tilespmem:v33+s21+$0x0] =	vst.idx.msk $0xffff, v13  }
0x18b: {  	v47 =	vmov s12;
	v1 =	vadd.s32 v22, v5;
	v14 =	vor.u32 v45, v0;
	[tilespmem:v36+s21+$0x0] =	vst.idx.msk $0xffff, v37;
	v36 =	vld.idx.msk [tilespmem:v3+s22+$0x0], $0xffff  }
0x18c: {  	v53 =	vor.u32 v30, v34;
	v34 =	vld.idx.msk [tilespmem:v25+s22+$0x0], $0xffff;
	[tilespmem:v50+s21+$0x0] =	vst.idx.msk $0xffff, v16;
	v16 =	vshll.u32 v47, $0x9  }
0x18d: {  	v5 =	vadd.s32 v27, v5;
	[tilespmem:v40+s21+$0x0] =	vst.idx.msk $0xffff, v60;
	v60 =	vld.idx.msk [tilespmem:v41+s22+$0x0], $0xffff;
	v13 =	vand.u32 $0x1000, v16  }
0x18e: {  	v59 =	vsub.f32 $1.000000000e+00, v39;
	v16 =	vadd.s32 v57, v13;
	v57 =	vld [tilespmem:$0x1FF90];
	v50 =	vadd.s32 v21, v13  }
0x18f: {  	v21 =	vor.u32 v51, v5;
	v5 =	vor.u32 v55, v15;
	v15 =	vld [tilespmem:$0x1FF10];
	v9 =	vsub.f32 $1.000000000e+00, v9  }
0x190: {  	v11 =	vor.u32 v55, v11;
	v2 =	vsub.f32 $1.000000000e+00, v2;
	[tilespmem:v12+s21+$0x0] =	vst.idx.msk $0xffff, v59;
	v12 =	vsub.f32 $1.000000000e+00, v32;
	v33 =	vld.idx.msk [tilespmem:v14+s22+$0x0], $0xffff  }
0x191: {  	v4 =	vshll.u32 v47, $0x7;
	v59 =	vadd.s32 v35, v13;
	v35 =	vmovc v5;
	v5 =	vld [tilespmem:$0x1FD50];
	v34 =	vsub.f32 $1.000000000e+00, v34;
	[tilespmem:v38+s21+$0x0] =	vst.idx.msk $0xffff, v9  }
0x192: {  	v0 =	vor.u32 v55, v63;
	v40 =	vadd.s32 v22, v52;
	[tilespmem:v31+s21+$0x0] =	vst.idx.msk $0xffff, v12;
	v12 =	vld.idx.msk [tilespmem:v24+s22+$0x0], $0xffff  }
0x193: {  	v4 =	vand.u32 $0x200, v4;
	v63 =	vadd.s32 v17, v13;
	[tilespmem:v25+s21+$0x0] =	vst.idx.msk $0xffff, v34;
	v25 =	vadd.s32 v22, v13;
	v22 =	vld [tilespmem:$0x1FCF0]  }
0x194: {  	v16 =	vor.u32 v4, v16;
	v47 =	vor.u32 v4, v63;
	v63 =	vadd.s32 v27, v13;
	v31 =	vld.idx.msk [tilespmem:v28+s22+$0x0], $0xffff  }
0x195: {  	v37 =	vadd.s32 v19, v52;
	v16 =	vor.u32 v45, v16;
	v17 =	vor.u32 v4, v63;
	v38 =	vld.idx.msk [tilespmem:v7+s22+$0x0], $0xffff  }
0x196: {  	v10 =	vsub.f32 $1.000000000e+00, v10;
	v9 =	vor.u32 v4, v50;
	[tilespmem:v46+s21+$0x0] =	vst.idx.msk $0xffff, v2;
	v2 =	vadd.s32 v19, v13;
	v19 =	vld [tilespmem:$0x1FF20]  }
0x197: {  	v50 =	vor.u32 v4, v59;
	v60 =	vsub.f32 $1.000000000e+00, v60;
	v63 =	vor.u32 v30, v9;
	v9 =	vld [tilespmem:$0x1FF30]  }
0x198: {  	v32 =	vor.u32 v57, v47;
	[tilespmem:v23+s21+$0x0] =	vst.idx.msk $0xffff, v10;
	v10 =	vld.idx.msk [tilespmem:v29+s22+$0x0], $0xffff;
	v59 =	vor.u32 v57, v6  }
0x199: {  	v58 =	vor.u32 v57, v58;
	[tilespmem:v41+s21+$0x0] =	vst.idx.msk $0xffff, v60;
	v60 =	vor.u32 v57, v11;
	v57 =	vld [tilespmem:$0x1FD30]  }
0x19a: {  	v41 =	vld.idx.msk [tilespmem:v16+s22+$0x0], $0xffff  }
0x19b: {  	v36 =	vsub.f32 $1.000000000e+00, v36;
	v46 =	vld.idx.msk [tilespmem:v22+s22+$0x0], $0xffff  }
0x19c: {  	v62 =	vadd.s32 v27, v43;
	v6 =	vld.idx.msk [tilespmem:v48+s22+$0x0], $0xffff;
	v12 =	vsub.f32 $1.000000000e+00, v12  }
0x19d: {  	v39 =	vadd.s32 v20, v43;
	[tilespmem:v3+s21+$0x0] =	vst.idx.msk $0xffff, v36;
	v47 =	vsub.f32 $1.000000000e+00, v33;
	v43 =	vor.u32 v19, v44;
	v44 =	vld [tilespmem:$0x1FD20]  }
0x19e: {  	v45 =	vmov v48;
	v48 =	vsub.f32 $1.000000000e+00, v38;
	[tilespmem:v24+s21+$0x0] =	vst.idx.msk $0xffff, v12;
	v12 =	vld [tilespmem:$0x1FDB0]  }
0x19f: {  	v34 =	vor.u32 v15, v42;
	[tilespmem:v14+s21+$0x0] =	vst.idx.msk $0xffff, v47;
	v14 =	vld [tilespmem:$0x1FFB0]  }
0x1a0: {  	v1 =	vor.u32 v51, v1;
	v36 =	vsub.f32 $1.000000000e+00, v10;
	[tilespmem:v7+s21+$0x0] =	vst.idx.msk $0xffff, v48;
	v10 =	vld.idx.msk [tilespmem:v53+s22+$0x0], $0xffff;
	v38 =	vsub.f32 $1.000000000e+00, v46  }
0x1a1: {  	[tilespmem:$0x1FD90] =	vst v1;
	v1 =	vor.u32 v54, v37;
	v37 =	vor.u32 v18, v8;
	v8 =	vld.idx.msk [tilespmem:v59+s22+$0x0], $0xffff  }
0x1a2: {  	v3 =	vor.u32 v54, v40;
	v25 =	vor.u32 v4, v25;
	[tilespmem:v22+s21+$0x0] =	vst.idx.msk $0xffff, v38;
	v22 =	vld [tilespmem:$0x1FD10]  }
0x1a3: {  	[tilespmem:v29+s21+$0x0] =	vst.idx.msk $0xffff, v36;
	v36 =	vor.u32 v19, v57;
	v57 =	vld [tilespmem:$0x1FD90];
	v47 =	vor.u32 v15, v12;
	v12 =	vmov v25  }
0x1a4: {  	v40 =	vadd.s32 v27, v52;
	v52 =	vld.idx.msk [tilespmem:v34+s22+$0x0], $0xffff;
	[tilespmem:$0x1FDB0] =	vst v12;
	v12 =	vadd.s32 v20, v13  }
0x1a5: {  	v2 =	vor.u32 v4, v2;
	v4 =	vor.u32 v4, v12;
	v12 =	vld [tilespmem:$0x1FD00]  }
0x1a6: {  	v23 =	vmov v32;
	v32 =	vor.u32 v19, v49;
	v49 =	vsub.f32 $1.000000000e+00, v10;
	v46 =	vld [tilespmem:$0x1FDA0]  }
0x1a7: {  	v24 =	vor.u32 v9, v44;
	v44 =	vsub.f32 $1.000000000e+00, v8;
	v8 =	vld [tilespmem:$0x1FD60]  }
0x1a8: {  	[tilespmem:v53+s21+$0x0] =	vst.idx.msk $0xffff, v49;
	v53 =	vld [tilespmem:$0x1FD80]  }
0x1a9: {  	v38 =	vor.u32 v14, v61;
	v61 =	vld [tilespmem:$0x1FD40]  }
0x1aa: {  	v42 =	vsub.f32 $1.000000000e+00, v31;
	v51 =	vor.u32 v51, v12;
	v12 =	vld.idx.msk [tilespmem:v22+s22+$0x0], $0xffff  }
0x1ab: {  	v54 =	vor.u32 v54, v40;
	v40 =	vor.u32 v19, v5;
	v25 =	vor.u32 v9, v46;
	v46 =	vld [tilespmem:$0x1FD70]  }
0x1ac: {  	p0 =	slt.u32 s5, $0xC;
	v7 =	vor.u32 v55, v62;
	v62 =	vld.idx.msk [tilespmem:v26+s22+$0x0], $0xffff;
	v6 =	vsub.f32 $1.000000000e+00, v6;
	[tilespmem:v28+s21+$0x0] =	vst.idx.msk $0xffff, v42  }
.Ltmp1:
0x1ad: {  	v48 =	vor.u32 v55, v39;
	v55 =	vor.u32 v14, v2;
	v42 =	vld.idx.msk [tilespmem:v43+s22+$0x0], $0xffff;
	v29 =	vor.u32 v14, v0;
	(pc) =	sbr.rel @p0 .LBB2_5-.Ltmp1, $4  }
0x1ae: {  	[tilespmem:v45+s21+$0x0] =	vst.idx.msk $0xffff, v6;
	v20 =	vmovc v17;
	v13 =	vsub.f32 $1.000000000e+00, v41;
	v28 =	vor.u32 v15, v57;
	v10 =	vmov v8  }
0x1af: {  	v41 =	vor.u32 v14, v1;
	v49 =	vld.idx.msk [tilespmem:v60+s22+$0x0], $0xffff;
	[tilespmem:$0x1FDA0] =	vst v10;
	v33 =	vor.u32 v9, v61;
	v11 =	vsub.f32 $1.000000000e+00, v12  }
0x1b0: {  	[tilespmem:v16+s21+$0x0] =	vst.idx.msk $0xffff, v13;
	v31 =	vor.u32 v9, v46;
	v46 =	vor.u32 v18, v53;
	v53 =	vld.idx.msk [tilespmem:v36+s22+$0x0], $0xffff  }
0x1b1: {  	s5 =	sadd.s32 $0x4, s5;
	v17 =	vmov v4;
	v13 =	vor.u32 v15, v3;
	v61 =	vld.idx.msk [tilespmem:v63+s22+$0x0], $0xffff;
	v12 =	vmov v7;
	[tilespmem:v22+s21+$0x0] =	vst.idx.msk $0xffff, v11  }
0x1b2: {  	_ =	sdelay $0x2  }
0x1b3: {  	v1 =	vsub.f32 $1.000000000e+00, v62  }
0x1b4: {  	v0 =	vsub.f32 $1.000000000e+00, v61  }
0x1b5: {  	[tilespmem:v26+s21+$0x0] =	vst.idx.msk $0xffff, v1  }
0x1b6: {  	[tilespmem:v63+s21+$0x0] =	vst.idx.msk $0xffff, v0  }
0x1b7: {  	v45 =	vld [tilespmem:$0x1FF00];
	_ =	sdelay $0x1  }
0x1b8: {  	v1 =	vld.idx.msk [tilespmem:v58+s22+$0x0], $0xffff  }
0x1b9: {  	v0 =	vld.idx.msk [tilespmem:v23+s22+$0x0], $0xffff;
	_ =	sdelay $0x1  }
0x1ba: {  	v3 =	vor.u32 v45, v56  }
0x1bb: {  	v4 =	vsub.f32 $1.000000000e+00, v49;
	v2 =	vor.u32 v45, v50  }
0x1bc: {  	[tilespmem:v59+s21+$0x0] =	vst.idx.msk $0xffff, v44;
	v1 =	vsub.f32 $1.000000000e+00, v1  }
0x1bd: {  	[tilespmem:v60+s21+$0x0] =	vst.idx.msk $0xffff, v4;
	v5 =	vld.idx.msk [tilespmem:v37+s22+$0x0], $0xffff;
	v0 =	vsub.f32 $1.000000000e+00, v0  }
0x1be: {  	v4 =	vld.idx.msk [tilespmem:v46+s22+$0x0], $0xffff;
	[tilespmem:v58+s21+$0x0] =	vst.idx.msk $0xffff, v1  }
0x1bf: {  	[tilespmem:v23+s21+$0x0] =	vst.idx.msk $0xffff, v0;
	v1 =	vld.idx.msk [tilespmem:v3+s22+$0x0], $0xffff  }
0x1c0: {  	v0 =	vld.idx.msk [tilespmem:v2+s22+$0x0], $0xffff;
	_ =	sdelay $0x1  }
0x1c1: {  	v5 =	vsub.f32 $1.000000000e+00, v5  }
0x1c2: {  	v4 =	vsub.f32 $1.000000000e+00, v4  }
0x1c3: {  	[tilespmem:v37+s21+$0x0] =	vst.idx.msk $0xffff, v5;
	v1 =	vsub.f32 $1.000000000e+00, v1  }
0x1c4: {  	[tilespmem:v46+s21+$0x0] =	vst.idx.msk $0xffff, v4;
	v5 =	vld.idx.msk [tilespmem:v38+s22+$0x0], $0xffff;
	v0 =	vsub.f32 $1.000000000e+00, v0  }
0x1c5: {  	v57 =	vld.idx.msk [tilespmem:v29+s22+$0x0], $0xffff;
	[tilespmem:v3+s21+$0x0] =	vst.idx.msk $0xffff, v1  }
0x1c6: {  	[tilespmem:v2+s21+$0x0] =	vst.idx.msk $0xffff, v0;
	v1 =	vld.idx.msk [tilespmem:v41+s22+$0x0], $0xffff  }
0x1c7: {  	v49 =	vld [tilespmem:$0x1FF10]  }
0x1c8: {  	v3 =	vld [tilespmem:$0x1FDB0]  }
0x1c9: {  	v0 =	vld.idx.msk [tilespmem:v55+s22+$0x0], $0xffff;
	_ =	sdelay $0x1  }
0x1ca: {  	v5 =	vsub.f32 $1.000000000e+00, v5  }
0x1cb: {  	v2 =	vsub.f32 $1.000000000e+00, v57  }
0x1cc: {  	v58 =	vld.idx.msk [tilespmem:v47+s22+$0x0], $0xffff;
	[tilespmem:v38+s21+$0x0] =	vst.idx.msk $0xffff, v5;
	v3 =	vor.u32 v49, v3;
	v1 =	vsub.f32 $1.000000000e+00, v1  }
0x1cd: {  	[tilespmem:v29+s21+$0x0] =	vst.idx.msk $0xffff, v2;
	v6 =	vor.u32 v49, v35;
	v0 =	vsub.f32 $1.000000000e+00, v0  }
0x1ce: {  	v5 =	vld.idx.msk [tilespmem:v28+s22+$0x0], $0xffff;
	[tilespmem:v41+s21+$0x0] =	vst.idx.msk $0xffff, v1  }
0x1cf: {  	[tilespmem:v55+s21+$0x0] =	vst.idx.msk $0xffff, v0;
	v60 =	vld.idx.msk [tilespmem:v13+s22+$0x0], $0xffff  }
0x1d0: {  	v46 =	vld [tilespmem:$0x1FF20]  }
0x1d1: {  	v59 =	vsub.f32 $1.000000000e+00, v58;
	v0 =	vld.idx.msk [tilespmem:v3+s22+$0x0], $0xffff  }
0x1d2: {  	v8 =	vsub.f32 $1.000000000e+00, v52;
	v7 =	vld.idx.msk [tilespmem:v6+s22+$0x0], $0xffff  }
0x1d3: {  	v5 =	vsub.f32 $1.000000000e+00, v5;
	[tilespmem:v47+s21+$0x0] =	vst.idx.msk $0xffff, v59  }
0x1d4: {  	[tilespmem:v34+s21+$0x0] =	vst.idx.msk $0xffff, v8;
	v34 =	vsub.f32 $1.000000000e+00, v42;
	v9 =	vld.idx.msk [tilespmem:v32+s22+$0x0], $0xffff  }
0x1d5: {  	[tilespmem:v28+s21+$0x0] =	vst.idx.msk $0xffff, v5;
	v4 =	vsub.f32 $1.000000000e+00, v60  }
0x1d6: {  	[tilespmem:v43+s21+$0x0] =	vst.idx.msk $0xffff, v34;
	v61 =	vor.u32 v46, v21;
	v0 =	vsub.f32 $1.000000000e+00, v0  }
0x1d7: {  	v62 =	vor.u32 v46, v20;
	v7 =	vsub.f32 $1.000000000e+00, v7;
	[tilespmem:v13+s21+$0x0] =	vst.idx.msk $0xffff, v4  }
0x1d8: {  	[tilespmem:v3+s21+$0x0] =	vst.idx.msk $0xffff, v0  }
0x1d9: {  	v11 =	vld.idx.msk [tilespmem:v40+s22+$0x0], $0xffff;
	v63 =	vor.u32 v46, v12;
	v35 =	vsub.f32 $1.000000000e+00, v9;
	[tilespmem:v6+s21+$0x0] =	vst.idx.msk $0xffff, v7  }
0x1da: {  	v43 =	vsub.f32 $1.000000000e+00, v53;
	v10 =	vor.u32 v46, v54;
	v39 =	vld [tilespmem:$0x1FF30]  }
0x1db: {  	v5 =	vld.idx.msk [tilespmem:v61+s22+$0x0], $0xffff;
	[tilespmem:v32+s21+$0x0] =	vst.idx.msk $0xffff, v35  }
0x1dc: {  	v3 =	vld.idx.msk [tilespmem:v62+s22+$0x0], $0xffff;
	[tilespmem:v36+s21+$0x0] =	vst.idx.msk $0xffff, v43  }
0x1dd: {  	v0 =	vld [tilespmem:$0x1FDA0]  }
0x1de: {  	v7 =	vld.idx.msk [tilespmem:v63+s22+$0x0], $0xffff  }
0x1df: {  	v42 =	vld.idx.msk [tilespmem:v10+s22+$0x0], $0xffff;
	v44 =	vor.u32 v39, v51  }
0x1e0: {  	v12 =	vld.idx.msk [tilespmem:v33+s22+$0x0], $0xffff;
	v47 =	vsub.f32 $1.000000000e+00, v11;
	v50 =	vor.u32 v39, v17  }
0x1e1: {  	v13 =	vld.idx.msk [tilespmem:v31+s22+$0x0], $0xffff;
	v5 =	vsub.f32 $1.000000000e+00, v5;
	v51 =	vor.u32 v39, v48  }
0x1e2: {  	v14 =	vld.idx.msk [tilespmem:v25+s22+$0x0], $0xffff;
	[tilespmem:v40+s21+$0x0] =	vst.idx.msk $0xffff, v47;
	v3 =	vsub.f32 $1.000000000e+00, v3;
	v0 =	vor.u32 v39, v0  }
0x1e3: {  	v15 =	vld.idx.msk [tilespmem:v24+s22+$0x0], $0xffff;
	v53 =	vsub.f32 $1.000000000e+00, v7;
	[tilespmem:v61+s21+$0x0] =	vst.idx.msk $0xffff, v5  }
0x1e4: {  	v52 =	vsub.f32 $1.000000000e+00, v42;
	[tilespmem:v62+s21+$0x0] =	vst.idx.msk $0xffff, v3;
	v5 =	vld.idx.msk [tilespmem:v44+s22+$0x0], $0xffff  }
0x1e5: {  	v54 =	vsub.f32 $1.000000000e+00, v12;
	[tilespmem:v63+s21+$0x0] =	vst.idx.msk $0xffff, v53;
	v55 =	vld.idx.msk [tilespmem:v50+s22+$0x0], $0xffff  }
0x1e6: {  	v56 =	vsub.f32 $1.000000000e+00, v13;
	[tilespmem:v10+s21+$0x0] =	vst.idx.msk $0xffff, v52;
	v59 =	vld.idx.msk [tilespmem:v51+s22+$0x0], $0xffff  }
0x1e7: {  	[tilespmem:v33+s21+$0x0] =	vst.idx.msk $0xffff, v54;
	v58 =	vsub.f32 $1.000000000e+00, v14;
	v57 =	vld.idx.msk [tilespmem:v0+s22+$0x0], $0xffff  }
0x1e8: {  	v60 =	vsub.f32 $1.000000000e+00, v15;
	[tilespmem:v31+s21+$0x0] =	vst.idx.msk $0xffff, v56  }
0x1e9: {  	[tilespmem:v25+s21+$0x0] =	vst.idx.msk $0xffff, v58;
	v61 =	vsub.f32 $1.000000000e+00, v5  }
0x1ea: {  	[tilespmem:v24+s21+$0x0] =	vst.idx.msk $0xffff, v60;
	v62 =	vsub.f32 $1.000000000e+00, v55  }
0x1eb: {  	v8 =	vsub.f32 $1.000000000e+00, v59;
	[tilespmem:v44+s21+$0x0] =	vst.idx.msk $0xffff, v61  }
0x1ec: {  	v63 =	vsub.f32 $1.000000000e+00, v57;
	[tilespmem:v50+s21+$0x0] =	vst.idx.msk $0xffff, v62  }
0x1ed: {  	[tilespmem:v51+s21+$0x0] =	vst.idx.msk $0xffff, v8  }
0x1ee: {  	s13 =	sadd.s32 s17, s9;
	[tilespmem:v0+s21+$0x0] =	vst.idx.msk $0xffff, v63  }
0x1ef: {  	[hbm4b:s13+s6] =	stream.linear.scatter [tilespmem:s21], [sflag:$0xA], $0x2000, $0x38;
	[tilespmem:$0x10080] =	vst v63  }
0x1f0: {  	v52 =	vld [tilespmem:$0x1FF40];
	_ =	swait.ge [sflag:s0], $0x2000  }
0x1f1: {  	s5 =	simm.s32 $0x1;
	s12 =	simm.s32 $0x3;
	v59 =	vld [tilespmem:$0x1FFA0]  }
0x1f2: {  	v34 =	vmov s12;
	v9 =	vmov s5;
	v50 =	vld [tilespmem:$0x1FF50]  }
0x1f3: {  	s11 =	simm.s32 $0x2;
	v11 =	vshll.u32 v9, $0x9;
	v35 =	vshll.u32 v34, $0x9;
	v54 =	vld [tilespmem:$0x1FF60]  }
0x1f4: {  	p0 =	seq.s32 s19, $0x7;
	v6 =	vand.u32 $0x1000, v35;
	v33 =	vshll.u32 v9, $0x7;
	v10 =	vmov s11;
	s5 =	rddreg [dreg:$0xc];
	v53 =	vld [tilespmem:$0x1FFE0]  }
0x1f5: {  	v2 =	vand.u32 $0x280, v33;
	v3 =	vshll.u32 v34, $0x7;
	v32 =	vshll.u32 v10, $0x9;
	[sflag:s0] =	ssyncset.done $0x0;
	v58 =	vld [tilespmem:$0x1FF70];
	s5 =	sadd.s32 @!p0 s9, s5  }
0x1f6: {  	s12 =	simm.s32 @!p0 $0x0;
	v3 =	vand.u32 $0x380, v3;
	v1 =	vand.u32 $0x1000, v32;
	[sflag:s0] =	ssyncadd.s32 $0xFFFFE000;
	s11 =	sadd.s32 @!p0 s1, s5;
	v43 =	vadd.s32 v52, v6  }
0x1f7: {  	v5 =	vshll.u32 v10, $0x7;
	v0 =	vand.u32 $0x1000, v11;
	v14 =	vld [tilespmem:$0x1FFF0];
	[tilespmem:s12], [sflag:$0x1] =	stream.linear.gather @!p0 [hbm4b:s11+s12], $0x2000, $0x38;
	v10 =	vor.u32 v3, v43  }
0x1f8: {  	v5 =	vand.u32 $0x300, v5;
	s5 =	sadd.s32 @!p0 s2, s5;
	v4 =	vadd.s32 v52, v0;
	s11 =	simm.s32 @!p0 $0x8000;
	v36 =	vadd.s32 v59, v0;
	[tilespmem:$0x1FCB0] =	vst v10  }
0x1f9: {  	v37 =	vadd.s32 v50, v0;
	v38 =	vadd.s32 v50, v1;
	v22 =	vadd.s32 v54, v0;
	[tilespmem:s11], [sflag:$0x5] =	stream.linear.gather @!p0 [hbm4b:s5+s12], $0x2000, $0x38;
	[tilespmem:$0x10080] =	vst v63  }
0x1fa: {  	v12 =	vadd.s32 v53, v0;
	v13 =	vadd.s32 v59, v1;
	v44 =	vadd.s32 v58, v0;
	_ =	swait.ge [sflag:s4], $0x2000  }
0x1fb: {  	v41 =	vadd.s32 v58, v1;
	v15 =	vadd.s32 v53, v1;
	v7 =	vor.u32 v2, v36;
	[sflag:s4] =	ssyncset.done $0x0  }
0x1fc: {  	v16 =	vadd.s32 v50, v6;
	v17 =	vadd.s32 v53, v6;
	v7 =	vor.u32 v14, v7;
	v11 =	vld [tilespmem:$0x1FFC0];
	[sflag:s4] =	ssyncadd.s32 $0xFFFFE000  }
0x1fd: {  	v21 =	vadd.s32 v54, v1;
	v25 =	vadd.s32 v54, v6;
	v29 =	vadd.s32 v58, v6;
	v60 =	vld [tilespmem:$0x1FF80];
	_ =	swait.ge [sflag:s3], $0x2000  }
0x1fe: {  	v12 =	vor.u32 v2, v12;
	v8 =	vor.u32 v2, v37;
	v17 =	vor.u32 v3, v17;
	v24 =	vld [tilespmem:$0x1FFD0]  }
0x1ff: {  	v15 =	vor.u32 v5, v15;
	v13 =	vor.u32 v5, v13;
	v9 =	vor.u32 v5, v38;
	[sflag:s3] =	ssyncset.done $0x0  }
0x200: {  	v40 =	vor.u32 v2, v22;
	v10 =	vor.u32 v2, v44;
	v16 =	vor.u32 v3, v16;
	[sflag:s3] =	ssyncadd.s32 $0xFFFFE000  }
0x201: {  	v32 =	vor.u32 v5, v21;
	v34 =	vor.u32 v3, v25;
	v19 =	vadd.s32 v11, v1;
	v22 =	vld.idx.msk [tilespmem:v7+s24+$0x0], $0xffff  }
0x202: {  	v13 =	vor.u32 v14, v13;
	v23 =	vor.u32 v5, v19;
	v19 =	vadd.s32 v11, v6  }
0x203: {  	s11 =	simm.s32 $0x0;
	v26 =	vor.u32 v3, v19;
	v19 =	vadd.s32 v59, v6;
	v12 =	vor.u32 v24, v12  }
0x204: {  	v19 =	vor.u32 v3, v19;
	v30 =	vor.u32 v24, v17;
	v17 =	vmov s11  }
0x205: {  	v62 =	vor.u32 v5, v41;
	v27 =	vor.u32 v14, v19;
	v19 =	vshll.u32 v17, $0x9  }
0x206: {  	v17 =	vshll.u32 v17, $0x7;
	v28 =	vand.u32 $0x1000, v19;
	v22 =	vsub.f32 $1.000000000e+00, v22  }
0x207: {  	v18 =	vadd.s32 v11, v0;
	v31 =	vand.u32 $0x200, v17;
	v17 =	vadd.s32 v59, v28  }
0x208: {  	v20 =	vadd.s32 v60, v1;
	v19 =	vld.idx.msk [tilespmem:v13+s24+$0x0], $0xffff;
	v17 =	vor.u32 v31, v17;
	[tilespmem:v7+s23+$0x0] =	vst.idx.msk $0xffff, v22  }
0x209: {  	v0 =	vadd.s32 v60, v0;
	v38 =	vadd.s32 v60, v6;
	v7 =	vor.u32 v14, v17;
	v22 =	vld.idx.msk [tilespmem:v12+s24+$0x0], $0xffff  }
0x20a: {  	v1 =	vadd.s32 v52, v1;
	v18 =	vor.u32 v2, v18;
	v36 =	vor.u32 v3, v38;
	v44 =	vld [tilespmem:$0x1FF90]  }
0x20b: {  	v63 =	vor.u32 v2, v0;
	v33 =	vor.u32 v5, v1;
	v36 =	vor.u32 v46, v36  }
0x20c: {  	v15 =	vor.u32 v24, v15;
	v21 =	vadd.s32 v50, v28;
	v25 =	vadd.s32 v11, v28;
	v48 =	vld.idx.msk [tilespmem:v27+s24+$0x0], $0xffff  }
0x20d: {  	v51 =	vadd.s32 v54, v28;
	v37 =	vor.u32 v31, v25;
	v25 =	vadd.s32 v60, v28  }
0x20e: {  	v43 =	vor.u32 v31, v51;
	v17 =	vor.u32 v31, v21;
	v19 =	vsub.f32 $1.000000000e+00, v19;
	v56 =	vld.idx.msk [tilespmem:v7+s24+$0x0], $0xffff  }
0x20f: {  	v21 =	vadd.s32 v53, v28;
	v8 =	vor.u32 v44, v8;
	v57 =	vsub.f32 $1.000000000e+00, v22  }
0x210: {  	v25 =	vor.u32 v31, v25;
	v47 =	vor.u32 v31, v21;
	[tilespmem:v13+s23+$0x0] =	vst.idx.msk $0xffff, v19  }
0x211: {  	v19 =	vor.u32 v5, v20;
	v13 =	vld.idx.msk [tilespmem:v15+s24+$0x0], $0xffff;
	v42 =	vsub.f32 $1.000000000e+00, v48;
	[tilespmem:v12+s23+$0x0] =	vst.idx.msk $0xffff, v57  }
0x212: {  	v22 =	vor.u32 v45, v18;
	v18 =	vor.u32 v24, v47;
	v47 =	vadd.s32 v52, v28;
	[tilespmem:$0x1FCC0] =	vst v19  }
0x213: {  	v21 =	vadd.s32 v58, v28;
	v0 =	vor.u32 v31, v47;
	[tilespmem:v27+s23+$0x0] =	vst.idx.msk $0xffff, v42;
	v48 =	vsub.f32 $1.000000000e+00, v56  }
0x214: {  	v55 =	vor.u32 v31, v21;
	v17 =	vor.u32 v44, v17;
	v20 =	vld.idx.msk [tilespmem:v8+s24+$0x0], $0xffff;
	[tilespmem:$0x1FCD0] =	vst v0  }
0x215: {  	v9 =	vor.u32 v44, v9;
	v12 =	vor.u32 v3, v29;
	v51 =	vld.idx.msk [tilespmem:v30+s24+$0x0], $0xffff;
	[tilespmem:v7+s23+$0x0] =	vst.idx.msk $0xffff, v48  }
0x216: {  	s12 =	simm.s32 $0x5;
	v31 =	vor.u32 v2, v4;
	v3 =	vor.u32 v44, v16;
	v61 =	vor.u32 v49, v12;
	v57 =	vld [tilespmem:$0x1FFB0]  }
0x217: {  	v12 =	vmov s12;
	v27 =	vor.u32 v49, v10;
	v41 =	vsub.f32 $1.000000000e+00, v13  }
0x218: {  	s12 =	simm.s32 $0x7;
	v16 =	vshll.u32 v12, $0x9;
	v0 =	vor.u32 v45, v37;
	v13 =	vor.u32 v45, v26;
	v42 =	vld.idx.msk [tilespmem:v18+s24+$0x0], $0xffff  }
0x219: {  	s13 =	simm.s32 $0x6;
	v7 =	vor.u32 v45, v23;
	v48 =	vshll.u32 v12, $0x7;
	v12 =	vmov s12;
	[tilespmem:v15+s23+$0x0] =	vst.idx.msk $0xffff, v41  }
0x21a: {  	v19 =	vmovc v49;
	v15 =	vmov s13;
	v49 =	vshll.u32 v12, $0x7;
	v47 =	vld.idx.msk [tilespmem:v9+s24+$0x0], $0xffff;
	v2 =	vsub.f32 $1.000000000e+00, v51  }
0x21b: {  	v5 =	vor.u32 v57, v40;
	v29 =	vor.u32 v57, v43;
	v43 =	vsub.f32 $1.000000000e+00, v20  }
0x21c: {  	v21 =	vor.u32 v57, v32;
	v10 =	vor.u32 v57, v34;
	v20 =	vshll.u32 v15, $0x9  }
0x21d: {  	v23 =	vsub.f32 $1.000000000e+00, v42;
	v32 =	vand.u32 $0x1000, v16;
	v15 =	vshll.u32 v15, $0x7;
	[tilespmem:v30+s23+$0x0] =	vst.idx.msk $0xffff, v2  }
0x21e: {  	v16 =	vshll.u32 v12, $0x9;
	v12 =	vand.u32 $0x280, v48;
	v37 =	vand.u32 $0x1000, v20;
	v20 =	vld.idx.msk [tilespmem:v3+s24+$0x0], $0xffff  }
0x21f: {  	v2 =	vand.u32 $0x380, v49;
	v6 =	vsub.f32 $1.000000000e+00, v47;
	v34 =	vadd.s32 v52, v32;
	[tilespmem:v8+s23+$0x0] =	vst.idx.msk $0xffff, v43  }
0x220: {  	v26 =	vadd.s32 v59, v32;
	v30 =	vadd.s32 v50, v32;
	v1 =	vand.u32 $0x1000, v16;
	v40 =	vld.idx.msk [tilespmem:v22+s24+$0x0], $0xffff  }
0x221: {  	v4 =	vadd.s32 v54, v32;
	v51 =	vadd.s32 v53, v32;
	v16 =	vadd.s32 v52, v1  }
0x222: {  	v26 =	vor.u32 v12, v26;
	v38 =	vadd.s32 v50, v37;
	v16 =	vor.u32 v2, v16  }
0x223: {  	v41 =	vadd.s32 v59, v37;
	v42 =	vor.u32 v14, v26;
	[tilespmem:$0x1FC90] =	vst v16;
	v20 =	vsub.f32 $1.000000000e+00, v20  }
0x224: {  	v15 =	vand.u32 $0x300, v15;
	v8 =	vor.u32 v12, v51;
	v56 =	vadd.s32 v53, v37;
	[tilespmem:v18+s23+$0x0] =	vst.idx.msk $0xffff, v23  }
0x225: {  	v51 =	vor.u32 v12, v30;
	v30 =	vadd.s32 v53, v1;
	[tilespmem:v3+s23+$0x0] =	vst.idx.msk $0xffff, v20;
	v18 =	vsub.f32 $1.000000000e+00, v40  }
0x226: {  	v47 =	vor.u32 v2, v30;
	v40 =	vor.u32 v15, v56;
	v56 =	vadd.s32 v11, v37;
	v30 =	vld.idx.msk [tilespmem:v13+s24+$0x0], $0xffff  }
0x227: {  	v35 =	vadd.s32 v58, v37;
	v23 =	vld.idx.msk [tilespmem:v17+s24+$0x0], $0xffff;
	v16 =	vor.u32 v15, v56;
	[tilespmem:v22+s23+$0x0] =	vst.idx.msk $0xffff, v18  }
0x228: {  	v28 =	vmov v45;
	v45 =	vadd.s32 v50, v1;
	v20 =	vadd.s32 v11, v32;
	v49 =	vld.idx.msk [tilespmem:v42+s24+$0x0], $0xffff;
	[tilespmem:$0x1FCE0] =	vst v16  }
0x229: {  	v48 =	vor.u32 v12, v20;
	v20 =	vor.u32 v15, v41;
	v18 =	vadd.s32 v59, v1;
	v41 =	vld.idx.msk [tilespmem:v5+s24+$0x0], $0xffff  }
0x22a: {  	v20 =	vor.u32 v14, v20;
	[tilespmem:v9+s23+$0x0] =	vst.idx.msk $0xffff, v6;
	v9 =	vor.u32 v2, v18  }
0x22b: {  	v43 =	vadd.s32 v54, v37;
	v6 =	vor.u32 v14, v9;
	v18 =	vsub.f32 $1.000000000e+00, v30  }
0x22c: {  	v4 =	vor.u32 v12, v4;
	v26 =	vadd.s32 v58, v32;
	v8 =	vor.u32 v24, v8  }
0x22d: {  	v3 =	vadd.s32 v60, v37;
	v9 =	vld.idx.msk [tilespmem:v7+s24+$0x0], $0xffff;
	[tilespmem:v13+s23+$0x0] =	vst.idx.msk $0xffff, v18;
	v18 =	vsub.f32 $1.000000000e+00, v49  }
0x22e: {  	s13 =	simm.s32 $0x4;
	v23 =	vsub.f32 $1.000000000e+00, v23;
	v13 =	vor.u32 v24, v40;
	v40 =	vld.idx.msk [tilespmem:v10+s24+$0x0], $0xffff;
	v41 =	vsub.f32 $1.000000000e+00, v41  }
0x22f: {  	v30 =	vor.u32 v12, v26;
	v26 =	vor.u32 v24, v47;
	v47 =	vld.idx.msk [tilespmem:v20+s24+$0x0], $0xffff;
	v49 =	vmov s13;
	[tilespmem:v42+s23+$0x0] =	vst.idx.msk $0xffff, v18  }
0x230: {  	v16 =	vor.u32 v15, v43;
	v18 =	vshll.u32 v49, $0x9;
	[tilespmem:v5+s23+$0x0] =	vst.idx.msk $0xffff, v41;
	v5 =	vld.idx.msk [tilespmem:v6+s24+$0x0], $0xffff  }
0x231: {  	[tilespmem:v17+s23+$0x0] =	vst.idx.msk $0xffff, v23;
	v43 =	vshll.u32 v49, $0x7;
	v42 =	vadd.s32 v54, v1;
	v49 =	vand.u32 $0x1000, v18;
	v17 =	vld.idx.msk [tilespmem:v8+s24+$0x0], $0xffff  }
0x232: {  	v9 =	vsub.f32 $1.000000000e+00, v9;
	v41 =	vand.u32 $0x200, v43;
	v18 =	vadd.s32 v59, v49  }
0x233: {  	v22 =	vor.u32 v2, v42;
	v18 =	vor.u32 v41, v18;
	v23 =	vsub.f32 $1.000000000e+00, v40  }
0x234: {  	[tilespmem:v7+s23+$0x0] =	vst.idx.msk $0xffff, v9;
	v40 =	vld.idx.msk [tilespmem:v0+s24+$0x0], $0xffff;
	v9 =	vor.u32 v14, v18;
	v18 =	vsub.f32 $1.000000000e+00, v47  }
0x235: {  	v42 =	vadd.s32 v58, v1;
	v47 =	vld.idx.msk [tilespmem:v21+s24+$0x0], $0xffff;
	[tilespmem:v10+s23+$0x0] =	vst.idx.msk $0xffff, v23;
	v5 =	vsub.f32 $1.000000000e+00, v5  }
0x236: {  	v59 =	vadd.s32 v50, v49;
	v50 =	vadd.s32 v53, v49;
	[tilespmem:v20+s23+$0x0] =	vst.idx.msk $0xffff, v18;
	v17 =	vsub.f32 $1.000000000e+00, v17  }
0x237: {  	v53 =	vadd.s32 v58, v49;
	v7 =	vor.u32 v41, v59;
	[tilespmem:v6+s23+$0x0] =	vst.idx.msk $0xffff, v5  }
0x238: {  	v43 =	vld.idx.msk [tilespmem:v27+s24+$0x0], $0xffff;
	v59 =	vadd.s32 v54, v49;
	[tilespmem:v8+s23+$0x0] =	vst.idx.msk $0xffff, v17;
	v5 =	vor.u32 v41, v53  }
0x239: {  	v23 =	vor.u32 v44, v7;
	v18 =	vadd.s32 v11, v49;
	v58 =	vsub.f32 $1.000000000e+00, v40;
	[tilespmem:$0x1FCA0] =	vst v5  }
0x23a: {  	v7 =	vor.u32 v41, v50;
	v50 =	vor.u32 v41, v18;
	v10 =	vsub.f32 $1.000000000e+00, v47;
	v5 =	vld.idx.msk [tilespmem:v9+s24+$0x0], $0xffff  }
0x23b: {  	v40 =	vadd.s32 v52, v49;
	v47 =	vld.idx.msk [tilespmem:v13+s24+$0x0], $0xffff;
	[tilespmem:v0+s23+$0x0] =	vst.idx.msk $0xffff, v58;
	v0 =	vadd.s32 v60, v49  }
0x23c: {  	v6 =	vor.u32 v41, v59;
	v17 =	vor.u32 v41, v40;
	v20 =	vor.u32 v41, v0;
	v41 =	vld.idx.msk [tilespmem:v61+s24+$0x0], $0xffff  }
0x23d: {  	v54 =	vadd.s32 v52, v37;
	v37 =	vsub.f32 $1.000000000e+00, v43;
	v59 =	vor.u32 v44, v51;
	v49 =	vld.idx.msk [tilespmem:v29+s24+$0x0], $0xffff  }
0x23e: {  	v38 =	vor.u32 v15, v38;
	v45 =	vor.u32 v2, v45;
	v35 =	vor.u32 v15, v35  }
0x23f: {  	v32 =	vadd.s32 v60, v32;
	v56 =	vadd.s32 v11, v1;
	[tilespmem:v27+s23+$0x0] =	vst.idx.msk $0xffff, v37;
	v5 =	vsub.f32 $1.000000000e+00, v5  }
0x240: {  	v51 =	vor.u32 v12, v34;
	v34 =	vor.u32 v19, v62;
	[tilespmem:v21+s23+$0x0] =	vst.idx.msk $0xffff, v10;
	v8 =	vsub.f32 $1.000000000e+00, v47  }
0x241: {  	v62 =	vld.idx.msk [tilespmem:v26+s24+$0x0], $0xffff;
	[tilespmem:v9+s23+$0x0] =	vst.idx.msk $0xffff, v5;
	v9 =	vor.u32 v2, v42;
	v42 =	vsub.f32 $1.000000000e+00, v41  }
0x242: {  	v43 =	vor.u32 v46, v63;
	v10 =	vld.idx.msk [tilespmem:v59+s24+$0x0], $0xffff;
	[tilespmem:v13+s23+$0x0] =	vst.idx.msk $0xffff, v8;
	v0 =	vsub.f32 $1.000000000e+00, v49  }
0x243: {  	v21 =	vor.u32 v12, v32;
	v12 =	vor.u32 v15, v3;
	v3 =	vld [tilespmem:$0x1FCB0];
	[tilespmem:v61+s23+$0x0] =	vst.idx.msk $0xffff, v42  }
0x244: {  	v56 =	vor.u32 v2, v56;
	v63 =	vor.u32 v24, v7;
	v49 =	vld [tilespmem:$0x1FCC0];
	[tilespmem:v29+s23+$0x0] =	vst.idx.msk $0xffff, v0  }
0x245: {  	v1 =	vadd.s32 v60, v1;
	v24 =	vor.u32 v39, v33;
	v60 =	vor.u32 v44, v38;
	v0 =	vld [tilespmem:$0x1FCD0]  }
0x246: {  	v33 =	vor.u32 v39, v31;
	v37 =	vor.u32 v28, v48;
	v48 =	vor.u32 v15, v54;
	v53 =	vld [tilespmem:$0x1FCE0]  }
0x247: {  	v54 =	vor.u32 v2, v1;
	v32 =	vor.u32 v46, v25;
	v58 =	vor.u32 v44, v45;
	v52 =	vld.idx.msk [tilespmem:v34+s24+$0x0], $0xffff  }
0x248: {  	v38 =	vor.u32 v57, v4;
	v47 =	vor.u32 v19, v55;
	v55 =	vor.u32 v57, v6;
	v42 =	vld.idx.msk [tilespmem:v43+s24+$0x0], $0xffff  }
0x249: {  	v41 =	vor.u32 v57, v22;
	v44 =	vsub.f32 $1.000000000e+00, v10;
	v13 =	vor.u32 v19, v9;
	v61 =	vld.idx.msk [tilespmem:v63+s24+$0x0], $0xffff  }
0x24a: {  	v29 =	vor.u32 v57, v16;
	v25 =	vor.u32 v39, v3;
	v40 =	vor.u32 v46, v49;
	v49 =	vld.idx.msk [tilespmem:v60+s24+$0x0], $0xffff  }
0x24b: {  	s5 =	simm.s32 $0x8;
	v31 =	vor.u32 v39, v0;
	v46 =	vor.u32 v28, v53;
	v28 =	vor.u32 v19, v30;
	v53 =	vld.idx.msk [tilespmem:v36+s24+$0x0], $0xffff  }
.LBB2_7:
0x24c: {  	v18 =	vld [tilespmem:$0x1FF00]  }
0x24d: {  	[tilespmem:$0x1FC40] =	vst v12;
	v1 =	vld.idx.msk [tilespmem:v47+s24+$0x0], $0xffff  }
0x24e: {  	[tilespmem:$0x1FC60] =	vst v17;
	s11 =	sadd.s32 $0x1, s5;
	s12 =	sadd.s32 $0x2, s5;
	s13 =	sadd.s32 $0x3, s5;
	v17 =	vld [tilespmem:$0x1FF50]  }
0x24f: {  	v2 =	vmovc v51;
	[tilespmem:v59+s23+$0x0] =	vst.idx.msk $0xffff, v44;
	v8 =	vmovc v55;
	v19 =	vld [tilespmem:$0x1FF60];
	v45 =	vmov s11;
	v3 =	vmov s12;
	v59 =	vmov s13  }
0x250: {  	v5 =	vmovc v54;
	v44 =	vmovc v21;
	v21 =	vld [tilespmem:$0x1FFE0];
	[tilespmem:$0x1FC00] =	vst v8;
	v8 =	vsub.f32 $1.000000000e+00, v52;
	v51 =	vshll.u32 v45, $0x9;
	v54 =	vshll.u32 v3, $0x9  }
0x251: {  	v6 =	vmovc v48;
	v22 =	vld [tilespmem:$0x1FF70];
	[tilespmem:$0x1FC30] =	vst v2;
	v2 =	vshll.u32 v45, $0x7;
	v3 =	vshll.u32 v3, $0x7;
	v39 =	vsub.f32 $1.000000000e+00, v62  }
0x252: {  	[tilespmem:$0x1FC10] =	vst v6;
	v0 =	vor.u32 v18, v50;
	v50 =	vor.u32 v18, v56;
	v56 =	vsub.f32 $1.000000000e+00, v49;
	v49 =	vmovc v20;
	v20 =	vld [tilespmem:$0x1FF40]  }
0x253: {  	[tilespmem:$0x1FC20] =	vst v5;
	v9 =	vshll.u32 v59, $0x9;
	v45 =	vld [tilespmem:$0x1FFF0];
	v5 =	vand.u32 $0x1000, v51;
	v4 =	vsub.f32 $1.000000000e+00, v42  }
0x254: {  	v51 =	vand.u32 $0x280, v2;
	v52 =	vand.u32 $0x1000, v9;
	v7 =	vsub.f32 $1.000000000e+00, v61;
	v42 =	vmovc v35;
	v35 =	vld [tilespmem:$0x1FFC0];
	[tilespmem:v26+s23+$0x0] =	vst.idx.msk $0xffff, v39  }
0x255: {  	v62 =	vadd.s32 v17, v5;
	v14 =	vadd.s32 v19, v5;
	[tilespmem:v43+s23+$0x0] =	vst.idx.msk $0xffff, v4;
	v9 =	vld.idx.msk [tilespmem:v58+s24+$0x0], $0xffff  }
0x256: {  	v30 =	vadd.s32 v21, v52;
	[tilespmem:v63+s23+$0x0] =	vst.idx.msk $0xffff, v7;
	v4 =	vshll.u32 v59, $0x7;
	v43 =	vand.u32 $0x1000, v54;
	v7 =	vld.idx.msk [tilespmem:v37+s24+$0x0], $0xffff  }
0x257: {  	v63 =	vadd.s32 v21, v5;
	v10 =	vld.idx.msk [tilespmem:v23+s24+$0x0], $0xffff;
	[tilespmem:v60+s23+$0x0] =	vst.idx.msk $0xffff, v56;
	v57 =	vadd.s32 v20, v5  }
0x258: {  	v48 =	vmovc v13;
	v6 =	vor.u32 v51, v62;
	v60 =	vsub.f32 $1.000000000e+00, v1;
	v11 =	vadd.s32 v17, v43;
	[tilespmem:$0x1FBF0] =	vst v57;
	v57 =	vld [tilespmem:$0x1FFA0]  }
0x259: {  	[tilespmem:$0x1FBE0] =	vst v0;
	v13 =	vld.idx.msk [tilespmem:v33+s24+$0x0], $0xffff;
	v54 =	vand.u32 $0x380, v4;
	v15 =	vadd.s32 v22, v43;
	v12 =	vadd.s32 v20, v52  }
0x25a: {  	v0 =	vor.u32 v51, v63;
	v2 =	vld.idx.msk [tilespmem:v46+s24+$0x0], $0xffff;
	[tilespmem:v47+s23+$0x0] =	vst.idx.msk $0xffff, v60;
	v4 =	vor.u32 v54, v12  }
0x25b: {  	v55 =	vand.u32 $0x300, v3;
	v26 =	vadd.s32 v21, v43;
	v63 =	vadd.s32 v19, v43;
	[tilespmem:$0x1FC50] =	vst v4;
	v4 =	vld.idx.msk [tilespmem:v32+s24+$0x0], $0xffff  }
0x25c: {  	v59 =	vor.u32 v54, v30;
	[tilespmem:v34+s23+$0x0] =	vst.idx.msk $0xffff, v8;
	v34 =	vor.u32 v55, v26;
	v9 =	vsub.f32 $1.000000000e+00, v9  }
0x25d: {  	v30 =	vld [tilespmem:$0x1FFD0];
	v47 =	vadd.s32 v17, v52;
	v39 =	vadd.s32 v35, v5;
	v61 =	vadd.s32 v57, v5  }
0x25e: {  	v60 =	vld.idx.msk [tilespmem:v40+s24+$0x0], $0xffff;
	v56 =	vadd.s32 v35, v43;
	[tilespmem:v58+s23+$0x0] =	vst.idx.msk $0xffff, v9;
	v1 =	vor.u32 v51, v61  }
0x25f: {  	v8 =	vor.u32 v51, v39;
	v16 =	vld.idx.msk [tilespmem:v50+s24+$0x0], $0xffff;
	v3 =	vadd.s32 v57, v43;
	v12 =	vor.u32 v45, v1  }
0x260: {  	v7 =	vsub.f32 $1.000000000e+00, v7;
	v3 =	vor.u32 v55, v3;
	v4 =	vsub.f32 $1.000000000e+00, v4  }
0x261: {  	v9 =	vor.u32 v55, v56;
	v58 =	vadd.s32 v35, v52;
	v3 =	vor.u32 v45, v3  }
0x262: {  	v27 =	vld [tilespmem:$0x1FF80];
	v13 =	vsub.f32 $1.000000000e+00, v13;
	v26 =	vor.u32 v30, v59;
	v56 =	vor.u32 v54, v58;
	[tilespmem:v32+s23+$0x0] =	vst.idx.msk $0xffff, v4  }
0x263: {  	[tilespmem:$0x1FC70] =	vst v9;
	v58 =	vor.u32 v54, v47;
	v60 =	vsub.f32 $1.000000000e+00, v60;
	v61 =	vor.u32 v51, v14;
	v32 =	vld.idx.msk [tilespmem:v31+s24+$0x0], $0xffff  }
0x264: {  	v16 =	vsub.f32 $1.000000000e+00, v16;
	v39 =	vld.idx.msk [tilespmem:v12+s24+$0x0], $0xffff;
	[tilespmem:v37+s23+$0x0] =	vst.idx.msk $0xffff, v7;
	v37 =	vsub.f32 $1.000000000e+00, v53;
	v53 =	vadd.s32 v57, v52  }
0x265: {  	s12 =	smov.u32 s5;
	v7 =	vor.u32 v30, v0;
	v9 =	vld.idx.msk [tilespmem:v38+s24+$0x0], $0xffff;
	v0 =	vor.u32 v54, v53;
	[tilespmem:v33+s23+$0x0] =	vst.idx.msk $0xffff, v13  }
0x266: {  	v47 =	vmov s12;
	v1 =	vadd.s32 v22, v5;
	v14 =	vor.u32 v45, v0;
	[tilespmem:v36+s23+$0x0] =	vst.idx.msk $0xffff, v37;
	v36 =	vld.idx.msk [tilespmem:v3+s24+$0x0], $0xffff  }
0x267: {  	v53 =	vor.u32 v30, v34;
	v34 =	vld.idx.msk [tilespmem:v25+s24+$0x0], $0xffff;
	[tilespmem:v50+s23+$0x0] =	vst.idx.msk $0xffff, v16;
	v16 =	vshll.u32 v47, $0x9  }
0x268: {  	v5 =	vadd.s32 v27, v5;
	[tilespmem:v40+s23+$0x0] =	vst.idx.msk $0xffff, v60;
	v60 =	vld.idx.msk [tilespmem:v41+s24+$0x0], $0xffff;
	v13 =	vand.u32 $0x1000, v16  }
0x269: {  	v59 =	vsub.f32 $1.000000000e+00, v39;
	v16 =	vadd.s32 v57, v13;
	v57 =	vld [tilespmem:$0x1FF90];
	v50 =	vadd.s32 v21, v13  }
0x26a: {  	v21 =	vor.u32 v51, v5;
	v5 =	vor.u32 v55, v15;
	v15 =	vld [tilespmem:$0x1FF10];
	v9 =	vsub.f32 $1.000000000e+00, v9  }
0x26b: {  	v11 =	vor.u32 v55, v11;
	v2 =	vsub.f32 $1.000000000e+00, v2;
	[tilespmem:v12+s23+$0x0] =	vst.idx.msk $0xffff, v59;
	v12 =	vsub.f32 $1.000000000e+00, v32;
	v33 =	vld.idx.msk [tilespmem:v14+s24+$0x0], $0xffff  }
0x26c: {  	v4 =	vshll.u32 v47, $0x7;
	v59 =	vadd.s32 v35, v13;
	v35 =	vmovc v5;
	v5 =	vld [tilespmem:$0x1FC40];
	v34 =	vsub.f32 $1.000000000e+00, v34;
	[tilespmem:v38+s23+$0x0] =	vst.idx.msk $0xffff, v9  }
0x26d: {  	v0 =	vor.u32 v55, v63;
	v40 =	vadd.s32 v22, v52;
	[tilespmem:v31+s23+$0x0] =	vst.idx.msk $0xffff, v12;
	v12 =	vld.idx.msk [tilespmem:v24+s24+$0x0], $0xffff  }
0x26e: {  	v4 =	vand.u32 $0x200, v4;
	v63 =	vadd.s32 v17, v13;
	[tilespmem:v25+s23+$0x0] =	vst.idx.msk $0xffff, v34;
	v25 =	vadd.s32 v22, v13;
	v22 =	vld [tilespmem:$0x1FBE0]  }
0x26f: {  	v16 =	vor.u32 v4, v16;
	v47 =	vor.u32 v4, v63;
	v63 =	vadd.s32 v27, v13;
	v31 =	vld.idx.msk [tilespmem:v28+s24+$0x0], $0xffff  }
0x270: {  	v37 =	vadd.s32 v19, v52;
	v16 =	vor.u32 v45, v16;
	v17 =	vor.u32 v4, v63;
	v38 =	vld.idx.msk [tilespmem:v7+s24+$0x0], $0xffff  }
0x271: {  	v10 =	vsub.f32 $1.000000000e+00, v10;
	v9 =	vor.u32 v4, v50;
	[tilespmem:v46+s23+$0x0] =	vst.idx.msk $0xffff, v2;
	v2 =	vadd.s32 v19, v13;
	v19 =	vld [tilespmem:$0x1FF20]  }
0x272: {  	v50 =	vor.u32 v4, v59;
	v60 =	vsub.f32 $1.000000000e+00, v60;
	v63 =	vor.u32 v30, v9;
	v9 =	vld [tilespmem:$0x1FF30]  }
0x273: {  	v32 =	vor.u32 v57, v47;
	[tilespmem:v23+s23+$0x0] =	vst.idx.msk $0xffff, v10;
	v10 =	vld.idx.msk [tilespmem:v29+s24+$0x0], $0xffff;
	v59 =	vor.u32 v57, v6  }
0x274: {  	v58 =	vor.u32 v57, v58;
	[tilespmem:v41+s23+$0x0] =	vst.idx.msk $0xffff, v60;
	v60 =	vor.u32 v57, v11;
	v57 =	vld [tilespmem:$0x1FC20]  }
0x275: {  	v41 =	vld.idx.msk [tilespmem:v16+s24+$0x0], $0xffff  }
0x276: {  	v36 =	vsub.f32 $1.000000000e+00, v36;
	v46 =	vld.idx.msk [tilespmem:v22+s24+$0x0], $0xffff  }
0x277: {  	v62 =	vadd.s32 v27, v43;
	v6 =	vld.idx.msk [tilespmem:v48+s24+$0x0], $0xffff;
	v12 =	vsub.f32 $1.000000000e+00, v12  }
0x278: {  	v39 =	vadd.s32 v20, v43;
	[tilespmem:v3+s23+$0x0] =	vst.idx.msk $0xffff, v36;
	v47 =	vsub.f32 $1.000000000e+00, v33;
	v43 =	vor.u32 v19, v44;
	v44 =	vld [tilespmem:$0x1FC10]  }
0x279: {  	v45 =	vmov v48;
	v48 =	vsub.f32 $1.000000000e+00, v38;
	[tilespmem:v24+s23+$0x0] =	vst.idx.msk $0xffff, v12;
	v12 =	vld [tilespmem:$0x1FCA0]  }
0x27a: {  	v34 =	vor.u32 v15, v42;
	[tilespmem:v14+s23+$0x0] =	vst.idx.msk $0xffff, v47;
	v14 =	vld [tilespmem:$0x1FFB0]  }
0x27b: {  	v1 =	vor.u32 v51, v1;
	v36 =	vsub.f32 $1.000000000e+00, v10;
	[tilespmem:v7+s23+$0x0] =	vst.idx.msk $0xffff, v48;
	v10 =	vld.idx.msk [tilespmem:v53+s24+$0x0], $0xffff;
	v38 =	vsub.f32 $1.000000000e+00, v46  }
0x27c: {  	[tilespmem:$0x1FC80] =	vst v1;
	v1 =	vor.u32 v54, v37;
	v37 =	vor.u32 v18, v8;
	v8 =	vld.idx.msk [tilespmem:v59+s24+$0x0], $0xffff  }
0x27d: {  	v3 =	vor.u32 v54, v40;
	v25 =	vor.u32 v4, v25;
	[tilespmem:v22+s23+$0x0] =	vst.idx.msk $0xffff, v38;
	v22 =	vld [tilespmem:$0x1FC00]  }
0x27e: {  	[tilespmem:v29+s23+$0x0] =	vst.idx.msk $0xffff, v36;
	v36 =	vor.u32 v19, v57;
	v57 =	vld [tilespmem:$0x1FC80];
	v47 =	vor.u32 v15, v12;
	v12 =	vmov v25  }
0x27f: {  	v40 =	vadd.s32 v27, v52;
	v52 =	vld.idx.msk [tilespmem:v34+s24+$0x0], $0xffff;
	[tilespmem:$0x1FCA0] =	vst v12;
	v12 =	vadd.s32 v20, v13  }
0x280: {  	v2 =	vor.u32 v4, v2;
	v4 =	vor.u32 v4, v12;
	v12 =	vld [tilespmem:$0x1FBF0]  }
0x281: {  	v23 =	vmov v32;
	v32 =	vor.u32 v19, v49;
	v49 =	vsub.f32 $1.000000000e+00, v10;
	v46 =	vld [tilespmem:$0x1FC90]  }
0x282: {  	v24 =	vor.u32 v9, v44;
	v44 =	vsub.f32 $1.000000000e+00, v8;
	v8 =	vld [tilespmem:$0x1FC50]  }
0x283: {  	[tilespmem:v53+s23+$0x0] =	vst.idx.msk $0xffff, v49;
	v53 =	vld [tilespmem:$0x1FC70]  }
0x284: {  	v38 =	vor.u32 v14, v61;
	v61 =	vld [tilespmem:$0x1FC30]  }
0x285: {  	v42 =	vsub.f32 $1.000000000e+00, v31;
	v51 =	vor.u32 v51, v12;
	v12 =	vld.idx.msk [tilespmem:v22+s24+$0x0], $0xffff  }
0x286: {  	v54 =	vor.u32 v54, v40;
	v40 =	vor.u32 v19, v5;
	v25 =	vor.u32 v9, v46;
	v46 =	vld [tilespmem:$0x1FC60]  }
0x287: {  	p1 =	slt.u32 s5, $0xC;
	v7 =	vor.u32 v55, v62;
	v62 =	vld.idx.msk [tilespmem:v26+s24+$0x0], $0xffff;
	v6 =	vsub.f32 $1.000000000e+00, v6;
	[tilespmem:v28+s23+$0x0] =	vst.idx.msk $0xffff, v42  }
.Ltmp2:
0x288: {  	v48 =	vor.u32 v55, v39;
	v55 =	vor.u32 v14, v2;
	v42 =	vld.idx.msk [tilespmem:v43+s24+$0x0], $0xffff;
	v29 =	vor.u32 v14, v0;
	(pc) =	sbr.rel @p1 .LBB2_7-.Ltmp2, $4  }
0x289: {  	[tilespmem:v45+s23+$0x0] =	vst.idx.msk $0xffff, v6;
	v20 =	vmovc v17;
	v13 =	vsub.f32 $1.000000000e+00, v41;
	v28 =	vor.u32 v15, v57;
	v10 =	vmov v8  }
0x28a: {  	v41 =	vor.u32 v14, v1;
	v49 =	vld.idx.msk [tilespmem:v60+s24+$0x0], $0xffff;
	[tilespmem:$0x1FC90] =	vst v10;
	v33 =	vor.u32 v9, v61;
	v11 =	vsub.f32 $1.000000000e+00, v12  }
0x28b: {  	[tilespmem:v16+s23+$0x0] =	vst.idx.msk $0xffff, v13;
	v31 =	vor.u32 v9, v46;
	v46 =	vor.u32 v18, v53;
	v53 =	vld.idx.msk [tilespmem:v36+s24+$0x0], $0xffff  }
0x28c: {  	s5 =	sadd.s32 $0x4, s5;
	v17 =	vmov v4;
	v13 =	vor.u32 v15, v3;
	v61 =	vld.idx.msk [tilespmem:v63+s24+$0x0], $0xffff;
	v12 =	vmov v7;
	[tilespmem:v22+s23+$0x0] =	vst.idx.msk $0xffff, v11  }
0x28d: {  	_ =	sdelay $0x2  }
0x28e: {  	v1 =	vsub.f32 $1.000000000e+00, v62  }
0x28f: {  	v0 =	vsub.f32 $1.000000000e+00, v61  }
0x290: {  	[tilespmem:v26+s23+$0x0] =	vst.idx.msk $0xffff, v1  }
0x291: {  	[tilespmem:v63+s23+$0x0] =	vst.idx.msk $0xffff, v0  }
0x292: {  	v45 =	vld [tilespmem:$0x1FF00];
	_ =	sdelay $0x1  }
0x293: {  	v1 =	vld.idx.msk [tilespmem:v58+s24+$0x0], $0xffff  }
0x294: {  	v0 =	vld.idx.msk [tilespmem:v23+s24+$0x0], $0xffff;
	_ =	sdelay $0x1  }
0x295: {  	v3 =	vor.u32 v45, v56  }
0x296: {  	v4 =	vsub.f32 $1.000000000e+00, v49;
	v2 =	vor.u32 v45, v50  }
0x297: {  	[tilespmem:v59+s23+$0x0] =	vst.idx.msk $0xffff, v44;
	v1 =	vsub.f32 $1.000000000e+00, v1  }
0x298: {  	[tilespmem:v60+s23+$0x0] =	vst.idx.msk $0xffff, v4;
	v5 =	vld.idx.msk [tilespmem:v37+s24+$0x0], $0xffff;
	v0 =	vsub.f32 $1.000000000e+00, v0  }
0x299: {  	v4 =	vld.idx.msk [tilespmem:v46+s24+$0x0], $0xffff;
	[tilespmem:v58+s23+$0x0] =	vst.idx.msk $0xffff, v1  }
0x29a: {  	[tilespmem:v23+s23+$0x0] =	vst.idx.msk $0xffff, v0;
	v1 =	vld.idx.msk [tilespmem:v3+s24+$0x0], $0xffff  }
0x29b: {  	v0 =	vld.idx.msk [tilespmem:v2+s24+$0x0], $0xffff;
	_ =	sdelay $0x1  }
0x29c: {  	v5 =	vsub.f32 $1.000000000e+00, v5  }
0x29d: {  	v4 =	vsub.f32 $1.000000000e+00, v4  }
0x29e: {  	[tilespmem:v37+s23+$0x0] =	vst.idx.msk $0xffff, v5;
	v1 =	vsub.f32 $1.000000000e+00, v1  }
0x29f: {  	[tilespmem:v46+s23+$0x0] =	vst.idx.msk $0xffff, v4;
	v5 =	vld.idx.msk [tilespmem:v38+s24+$0x0], $0xffff;
	v0 =	vsub.f32 $1.000000000e+00, v0  }
0x2a0: {  	v58 =	vld.idx.msk [tilespmem:v29+s24+$0x0], $0xffff;
	[tilespmem:v3+s23+$0x0] =	vst.idx.msk $0xffff, v1  }
0x2a1: {  	[tilespmem:v2+s23+$0x0] =	vst.idx.msk $0xffff, v0;
	v1 =	vld.idx.msk [tilespmem:v41+s24+$0x0], $0xffff  }
0x2a2: {  	v49 =	vld [tilespmem:$0x1FF10]  }
0x2a3: {  	v3 =	vld [tilespmem:$0x1FCA0]  }
0x2a4: {  	v0 =	vld.idx.msk [tilespmem:v55+s24+$0x0], $0xffff;
	_ =	sdelay $0x1  }
0x2a5: {  	v5 =	vsub.f32 $1.000000000e+00, v5  }
0x2a6: {  	v2 =	vsub.f32 $1.000000000e+00, v58  }
0x2a7: {  	v59 =	vld.idx.msk [tilespmem:v47+s24+$0x0], $0xffff;
	[tilespmem:v38+s23+$0x0] =	vst.idx.msk $0xffff, v5;
	v3 =	vor.u32 v49, v3;
	v1 =	vsub.f32 $1.000000000e+00, v1  }
0x2a8: {  	[tilespmem:v29+s23+$0x0] =	vst.idx.msk $0xffff, v2;
	v6 =	vor.u32 v49, v35;
	v0 =	vsub.f32 $1.000000000e+00, v0  }
0x2a9: {  	v5 =	vld.idx.msk [tilespmem:v28+s24+$0x0], $0xffff;
	[tilespmem:v41+s23+$0x0] =	vst.idx.msk $0xffff, v1  }
0x2aa: {  	[tilespmem:v55+s23+$0x0] =	vst.idx.msk $0xffff, v0;
	v61 =	vld.idx.msk [tilespmem:v13+s24+$0x0], $0xffff  }
0x2ab: {  	v46 =	vld [tilespmem:$0x1FF20]  }
0x2ac: {  	v60 =	vsub.f32 $1.000000000e+00, v59;
	v0 =	vld.idx.msk [tilespmem:v3+s24+$0x0], $0xffff  }
0x2ad: {  	v8 =	vsub.f32 $1.000000000e+00, v52;
	v7 =	vld.idx.msk [tilespmem:v6+s24+$0x0], $0xffff  }
0x2ae: {  	v5 =	vsub.f32 $1.000000000e+00, v5;
	[tilespmem:v47+s23+$0x0] =	vst.idx.msk $0xffff, v60  }
0x2af: {  	v42 =	vsub.f32 $1.000000000e+00, v42;
	[tilespmem:v34+s23+$0x0] =	vst.idx.msk $0xffff, v8;
	v9 =	vld.idx.msk [tilespmem:v32+s24+$0x0], $0xffff  }
0x2b0: {  	[tilespmem:v28+s23+$0x0] =	vst.idx.msk $0xffff, v5;
	v4 =	vsub.f32 $1.000000000e+00, v61  }
0x2b1: {  	[tilespmem:v43+s23+$0x0] =	vst.idx.msk $0xffff, v42;
	v62 =	vor.u32 v46, v21;
	v0 =	vsub.f32 $1.000000000e+00, v0  }
0x2b2: {  	v63 =	vor.u32 v46, v20;
	v7 =	vsub.f32 $1.000000000e+00, v7;
	[tilespmem:v13+s23+$0x0] =	vst.idx.msk $0xffff, v4  }
0x2b3: {  	[tilespmem:v3+s23+$0x0] =	vst.idx.msk $0xffff, v0  }
0x2b4: {  	v11 =	vld.idx.msk [tilespmem:v40+s24+$0x0], $0xffff;
	v35 =	vor.u32 v46, v12;
	v44 =	vsub.f32 $1.000000000e+00, v9;
	[tilespmem:v6+s23+$0x0] =	vst.idx.msk $0xffff, v7  }
0x2b5: {  	v50 =	vsub.f32 $1.000000000e+00, v53;
	v10 =	vor.u32 v46, v54;
	v39 =	vld [tilespmem:$0x1FF30]  }
0x2b6: {  	v5 =	vld.idx.msk [tilespmem:v62+s24+$0x0], $0xffff;
	[tilespmem:v32+s23+$0x0] =	vst.idx.msk $0xffff, v44  }
0x2b7: {  	v3 =	vld.idx.msk [tilespmem:v63+s24+$0x0], $0xffff;
	[tilespmem:v36+s23+$0x0] =	vst.idx.msk $0xffff, v50  }
0x2b8: {  	v0 =	vld [tilespmem:$0x1FC90]  }
0x2b9: {  	v7 =	vld.idx.msk [tilespmem:v35+s24+$0x0], $0xffff  }
0x2ba: {  	v47 =	vld.idx.msk [tilespmem:v10+s24+$0x0], $0xffff;
	v51 =	vor.u32 v39, v51  }
0x2bb: {  	v12 =	vld.idx.msk [tilespmem:v33+s24+$0x0], $0xffff;
	v52 =	vsub.f32 $1.000000000e+00, v11;
	v53 =	vor.u32 v39, v17  }
0x2bc: {  	v13 =	vld.idx.msk [tilespmem:v31+s24+$0x0], $0xffff;
	v5 =	vsub.f32 $1.000000000e+00, v5;
	v54 =	vor.u32 v39, v48  }
0x2bd: {  	v14 =	vld.idx.msk [tilespmem:v25+s24+$0x0], $0xffff;
	[tilespmem:v40+s23+$0x0] =	vst.idx.msk $0xffff, v52;
	v3 =	vsub.f32 $1.000000000e+00, v3;
	v0 =	vor.u32 v39, v0  }
0x2be: {  	v15 =	vld.idx.msk [tilespmem:v24+s24+$0x0], $0xffff;
	v56 =	vsub.f32 $1.000000000e+00, v7;
	[tilespmem:v62+s23+$0x0] =	vst.idx.msk $0xffff, v5  }
0x2bf: {  	v55 =	vsub.f32 $1.000000000e+00, v47;
	[tilespmem:v63+s23+$0x0] =	vst.idx.msk $0xffff, v3;
	v5 =	vld.idx.msk [tilespmem:v51+s24+$0x0], $0xffff  }
0x2c0: {  	v57 =	vsub.f32 $1.000000000e+00, v12;
	[tilespmem:v35+s23+$0x0] =	vst.idx.msk $0xffff, v56;
	v58 =	vld.idx.msk [tilespmem:v53+s24+$0x0], $0xffff  }
0x2c1: {  	v59 =	vsub.f32 $1.000000000e+00, v13;
	[tilespmem:v10+s23+$0x0] =	vst.idx.msk $0xffff, v55;
	v62 =	vld.idx.msk [tilespmem:v54+s24+$0x0], $0xffff  }
0x2c2: {  	[tilespmem:v33+s23+$0x0] =	vst.idx.msk $0xffff, v57;
	v61 =	vsub.f32 $1.000000000e+00, v14;
	v60 =	vld.idx.msk [tilespmem:v0+s24+$0x0], $0xffff  }
0x2c3: {  	v63 =	vsub.f32 $1.000000000e+00, v15;
	[tilespmem:v31+s23+$0x0] =	vst.idx.msk $0xffff, v59  }
0x2c4: {  	[tilespmem:v25+s23+$0x0] =	vst.idx.msk $0xffff, v61;
	v5 =	vsub.f32 $1.000000000e+00, v5  }
0x2c5: {  	[tilespmem:v24+s23+$0x0] =	vst.idx.msk $0xffff, v63;
	v7 =	vsub.f32 $1.000000000e+00, v58  }
0x2c6: {  	v9 =	vsub.f32 $1.000000000e+00, v62;
	[tilespmem:v51+s23+$0x0] =	vst.idx.msk $0xffff, v5  }
0x2c7: {  	v8 =	vsub.f32 $1.000000000e+00, v60;
	[tilespmem:v53+s23+$0x0] =	vst.idx.msk $0xffff, v7  }
0x2c8: {  	[tilespmem:v54+s23+$0x0] =	vst.idx.msk $0xffff, v9  }
0x2c9: {  	s12 =	sadd.s32 s14, s10;
	[tilespmem:v0+s23+$0x0] =	vst.idx.msk $0xffff, v8  }
0x2ca: {  	[hbm4b:s12+s6] =	stream.linear.scatter [tilespmem:s23], [sflag:$0xB], $0x2000, $0x38;
	[tilespmem:$0x10080] =	vst v63  }
0x2cb: {  	_ =	swait.ge [sflag:s18], $0x2000  }
0x2cc: {  	v52 =	vld [tilespmem:$0x1FF40]  }
0x2cd: {  	s11 =	simm.s32 $0x2;
	s13 =	simm.s32 $0x3;
	v59 =	vld [tilespmem:$0x1FFA0]  }
0x2ce: {  	v34 =	vmov s13;
	v11 =	vmov s11;
	v50 =	vld [tilespmem:$0x1FF50]  }
0x2cf: {  	s5 =	simm.s32 $0x1;
	v1 =	vshll.u32 v11, $0x7;
	v4 =	vshll.u32 v34, $0x7;
	v54 =	vld [tilespmem:$0x1FF60]  }
0x2d0: {  	v1 =	vand.u32 $0x300, v1;
	v4 =	vand.u32 $0x380, v4;
	v10 =	vmov s5;
	v53 =	vld [tilespmem:$0x1FFE0]  }
0x2d1: {  	v33 =	vshll.u32 v11, $0x9;
	v35 =	vshll.u32 v34, $0x9;
	v32 =	vshll.u32 v10, $0x9;
	v58 =	vld [tilespmem:$0x1FF70]  }
0x2d2: {  	s10 =	simm.s32 @!p0 $0x0;
	v3 =	vand.u32 $0x1000, v33;
	s5 =	sadd.s32 @!p0 s9, s15;
	v2 =	vand.u32 $0x1000, v32;
	v0 =	vshll.u32 v10, $0x7;
	[sflag:s18] =	ssyncset.done $0x0  }
0x2d3: {  	s11 =	simm.s32 @!p0 $0x2000;
	v6 =	vand.u32 $0x1000, v35;
	s9 =	sadd.s32 @!p0 s1, s5;
	v0 =	vand.u32 $0x280, v0;
	[sflag:s18] =	ssyncadd.s32 $0xFFFFE000;
	v5 =	vadd.s32 v52, v2  }
0x2d4: {  	v11 =	vld [tilespmem:$0x1FFF0];
	[tilespmem:s11], [sflag:$0x2] =	stream.linear.gather @!p0 [hbm4b:s9+s10], $0x2000, $0x38;
	v36 =	vadd.s32 v59, v2;
	v37 =	vadd.s32 v50, v2;
	v38 =	vadd.s32 v50, v3  }
0x2d5: {  	s5 =	sadd.s32 @!p0 s2, s5;
	s9 =	simm.s32 @!p0 $0xA000;
	v43 =	vadd.s32 v52, v6;
	v22 =	vadd.s32 v54, v2;
	v12 =	vadd.s32 v53, v2  }
0x2d6: {  	[tilespmem:s9], [sflag:$0x6] =	stream.linear.gather @!p0 [hbm4b:s5+s10], $0x2000, $0x38;
	v13 =	vadd.s32 v59, v3;
	v44 =	vadd.s32 v58, v2;
	v10 =	vor.u32 v4, v43;
	[tilespmem:$0x10080] =	vst v63  }
0x2d7: {  	v40 =	vadd.s32 v58, v3;
	v15 =	vadd.s32 v53, v3;
	v16 =	vadd.s32 v50, v6;
	[tilespmem:$0x1FBA0] =	vst v10  }
0x2d8: {  	v17 =	vadd.s32 v53, v6;
	v21 =	vadd.s32 v54, v3;
	v7 =	vor.u32 v0, v36;
	_ =	swait.ge [sflag:s7], $0x2000  }
0x2d9: {  	v25 =	vadd.s32 v54, v6;
	v29 =	vadd.s32 v58, v6;
	v7 =	vor.u32 v11, v7;
	[sflag:s7] =	ssyncset.done $0x0;
	v14 =	vld [tilespmem:$0x1FFC0]  }
0x2da: {  	v12 =	vor.u32 v0, v12;
	v8 =	vor.u32 v0, v37;
	v17 =	vor.u32 v4, v17;
	v60 =	vld [tilespmem:$0x1FF80];
	[sflag:s7] =	ssyncadd.s32 $0xFFFFE000  }
0x2db: {  	v15 =	vor.u32 v1, v15;
	v13 =	vor.u32 v1, v13;
	v9 =	vor.u32 v1, v38;
	_ =	swait.ge [sflag:s8], $0x2000  }
0x2dc: {  	v41 =	vor.u32 v0, v22;
	v16 =	vor.u32 v4, v16;
	v32 =	vor.u32 v1, v21;
	[sflag:s8] =	ssyncset.done $0x0;
	v24 =	vld [tilespmem:$0x1FFD0]  }
0x2dd: {  	v34 =	vor.u32 v4, v25;
	v62 =	vor.u32 v1, v40;
	v61 =	vor.u32 v4, v29;
	[sflag:s8] =	ssyncadd.s32 $0xFFFFE000  }
0x2de: {  	v13 =	vor.u32 v11, v13;
	v10 =	vor.u32 v0, v44;
	v61 =	vor.u32 v49, v61;
	v22 =	vld.idx.msk [tilespmem:v7+s29+$0x0], $0xffff  }
0x2df: {  	v18 =	vadd.s32 v14, v2;
	v20 =	vadd.s32 v60, v3;
	v19 =	vadd.s32 v14, v3  }
0x2e0: {  	v2 =	vadd.s32 v60, v2;
	v23 =	vor.u32 v1, v19;
	v19 =	vadd.s32 v14, v6  }
0x2e1: {  	s9 =	simm.s32 $0x0;
	v26 =	vor.u32 v4, v19;
	v19 =	vadd.s32 v59, v6;
	v12 =	vor.u32 v24, v12  }
0x2e2: {  	v19 =	vor.u32 v4, v19;
	v30 =	vor.u32 v24, v17;
	v17 =	vmov s9  }
0x2e3: {  	v27 =	vor.u32 v11, v19;
	v19 =	vshll.u32 v17, $0x9;
	v22 =	vsub.f32 $1.000000000e+00, v22  }
0x2e4: {  	v3 =	vadd.s32 v52, v3;
	v17 =	vshll.u32 v17, $0x7;
	v28 =	vand.u32 $0x1000, v19  }
0x2e5: {  	v19 =	vld.idx.msk [tilespmem:v13+s29+$0x0], $0xffff;
	v31 =	vand.u32 $0x200, v17;
	v17 =	vadd.s32 v59, v28;
	[tilespmem:v7+s28+$0x0] =	vst.idx.msk $0xffff, v22  }
0x2e6: {  	v38 =	vadd.s32 v60, v6;
	v18 =	vor.u32 v0, v18;
	v17 =	vor.u32 v31, v17;
	v44 =	vld [tilespmem:$0x1FF90]  }
0x2e7: {  	v63 =	vor.u32 v0, v2;
	v33 =	vor.u32 v1, v3;
	v7 =	vor.u32 v11, v17;
	v22 =	vld.idx.msk [tilespmem:v12+s29+$0x0], $0xffff  }
0x2e8: {  	v36 =	vor.u32 v4, v38;
	v15 =	vor.u32 v24, v15;
	v25 =	vadd.s32 v14, v28  }
0x2e9: {  	v36 =	vor.u32 v46, v36;
	v21 =	vadd.s32 v50, v28;
	v37 =	vor.u32 v31, v25;
	v48 =	vld.idx.msk [tilespmem:v27+s29+$0x0], $0xffff  }
0x2ea: {  	v17 =	vor.u32 v31, v21;
	v21 =	vadd.s32 v53, v28;
	v19 =	vsub.f32 $1.000000000e+00, v19  }
0x2eb: {  	v25 =	vadd.s32 v60, v28;
	v47 =	vor.u32 v31, v21;
	v8 =	vor.u32 v44, v8  }
0x2ec: {  	v21 =	vadd.s32 v58, v28;
	[tilespmem:v13+s28+$0x0] =	vst.idx.msk $0xffff, v19;
	v57 =	vld.idx.msk [tilespmem:v7+s29+$0x0], $0xffff;
	v42 =	vsub.f32 $1.000000000e+00, v22  }
0x2ed: {  	v51 =	vadd.s32 v54, v28;
	v25 =	vor.u32 v31, v25;
	v55 =	vor.u32 v31, v21;
	v13 =	vld.idx.msk [tilespmem:v15+s29+$0x0], $0xffff  }
0x2ee: {  	v19 =	vor.u32 v1, v20;
	v17 =	vor.u32 v44, v17;
	v43 =	vsub.f32 $1.000000000e+00, v48;
	[tilespmem:v12+s28+$0x0] =	vst.idx.msk $0xffff, v42  }
0x2ef: {  	v22 =	vor.u32 v45, v18;
	v18 =	vor.u32 v24, v47;
	v12 =	vadd.s32 v52, v28;
	[tilespmem:$0x1FBB0] =	vst v19  }
0x2f0: {  	v47 =	vor.u32 v31, v51;
	v12 =	vor.u32 v31, v12;
	[tilespmem:v27+s28+$0x0] =	vst.idx.msk $0xffff, v43;
	v20 =	vld.idx.msk [tilespmem:v8+s29+$0x0], $0xffff  }
0x2f1: {  	v9 =	vor.u32 v44, v9;
	v4 =	vor.u32 v44, v16;
	[tilespmem:$0x1FBC0] =	vst v12;
	v48 =	vsub.f32 $1.000000000e+00, v57  }
0x2f2: {  	s10 =	simm.s32 $0x5;
	v31 =	vor.u32 v0, v5;
	v0 =	vor.u32 v45, v23;
	v40 =	vsub.f32 $1.000000000e+00, v13;
	v51 =	vld.idx.msk [tilespmem:v30+s29+$0x0], $0xffff  }
0x2f3: {  	s11 =	simm.s32 $0x6;
	v27 =	vor.u32 v49, v10;
	v10 =	vor.u32 v45, v37;
	v12 =	vmov s10;
	[tilespmem:v7+s28+$0x0] =	vst.idx.msk $0xffff, v48  }
0x2f4: {  	s12 =	simm.s32 $0x7;
	v16 =	vshll.u32 v12, $0x9;
	v48 =	vshll.u32 v12, $0x7;
	v57 =	vld [tilespmem:$0x1FFB0];
	[tilespmem:v15+s28+$0x0] =	vst.idx.msk $0xffff, v40;
	v15 =	vmov s11  }
0x2f5: {  	v12 =	vmov s12;
	v42 =	vld.idx.msk [tilespmem:v18+s29+$0x0], $0xffff;
	v43 =	vsub.f32 $1.000000000e+00, v20;
	v20 =	vshll.u32 v15, $0x9  }
0x2f6: {  	v19 =	vmovc v49;
	v13 =	vor.u32 v45, v26;
	v49 =	vshll.u32 v12, $0x7;
	v37 =	vand.u32 $0x1000, v20  }
0x2f7: {  	v15 =	vshll.u32 v15, $0x7;
	v5 =	vsub.f32 $1.000000000e+00, v51;
	v38 =	vadd.s32 v50, v37  }
0x2f8: {  	v15 =	vand.u32 $0x300, v15;
	[tilespmem:v8+s28+$0x0] =	vst.idx.msk $0xffff, v43;
	v35 =	vadd.s32 v58, v37;
	v56 =	vadd.s32 v53, v37  }
0x2f9: {  	v43 =	vadd.s32 v54, v37;
	v29 =	vor.u32 v57, v47;
	v47 =	vld.idx.msk [tilespmem:v9+s29+$0x0], $0xffff;
	[tilespmem:v30+s28+$0x0] =	vst.idx.msk $0xffff, v5  }
0x2fa: {  	v6 =	vor.u32 v57, v41;
	v21 =	vor.u32 v57, v32;
	v23 =	vsub.f32 $1.000000000e+00, v42;
	v20 =	vld.idx.msk [tilespmem:v4+s29+$0x0], $0xffff  }
0x2fb: {  	v32 =	vand.u32 $0x1000, v16;
	v16 =	vshll.u32 v12, $0x9;
	v12 =	vand.u32 $0x280, v48;
	v40 =	vld.idx.msk [tilespmem:v22+s29+$0x0], $0xffff  }
0x2fc: {  	v5 =	vand.u32 $0x380, v49;
	v26 =	vadd.s32 v59, v32;
	v1 =	vand.u32 $0x1000, v16  }
0x2fd: {  	v30 =	vadd.s32 v50, v32;
	v26 =	vor.u32 v12, v26;
	v16 =	vadd.s32 v52, v1  }
0x2fe: {  	v51 =	vadd.s32 v53, v32;
	v16 =	vor.u32 v5, v16;
	v42 =	vor.u32 v11, v26  }
0x2ff: {  	v8 =	vor.u32 v12, v51;
	v51 =	vor.u32 v12, v30;
	[tilespmem:$0x1FB80] =	vst v16;
	v20 =	vsub.f32 $1.000000000e+00, v20  }
0x300: {  	v30 =	vadd.s32 v53, v1;
	v7 =	vsub.f32 $1.000000000e+00, v47;
	[tilespmem:v18+s28+$0x0] =	vst.idx.msk $0xffff, v23;
	v18 =	vsub.f32 $1.000000000e+00, v40  }
0x301: {  	v40 =	vor.u32 v15, v56;
	v56 =	vadd.s32 v14, v37;
	v23 =	vld.idx.msk [tilespmem:v17+s29+$0x0], $0xffff;
	[tilespmem:v4+s28+$0x0] =	vst.idx.msk $0xffff, v20  }
0x302: {  	v47 =	vor.u32 v5, v30;
	v16 =	vor.u32 v15, v56;
	[tilespmem:v22+s28+$0x0] =	vst.idx.msk $0xffff, v18;
	v30 =	vld.idx.msk [tilespmem:v13+s29+$0x0], $0xffff  }
0x303: {  	v41 =	vadd.s32 v59, v37;
	v20 =	vadd.s32 v14, v32;
	v49 =	vld.idx.msk [tilespmem:v42+s29+$0x0], $0xffff;
	[tilespmem:$0x1FBD0] =	vst v16  }
0x304: {  	v2 =	vor.u32 v57, v34;
	v48 =	vor.u32 v12, v20;
	v20 =	vor.u32 v15, v41;
	v41 =	vld.idx.msk [tilespmem:v6+s29+$0x0], $0xffff  }
0x305: {  	v38 =	vor.u32 v15, v38;
	v35 =	vor.u32 v15, v35;
	v18 =	vadd.s32 v59, v1  }
0x306: {  	v20 =	vor.u32 v11, v20;
	[tilespmem:v9+s28+$0x0] =	vst.idx.msk $0xffff, v7;
	v9 =	vor.u32 v5, v18  }
0x307: {  	v34 =	vadd.s32 v52, v32;
	v7 =	vor.u32 v11, v9;
	v18 =	vsub.f32 $1.000000000e+00, v30  }
0x308: {  	v28 =	vmovc v45;
	v3 =	vadd.s32 v54, v32;
	v45 =	vadd.s32 v50, v1;
	v8 =	vor.u32 v24, v8  }
0x309: {  	v26 =	vadd.s32 v58, v32;
	v9 =	vld.idx.msk [tilespmem:v0+s29+$0x0], $0xffff;
	v41 =	vsub.f32 $1.000000000e+00, v41;
	[tilespmem:v13+s28+$0x0] =	vst.idx.msk $0xffff, v18  }
0x30a: {  	s13 =	simm.s32 $0x4;
	v23 =	vsub.f32 $1.000000000e+00, v23;
	v13 =	vor.u32 v24, v40;
	v18 =	vsub.f32 $1.000000000e+00, v49;
	v40 =	vld.idx.msk [tilespmem:v2+s29+$0x0], $0xffff  }
0x30b: {  	v30 =	vor.u32 v12, v26;
	v26 =	vor.u32 v24, v47;
	v47 =	vld.idx.msk [tilespmem:v20+s29+$0x0], $0xffff;
	v49 =	vmov s13;
	[tilespmem:v6+s28+$0x0] =	vst.idx.msk $0xffff, v41  }
0x30c: {  	v4 =	vadd.s32 v60, v37;
	v6 =	vld.idx.msk [tilespmem:v7+s29+$0x0], $0xffff;
	[tilespmem:v42+s28+$0x0] =	vst.idx.msk $0xffff, v18;
	v18 =	vshll.u32 v49, $0x9  }
0x30d: {  	v16 =	vor.u32 v15, v43;
	[tilespmem:v17+s28+$0x0] =	vst.idx.msk $0xffff, v23;
	v43 =	vshll.u32 v49, $0x7;
	v49 =	vand.u32 $0x1000, v18;
	v17 =	vld.idx.msk [tilespmem:v8+s29+$0x0], $0xffff  }
0x30e: {  	v9 =	vsub.f32 $1.000000000e+00, v9;
	v41 =	vand.u32 $0x200, v43;
	v18 =	vadd.s32 v59, v49  }
0x30f: {  	v42 =	vadd.s32 v54, v1;
	v18 =	vor.u32 v41, v18;
	v23 =	vsub.f32 $1.000000000e+00, v40  }
0x310: {  	[tilespmem:v0+s28+$0x0] =	vst.idx.msk $0xffff, v9;
	v22 =	vor.u32 v5, v42;
	v11 =	vor.u32 v11, v18;
	v18 =	vsub.f32 $1.000000000e+00, v47  }
0x311: {  	v42 =	vadd.s32 v58, v1;
	v59 =	vld.idx.msk [tilespmem:v10+s29+$0x0], $0xffff;
	v6 =	vsub.f32 $1.000000000e+00, v6;
	[tilespmem:v2+s28+$0x0] =	vst.idx.msk $0xffff, v23  }
0x312: {  	v0 =	vadd.s32 v50, v49;
	v50 =	vadd.s32 v53, v49;
	[tilespmem:v20+s28+$0x0] =	vst.idx.msk $0xffff, v18;
	v17 =	vsub.f32 $1.000000000e+00, v17  }
0x313: {  	v53 =	vadd.s32 v58, v49;
	v9 =	vor.u32 v41, v0;
	[tilespmem:v7+s28+$0x0] =	vst.idx.msk $0xffff, v6  }
0x314: {  	v43 =	vld.idx.msk [tilespmem:v27+s29+$0x0], $0xffff;
	v40 =	vor.u32 v41, v53;
	v47 =	vadd.s32 v60, v49;
	[tilespmem:v8+s28+$0x0] =	vst.idx.msk $0xffff, v17  }
0x315: {  	v53 =	vadd.s32 v52, v49;
	v2 =	vld.idx.msk [tilespmem:v21+s29+$0x0], $0xffff;
	v23 =	vor.u32 v44, v9;
	[tilespmem:$0x1FB90] =	vst v40  }
0x316: {  	v18 =	vadd.s32 v14, v49;
	v9 =	vor.u32 v41, v50;
	v58 =	vsub.f32 $1.000000000e+00, v59;
	v6 =	vld.idx.msk [tilespmem:v11+s29+$0x0], $0xffff  }
0x317: {  	v20 =	vor.u32 v41, v47;
	v50 =	vor.u32 v41, v18;
	v59 =	vadd.s32 v54, v49;
	v8 =	vld.idx.msk [tilespmem:v13+s29+$0x0], $0xffff  }
0x318: {  	v7 =	vor.u32 v41, v59;
	v17 =	vor.u32 v41, v53;
	[tilespmem:v10+s28+$0x0] =	vst.idx.msk $0xffff, v58;
	v41 =	vld.idx.msk [tilespmem:v61+s29+$0x0], $0xffff  }
0x319: {  	v54 =	vadd.s32 v52, v37;
	v37 =	vsub.f32 $1.000000000e+00, v43;
	v59 =	vor.u32 v44, v51;
	v49 =	vld.idx.msk [tilespmem:v29+s29+$0x0], $0xffff  }
0x31a: {  	v3 =	vor.u32 v12, v3;
	v45 =	vor.u32 v5, v45;
	v2 =	vsub.f32 $1.000000000e+00, v2  }
0x31b: {  	v43 =	vor.u32 v46, v63;
	v63 =	vor.u32 v24, v9;
	[tilespmem:v27+s28+$0x0] =	vst.idx.msk $0xffff, v37;
	v47 =	vsub.f32 $1.000000000e+00, v6  }
0x31c: {  	v9 =	vor.u32 v5, v42;
	v51 =	vor.u32 v12, v34;
	[tilespmem:v21+s28+$0x0] =	vst.idx.msk $0xffff, v2;
	v8 =	vsub.f32 $1.000000000e+00, v8  }
0x31d: {  	v34 =	vor.u32 v19, v62;
	v62 =	vld.idx.msk [tilespmem:v26+s29+$0x0], $0xffff;
	v42 =	vsub.f32 $1.000000000e+00, v41;
	[tilespmem:v11+s28+$0x0] =	vst.idx.msk $0xffff, v47  }
0x31e: {  	v56 =	vadd.s32 v14, v1;
	v0 =	vsub.f32 $1.000000000e+00, v49;
	v11 =	vld.idx.msk [tilespmem:v59+s29+$0x0], $0xffff;
	[tilespmem:v13+s28+$0x0] =	vst.idx.msk $0xffff, v8  }
0x31f: {  	v56 =	vor.u32 v5, v56;
	v32 =	vadd.s32 v60, v32;
	v2 =	vld [tilespmem:$0x1FBA0];
	[tilespmem:v61+s28+$0x0] =	vst.idx.msk $0xffff, v42  }
0x320: {  	v1 =	vadd.s32 v60, v1;
	v60 =	vor.u32 v44, v38;
	v49 =	vld [tilespmem:$0x1FBB0];
	[tilespmem:v29+s28+$0x0] =	vst.idx.msk $0xffff, v0  }
0x321: {  	v38 =	vor.u32 v57, v3;
	v24 =	vor.u32 v39, v33;
	v33 =	vor.u32 v39, v31;
	v0 =	vld [tilespmem:$0x1FBC0]  }
0x322: {  	v37 =	vor.u32 v28, v48;
	v48 =	vor.u32 v15, v54;
	v54 =	vor.u32 v5, v1;
	v53 =	vld [tilespmem:$0x1FBD0]  }
0x323: {  	v58 =	vor.u32 v44, v45;
	v21 =	vor.u32 v12, v32;
	v12 =	vor.u32 v15, v4;
	v52 =	vld.idx.msk [tilespmem:v34+s29+$0x0], $0xffff  }
0x324: {  	v32 =	vor.u32 v46, v25;
	v41 =	vor.u32 v57, v22;
	v47 =	vor.u32 v19, v55;
	v42 =	vld.idx.msk [tilespmem:v43+s29+$0x0], $0xffff  }
0x325: {  	v55 =	vor.u32 v57, v7;
	v13 =	vor.u32 v19, v9;
	v61 =	vld.idx.msk [tilespmem:v63+s29+$0x0], $0xffff;
	v29 =	vor.u32 v57, v16  }
0x326: {  	v44 =	vsub.f32 $1.000000000e+00, v11;
	v25 =	vor.u32 v39, v2;
	v40 =	vor.u32 v46, v49;
	v49 =	vld.idx.msk [tilespmem:v60+s29+$0x0], $0xffff  }
0x327: {  	s5 =	simm.s32 $0x8;
	v31 =	vor.u32 v39, v0;
	v46 =	vor.u32 v28, v53;
	v28 =	vor.u32 v19, v30;
	v53 =	vld.idx.msk [tilespmem:v36+s29+$0x0], $0xffff  }
.LBB2_9:
0x328: {  	v18 =	vld [tilespmem:$0x1FF00]  }
0x329: {  	[tilespmem:$0x1FB30] =	vst v12;
	v1 =	vld.idx.msk [tilespmem:v47+s29+$0x0], $0xffff  }
0x32a: {  	[tilespmem:$0x1FB50] =	vst v17;
	s9 =	sadd.s32 $0x1, s5;
	s10 =	sadd.s32 $0x2, s5;
	s11 =	sadd.s32 $0x3, s5;
	v17 =	vld [tilespmem:$0x1FF50]  }
0x32b: {  	v2 =	vmovc v51;
	[tilespmem:v59+s28+$0x0] =	vst.idx.msk $0xffff, v44;
	v8 =	vmovc v55;
	v19 =	vld [tilespmem:$0x1FF60];
	v45 =	vmov s9;
	v3 =	vmov s10;
	v59 =	vmov s11  }
0x32c: {  	v5 =	vmovc v54;
	v44 =	vmovc v21;
	v21 =	vld [tilespmem:$0x1FFE0];
	[tilespmem:$0x1FAF0] =	vst v8;
	v8 =	vsub.f32 $1.000000000e+00, v52;
	v51 =	vshll.u32 v45, $0x9;
	v54 =	vshll.u32 v3, $0x9  }
0x32d: {  	v6 =	vmovc v48;
	v22 =	vld [tilespmem:$0x1FF70];
	[tilespmem:$0x1FB20] =	vst v2;
	v2 =	vshll.u32 v45, $0x7;
	v3 =	vshll.u32 v3, $0x7;
	v39 =	vsub.f32 $1.000000000e+00, v62  }
0x32e: {  	[tilespmem:$0x1FB00] =	vst v6;
	v0 =	vor.u32 v18, v50;
	v50 =	vor.u32 v18, v56;
	v56 =	vsub.f32 $1.000000000e+00, v49;
	v49 =	vmovc v20;
	v20 =	vld [tilespmem:$0x1FF40]  }
0x32f: {  	[tilespmem:$0x1FB10] =	vst v5;
	v9 =	vshll.u32 v59, $0x9;
	v45 =	vld [tilespmem:$0x1FFF0];
	v5 =	vand.u32 $0x1000, v51;
	v4 =	vsub.f32 $1.000000000e+00, v42  }
0x330: {  	v51 =	vand.u32 $0x280, v2;
	v52 =	vand.u32 $0x1000, v9;
	v7 =	vsub.f32 $1.000000000e+00, v61;
	v42 =	vmovc v35;
	v35 =	vld [tilespmem:$0x1FFC0];
	[tilespmem:v26+s28+$0x0] =	vst.idx.msk $0xffff, v39  }
0x331: {  	v62 =	vadd.s32 v17, v5;
	v14 =	vadd.s32 v19, v5;
	[tilespmem:v43+s28+$0x0] =	vst.idx.msk $0xffff, v4;
	v9 =	vld.idx.msk [tilespmem:v58+s29+$0x0], $0xffff  }
0x332: {  	v30 =	vadd.s32 v21, v52;
	[tilespmem:v63+s28+$0x0] =	vst.idx.msk $0xffff, v7;
	v4 =	vshll.u32 v59, $0x7;
	v43 =	vand.u32 $0x1000, v54;
	v7 =	vld.idx.msk [tilespmem:v37+s29+$0x0], $0xffff  }
0x333: {  	v63 =	vadd.s32 v21, v5;
	v10 =	vld.idx.msk [tilespmem:v23+s29+$0x0], $0xffff;
	[tilespmem:v60+s28+$0x0] =	vst.idx.msk $0xffff, v56;
	v57 =	vadd.s32 v20, v5  }
0x334: {  	v48 =	vmovc v13;
	v6 =	vor.u32 v51, v62;
	v60 =	vsub.f32 $1.000000000e+00, v1;
	v11 =	vadd.s32 v17, v43;
	[tilespmem:$0x1FAE0] =	vst v57;
	v57 =	vld [tilespmem:$0x1FFA0]  }
0x335: {  	[tilespmem:$0x1FAD0] =	vst v0;
	v13 =	vld.idx.msk [tilespmem:v33+s29+$0x0], $0xffff;
	v54 =	vand.u32 $0x380, v4;
	v15 =	vadd.s32 v22, v43;
	v12 =	vadd.s32 v20, v52  }
0x336: {  	v0 =	vor.u32 v51, v63;
	v2 =	vld.idx.msk [tilespmem:v46+s29+$0x0], $0xffff;
	[tilespmem:v47+s28+$0x0] =	vst.idx.msk $0xffff, v60;
	v4 =	vor.u32 v54, v12  }
0x337: {  	v55 =	vand.u32 $0x300, v3;
	v26 =	vadd.s32 v21, v43;
	v63 =	vadd.s32 v19, v43;
	[tilespmem:$0x1FB40] =	vst v4;
	v4 =	vld.idx.msk [tilespmem:v32+s29+$0x0], $0xffff  }
0x338: {  	v59 =	vor.u32 v54, v30;
	[tilespmem:v34+s28+$0x0] =	vst.idx.msk $0xffff, v8;
	v34 =	vor.u32 v55, v26;
	v9 =	vsub.f32 $1.000000000e+00, v9  }
0x339: {  	v30 =	vld [tilespmem:$0x1FFD0];
	v47 =	vadd.s32 v17, v52;
	v39 =	vadd.s32 v35, v5;
	v61 =	vadd.s32 v57, v5  }
0x33a: {  	v60 =	vld.idx.msk [tilespmem:v40+s29+$0x0], $0xffff;
	v56 =	vadd.s32 v35, v43;
	[tilespmem:v58+s28+$0x0] =	vst.idx.msk $0xffff, v9;
	v1 =	vor.u32 v51, v61  }
0x33b: {  	v8 =	vor.u32 v51, v39;
	v16 =	vld.idx.msk [tilespmem:v50+s29+$0x0], $0xffff;
	v3 =	vadd.s32 v57, v43;
	v12 =	vor.u32 v45, v1  }
0x33c: {  	v7 =	vsub.f32 $1.000000000e+00, v7;
	v3 =	vor.u32 v55, v3;
	v4 =	vsub.f32 $1.000000000e+00, v4  }
0x33d: {  	v9 =	vor.u32 v55, v56;
	v58 =	vadd.s32 v35, v52;
	v3 =	vor.u32 v45, v3  }
0x33e: {  	v27 =	vld [tilespmem:$0x1FF80];
	v13 =	vsub.f32 $1.000000000e+00, v13;
	v26 =	vor.u32 v30, v59;
	v56 =	vor.u32 v54, v58;
	[tilespmem:v32+s28+$0x0] =	vst.idx.msk $0xffff, v4  }
0x33f: {  	[tilespmem:$0x1FB60] =	vst v9;
	v58 =	vor.u32 v54, v47;
	v60 =	vsub.f32 $1.000000000e+00, v60;
	v61 =	vor.u32 v51, v14;
	v32 =	vld.idx.msk [tilespmem:v31+s29+$0x0], $0xffff  }
0x340: {  	v16 =	vsub.f32 $1.000000000e+00, v16;
	v39 =	vld.idx.msk [tilespmem:v12+s29+$0x0], $0xffff;
	[tilespmem:v37+s28+$0x0] =	vst.idx.msk $0xffff, v7;
	v37 =	vsub.f32 $1.000000000e+00, v53;
	v53 =	vadd.s32 v57, v52  }
0x341: {  	s13 =	smov.u32 s5;
	v7 =	vor.u32 v30, v0;
	v9 =	vld.idx.msk [tilespmem:v38+s29+$0x0], $0xffff;
	v0 =	vor.u32 v54, v53;
	[tilespmem:v33+s28+$0x0] =	vst.idx.msk $0xffff, v13  }
0x342: {  	v47 =	vmov s13;
	v1 =	vadd.s32 v22, v5;
	v14 =	vor.u32 v45, v0;
	[tilespmem:v36+s28+$0x0] =	vst.idx.msk $0xffff, v37;
	v36 =	vld.idx.msk [tilespmem:v3+s29+$0x0], $0xffff  }
0x343: {  	v53 =	vor.u32 v30, v34;
	v34 =	vld.idx.msk [tilespmem:v25+s29+$0x0], $0xffff;
	[tilespmem:v50+s28+$0x0] =	vst.idx.msk $0xffff, v16;
	v16 =	vshll.u32 v47, $0x9  }
0x344: {  	v5 =	vadd.s32 v27, v5;
	[tilespmem:v40+s28+$0x0] =	vst.idx.msk $0xffff, v60;
	v60 =	vld.idx.msk [tilespmem:v41+s29+$0x0], $0xffff;
	v13 =	vand.u32 $0x1000, v16  }
0x345: {  	v59 =	vsub.f32 $1.000000000e+00, v39;
	v16 =	vadd.s32 v57, v13;
	v57 =	vld [tilespmem:$0x1FF90];
	v50 =	vadd.s32 v21, v13  }
0x346: {  	v21 =	vor.u32 v51, v5;
	v5 =	vor.u32 v55, v15;
	v15 =	vld [tilespmem:$0x1FF10];
	v9 =	vsub.f32 $1.000000000e+00, v9  }
0x347: {  	v11 =	vor.u32 v55, v11;
	v2 =	vsub.f32 $1.000000000e+00, v2;
	[tilespmem:v12+s28+$0x0] =	vst.idx.msk $0xffff, v59;
	v12 =	vsub.f32 $1.000000000e+00, v32;
	v33 =	vld.idx.msk [tilespmem:v14+s29+$0x0], $0xffff  }
0x348: {  	v4 =	vshll.u32 v47, $0x7;
	v59 =	vadd.s32 v35, v13;
	v35 =	vmovc v5;
	v5 =	vld [tilespmem:$0x1FB30];
	v34 =	vsub.f32 $1.000000000e+00, v34;
	[tilespmem:v38+s28+$0x0] =	vst.idx.msk $0xffff, v9  }
0x349: {  	v0 =	vor.u32 v55, v63;
	v40 =	vadd.s32 v22, v52;
	[tilespmem:v31+s28+$0x0] =	vst.idx.msk $0xffff, v12;
	v12 =	vld.idx.msk [tilespmem:v24+s29+$0x0], $0xffff  }
0x34a: {  	v4 =	vand.u32 $0x200, v4;
	v63 =	vadd.s32 v17, v13;
	[tilespmem:v25+s28+$0x0] =	vst.idx.msk $0xffff, v34;
	v25 =	vadd.s32 v22, v13;
	v22 =	vld [tilespmem:$0x1FAD0]  }
0x34b: {  	v16 =	vor.u32 v4, v16;
	v47 =	vor.u32 v4, v63;
	v63 =	vadd.s32 v27, v13;
	v31 =	vld.idx.msk [tilespmem:v28+s29+$0x0], $0xffff  }
0x34c: {  	v37 =	vadd.s32 v19, v52;
	v16 =	vor.u32 v45, v16;
	v17 =	vor.u32 v4, v63;
	v38 =	vld.idx.msk [tilespmem:v7+s29+$0x0], $0xffff  }
0x34d: {  	v10 =	vsub.f32 $1.000000000e+00, v10;
	v9 =	vor.u32 v4, v50;
	[tilespmem:v46+s28+$0x0] =	vst.idx.msk $0xffff, v2;
	v2 =	vadd.s32 v19, v13;
	v19 =	vld [tilespmem:$0x1FF20]  }
0x34e: {  	v50 =	vor.u32 v4, v59;
	v60 =	vsub.f32 $1.000000000e+00, v60;
	v63 =	vor.u32 v30, v9;
	v9 =	vld [tilespmem:$0x1FF30]  }
0x34f: {  	v32 =	vor.u32 v57, v47;
	[tilespmem:v23+s28+$0x0] =	vst.idx.msk $0xffff, v10;
	v10 =	vld.idx.msk [tilespmem:v29+s29+$0x0], $0xffff;
	v59 =	vor.u32 v57, v6  }
0x350: {  	v58 =	vor.u32 v57, v58;
	[tilespmem:v41+s28+$0x0] =	vst.idx.msk $0xffff, v60;
	v60 =	vor.u32 v57, v11;
	v57 =	vld [tilespmem:$0x1FB10]  }
0x351: {  	v41 =	vld.idx.msk [tilespmem:v16+s29+$0x0], $0xffff  }
0x352: {  	v36 =	vsub.f32 $1.000000000e+00, v36;
	v46 =	vld.idx.msk [tilespmem:v22+s29+$0x0], $0xffff  }
0x353: {  	v62 =	vadd.s32 v27, v43;
	v6 =	vld.idx.msk [tilespmem:v48+s29+$0x0], $0xffff;
	v12 =	vsub.f32 $1.000000000e+00, v12  }
0x354: {  	v39 =	vadd.s32 v20, v43;
	[tilespmem:v3+s28+$0x0] =	vst.idx.msk $0xffff, v36;
	v47 =	vsub.f32 $1.000000000e+00, v33;
	v43 =	vor.u32 v19, v44;
	v44 =	vld [tilespmem:$0x1FB00]  }
0x355: {  	v45 =	vmov v48;
	v48 =	vsub.f32 $1.000000000e+00, v38;
	[tilespmem:v24+s28+$0x0] =	vst.idx.msk $0xffff, v12;
	v12 =	vld [tilespmem:$0x1FB90]  }
0x356: {  	v34 =	vor.u32 v15, v42;
	[tilespmem:v14+s28+$0x0] =	vst.idx.msk $0xffff, v47;
	v14 =	vld [tilespmem:$0x1FFB0]  }
0x357: {  	v1 =	vor.u32 v51, v1;
	v36 =	vsub.f32 $1.000000000e+00, v10;
	[tilespmem:v7+s28+$0x0] =	vst.idx.msk $0xffff, v48;
	v10 =	vld.idx.msk [tilespmem:v53+s29+$0x0], $0xffff;
	v38 =	vsub.f32 $1.000000000e+00, v46  }
0x358: {  	[tilespmem:$0x1FB70] =	vst v1;
	v1 =	vor.u32 v54, v37;
	v37 =	vor.u32 v18, v8;
	v8 =	vld.idx.msk [tilespmem:v59+s29+$0x0], $0xffff  }
0x359: {  	v3 =	vor.u32 v54, v40;
	v25 =	vor.u32 v4, v25;
	[tilespmem:v22+s28+$0x0] =	vst.idx.msk $0xffff, v38;
	v22 =	vld [tilespmem:$0x1FAF0]  }
0x35a: {  	[tilespmem:v29+s28+$0x0] =	vst.idx.msk $0xffff, v36;
	v36 =	vor.u32 v19, v57;
	v57 =	vld [tilespmem:$0x1FB70];
	v47 =	vor.u32 v15, v12;
	v12 =	vmov v25  }
0x35b: {  	v40 =	vadd.s32 v27, v52;
	v52 =	vld.idx.msk [tilespmem:v34+s29+$0x0], $0xffff;
	[tilespmem:$0x1FB90] =	vst v12;
	v12 =	vadd.s32 v20, v13  }
0x35c: {  	v2 =	vor.u32 v4, v2;
	v4 =	vor.u32 v4, v12;
	v12 =	vld [tilespmem:$0x1FAE0]  }
0x35d: {  	v23 =	vmov v32;
	v32 =	vor.u32 v19, v49;
	v49 =	vsub.f32 $1.000000000e+00, v10;
	v46 =	vld [tilespmem:$0x1FB80]  }
0x35e: {  	v24 =	vor.u32 v9, v44;
	v44 =	vsub.f32 $1.000000000e+00, v8;
	v8 =	vld [tilespmem:$0x1FB40]  }
0x35f: {  	[tilespmem:v53+s28+$0x0] =	vst.idx.msk $0xffff, v49;
	v53 =	vld [tilespmem:$0x1FB60]  }
0x360: {  	v38 =	vor.u32 v14, v61;
	v61 =	vld [tilespmem:$0x1FB20]  }
0x361: {  	v42 =	vsub.f32 $1.000000000e+00, v31;
	v51 =	vor.u32 v51, v12;
	v12 =	vld.idx.msk [tilespmem:v22+s29+$0x0], $0xffff  }
0x362: {  	v54 =	vor.u32 v54, v40;
	v40 =	vor.u32 v19, v5;
	v25 =	vor.u32 v9, v46;
	v46 =	vld [tilespmem:$0x1FB50]  }
0x363: {  	p0 =	slt.u32 s5, $0xC;
	v7 =	vor.u32 v55, v62;
	v62 =	vld.idx.msk [tilespmem:v26+s29+$0x0], $0xffff;
	v6 =	vsub.f32 $1.000000000e+00, v6;
	[tilespmem:v28+s28+$0x0] =	vst.idx.msk $0xffff, v42  }
.Ltmp3:
0x364: {  	v48 =	vor.u32 v55, v39;
	v55 =	vor.u32 v14, v2;
	v42 =	vld.idx.msk [tilespmem:v43+s29+$0x0], $0xffff;
	v29 =	vor.u32 v14, v0;
	(pc) =	sbr.rel @p0 .LBB2_9-.Ltmp3, $4  }
0x365: {  	[tilespmem:v45+s28+$0x0] =	vst.idx.msk $0xffff, v6;
	v20 =	vmovc v17;
	v13 =	vsub.f32 $1.000000000e+00, v41;
	v28 =	vor.u32 v15, v57;
	v10 =	vmov v8  }
0x366: {  	v41 =	vor.u32 v14, v1;
	v49 =	vld.idx.msk [tilespmem:v60+s29+$0x0], $0xffff;
	[tilespmem:$0x1FB80] =	vst v10;
	v33 =	vor.u32 v9, v61;
	v11 =	vsub.f32 $1.000000000e+00, v12  }
0x367: {  	[tilespmem:v16+s28+$0x0] =	vst.idx.msk $0xffff, v13;
	v31 =	vor.u32 v9, v46;
	v46 =	vor.u32 v18, v53;
	v53 =	vld.idx.msk [tilespmem:v36+s29+$0x0], $0xffff  }
0x368: {  	s5 =	sadd.s32 $0x4, s5;
	v17 =	vmov v4;
	v13 =	vor.u32 v15, v3;
	v61 =	vld.idx.msk [tilespmem:v63+s29+$0x0], $0xffff;
	v12 =	vmov v7;
	[tilespmem:v22+s28+$0x0] =	vst.idx.msk $0xffff, v11  }
0x369: {  	_ =	sdelay $0x2  }
0x36a: {  	v1 =	vsub.f32 $1.000000000e+00, v62  }
0x36b: {  	v0 =	vsub.f32 $1.000000000e+00, v61  }
0x36c: {  	[tilespmem:v26+s28+$0x0] =	vst.idx.msk $0xffff, v1  }
0x36d: {  	[tilespmem:v63+s28+$0x0] =	vst.idx.msk $0xffff, v0  }
0x36e: {  	v3 =	vld [tilespmem:$0x1FF00];
	_ =	sdelay $0x1  }
0x36f: {  	v0 =	vld.idx.msk [tilespmem:v23+s29+$0x0], $0xffff  }
0x370: {  	v1 =	vld.idx.msk [tilespmem:v58+s29+$0x0], $0xffff;
	_ =	sdelay $0x1  }
0x371: {  	v2 =	vor.u32 v3, v50  }
0x372: {  	v4 =	vsub.f32 $1.000000000e+00, v49;
	v3 =	vor.u32 v3, v56  }
0x373: {  	[tilespmem:v59+s28+$0x0] =	vst.idx.msk $0xffff, v44;
	v0 =	vsub.f32 $1.000000000e+00, v0  }
0x374: {  	[tilespmem:v60+s28+$0x0] =	vst.idx.msk $0xffff, v4;
	v1 =	vsub.f32 $1.000000000e+00, v1;
	v5 =	vld.idx.msk [tilespmem:v37+s29+$0x0], $0xffff  }
0x375: {  	v4 =	vld.idx.msk [tilespmem:v46+s29+$0x0], $0xffff;
	[tilespmem:v23+s28+$0x0] =	vst.idx.msk $0xffff, v0  }
0x376: {  	[tilespmem:v58+s28+$0x0] =	vst.idx.msk $0xffff, v1;
	v0 =	vld.idx.msk [tilespmem:v2+s29+$0x0], $0xffff  }
0x377: {  	v1 =	vld.idx.msk [tilespmem:v3+s29+$0x0], $0xffff;
	_ =	sdelay $0x1  }
0x378: {  	v5 =	vsub.f32 $1.000000000e+00, v5  }
0x379: {  	v4 =	vsub.f32 $1.000000000e+00, v4  }
0x37a: {  	[tilespmem:v37+s28+$0x0] =	vst.idx.msk $0xffff, v5;
	v0 =	vsub.f32 $1.000000000e+00, v0  }
0x37b: {  	[tilespmem:v46+s28+$0x0] =	vst.idx.msk $0xffff, v4;
	v1 =	vsub.f32 $1.000000000e+00, v1  }
0x37c: {  	v5 =	vld.idx.msk [tilespmem:v38+s29+$0x0], $0xffff;
	[tilespmem:v2+s28+$0x0] =	vst.idx.msk $0xffff, v0  }
0x37d: {  	[tilespmem:v3+s28+$0x0] =	vst.idx.msk $0xffff, v1;
	v2 =	vld.idx.msk [tilespmem:v29+s29+$0x0], $0xffff  }
0x37e: {  	v1 =	vld.idx.msk [tilespmem:v41+s29+$0x0], $0xffff  }
0x37f: {  	v6 =	vld [tilespmem:$0x1FF10]  }
0x380: {  	v3 =	vld [tilespmem:$0x1FB90]  }
0x381: {  	v0 =	vld.idx.msk [tilespmem:v55+s29+$0x0], $0xffff;
	_ =	sdelay $0x1  }
0x382: {  	v4 =	vld.idx.msk [tilespmem:v47+s29+$0x0], $0xffff;
	v5 =	vsub.f32 $1.000000000e+00, v5  }
0x383: {  	v2 =	vsub.f32 $1.000000000e+00, v2  }
0x384: {  	[tilespmem:v38+s28+$0x0] =	vst.idx.msk $0xffff, v5;
	v3 =	vor.u32 v6, v3;
	v1 =	vsub.f32 $1.000000000e+00, v1  }
0x385: {  	v6 =	vor.u32 v6, v35;
	v0 =	vsub.f32 $1.000000000e+00, v0;
	[tilespmem:v29+s28+$0x0] =	vst.idx.msk $0xffff, v2  }
0x386: {  	v5 =	vld.idx.msk [tilespmem:v28+s29+$0x0], $0xffff;
	[tilespmem:v41+s28+$0x0] =	vst.idx.msk $0xffff, v1  }
0x387: {  	[tilespmem:v55+s28+$0x0] =	vst.idx.msk $0xffff, v0;
	v1 =	vsub.f32 $1.000000000e+00, v4;
	v4 =	vld.idx.msk [tilespmem:v13+s29+$0x0], $0xffff  }
0x388: {  	v11 =	vld [tilespmem:$0x1FF20]  }
0x389: {  	v0 =	vld.idx.msk [tilespmem:v3+s29+$0x0], $0xffff  }
0x38a: {  	v7 =	vld.idx.msk [tilespmem:v6+s29+$0x0], $0xffff  }
0x38b: {  	v8 =	vsub.f32 $1.000000000e+00, v52;
	[tilespmem:v47+s28+$0x0] =	vst.idx.msk $0xffff, v1  }
0x38c: {  	v5 =	vsub.f32 $1.000000000e+00, v5;
	v9 =	vld.idx.msk [tilespmem:v32+s29+$0x0], $0xffff  }
0x38d: {  	[tilespmem:v34+s28+$0x0] =	vst.idx.msk $0xffff, v8;
	v4 =	vsub.f32 $1.000000000e+00, v4  }
0x38e: {  	[tilespmem:v28+s28+$0x0] =	vst.idx.msk $0xffff, v5;
	v0 =	vsub.f32 $1.000000000e+00, v0  }
0x38f: {  	v2 =	vor.u32 v11, v21;
	v7 =	vsub.f32 $1.000000000e+00, v7;
	[tilespmem:v13+s28+$0x0] =	vst.idx.msk $0xffff, v4  }
0x390: {  	[tilespmem:v3+s28+$0x0] =	vst.idx.msk $0xffff, v0;
	v0 =	vsub.f32 $1.000000000e+00, v42  }
0x391: {  	v1 =	vor.u32 v11, v20;
	v10 =	vor.u32 v11, v54;
	v4 =	vsub.f32 $1.000000000e+00, v9;
	[tilespmem:v6+s28+$0x0] =	vst.idx.msk $0xffff, v7  }
0x392: {  	v8 =	vor.u32 v11, v12;
	v11 =	vld.idx.msk [tilespmem:v40+s29+$0x0], $0xffff;
	[tilespmem:v43+s28+$0x0] =	vst.idx.msk $0xffff, v0;
	v0 =	vsub.f32 $1.000000000e+00, v53  }
0x393: {  	v15 =	vld [tilespmem:$0x1FF30];
	[tilespmem:v32+s28+$0x0] =	vst.idx.msk $0xffff, v4  }
0x394: {  	v5 =	vld.idx.msk [tilespmem:v2+s29+$0x0], $0xffff;
	[tilespmem:v36+s28+$0x0] =	vst.idx.msk $0xffff, v0  }
0x395: {  	v0 =	vld [tilespmem:$0x1FB80]  }
0x396: {  	v3 =	vld.idx.msk [tilespmem:v1+s29+$0x0], $0xffff  }
0x397: {  	v9 =	vld.idx.msk [tilespmem:v10+s29+$0x0], $0xffff  }
0x398: {  	v7 =	vld.idx.msk [tilespmem:v8+s29+$0x0], $0xffff;
	v6 =	vor.u32 v15, v51  }
0x399: {  	v12 =	vld.idx.msk [tilespmem:v33+s29+$0x0], $0xffff;
	v4 =	vsub.f32 $1.000000000e+00, v11;
	v11 =	vor.u32 v15, v17  }
0x39a: {  	v13 =	vld.idx.msk [tilespmem:v31+s29+$0x0], $0xffff;
	v5 =	vsub.f32 $1.000000000e+00, v5;
	v0 =	vor.u32 v15, v0  }
0x39b: {  	v14 =	vld.idx.msk [tilespmem:v25+s29+$0x0], $0xffff;
	[tilespmem:v40+s28+$0x0] =	vst.idx.msk $0xffff, v4;
	v3 =	vsub.f32 $1.000000000e+00, v3;
	v4 =	vor.u32 v15, v48  }
0x39c: {  	[tilespmem:v2+s28+$0x0] =	vst.idx.msk $0xffff, v5;
	v2 =	vsub.f32 $1.000000000e+00, v9;
	v15 =	vld.idx.msk [tilespmem:v24+s29+$0x0], $0xffff  }
0x39d: {  	[tilespmem:v1+s28+$0x0] =	vst.idx.msk $0xffff, v3;
	v1 =	vsub.f32 $1.000000000e+00, v7;
	v5 =	vld.idx.msk [tilespmem:v6+s29+$0x0], $0xffff  }
0x39e: {  	v3 =	vsub.f32 $1.000000000e+00, v12;
	[tilespmem:v10+s28+$0x0] =	vst.idx.msk $0xffff, v2;
	v7 =	vld.idx.msk [tilespmem:v11+s29+$0x0], $0xffff  }
0x39f: {  	v2 =	vsub.f32 $1.000000000e+00, v13;
	[tilespmem:v8+s28+$0x0] =	vst.idx.msk $0xffff, v1;
	v9 =	vld.idx.msk [tilespmem:v0+s29+$0x0], $0xffff  }
0x3a0: {  	[tilespmem:v33+s28+$0x0] =	vst.idx.msk $0xffff, v3;
	v1 =	vsub.f32 $1.000000000e+00, v14;
	v3 =	vld.idx.msk [tilespmem:v4+s29+$0x0], $0xffff  }
0x3a1: {  	[tilespmem:v31+s28+$0x0] =	vst.idx.msk $0xffff, v2;
	v2 =	vsub.f32 $1.000000000e+00, v15  }
0x3a2: {  	[tilespmem:v25+s28+$0x0] =	vst.idx.msk $0xffff, v1;
	v1 =	vsub.f32 $1.000000000e+00, v5  }
0x3a3: {  	[tilespmem:v24+s28+$0x0] =	vst.idx.msk $0xffff, v2;
	v2 =	vsub.f32 $1.000000000e+00, v7  }
0x3a4: {  	[tilespmem:v6+s28+$0x0] =	vst.idx.msk $0xffff, v1;
	v1 =	vsub.f32 $1.000000000e+00, v9  }
0x3a5: {  	[tilespmem:v11+s28+$0x0] =	vst.idx.msk $0xffff, v2;
	v2 =	vsub.f32 $1.000000000e+00, v3  }
0x3a6: {  	[tilespmem:v0+s28+$0x0] =	vst.idx.msk $0xffff, v1  }
0x3a7: {  	[tilespmem:v4+s28+$0x0] =	vst.idx.msk $0xffff, v2  }
0x3a8: {  	v4 =	vld [tilespmem:$0x1FFF0]  }
0x3a9: {  	v2 =	vld [tilespmem:$0x1FFA0]  }
0x3aa: {  	v7 =	vld [tilespmem:$0x1FFD0]  }
0x3ab: {  	v3 =	vld [tilespmem:$0x1FFE0]  }
0x3ac: {  	v8 =	vld [tilespmem:$0x1FF90]  }
0x3ad: {  	s19 =	sadd.s32 $0x1, s19;
	v5 =	vld [tilespmem:$0x1FF50]  }
0x3ae: {  	p0 =	sne.s32 s19, $0x8;
	v6 =	vld [tilespmem:$0x1FFC0]  }
.Ltmp4:
0x3af: {  	v11 =	vld [tilespmem:$0x1FFB0];
	(pc) =	sbr.rel @p0 .LBB2_2-.Ltmp4, $4  }
0x3b0: {  	v9 =	vld [tilespmem:$0x1FF60]  }
0x3b1: {  	v10 =	vld [tilespmem:$0x1FF70]  }
0x3b2: {  	s5 =	sadd.s32 s14, s16;
	v12 =	vld [tilespmem:$0x1FF80]  }
0x3b3: {  	[hbm4b:s5+s6] =	stream.linear.scatter [tilespmem:s28], [sflag:$0xC], $0x2000, $0x38;
	v13 =	vld [tilespmem:$0x1FF40]  }
0x3b4: {  	s5 =	simm.s32 $0xB  }
0x3b5: {  	_ =	swait.ge [sflag:s5], $0x2000  }
0x3b6: {  	[sflag:s5] =	ssyncset.done $0x0  }
0x3b7: {  	s9 =	simm.s32 $0xC;
	[sflag:s5] =	ssyncadd.s32 $0xFFFFE000  }
0x3b8: {  	_ =	swait.ge [sflag:s9], $0x2000  }
0x3b9: {  	s10 =	rddreg [dreg:$0xe]  }
0x3ba: {  	s19 =	rddreg [dreg:$0xd];
	s10 =	sadd.s32 $0x1, s10  }
0x3bb: {  	p0 =	sne.s32 s10, s19  }
.Ltmp5:
0x3bc: {  	_ = 	snop;
	(pc) =	sbr.rel @p0 .LBB2_1-.Ltmp5, $3  }
0x3bd: {  	_ =	sdelay $0x1  }
0x3be: {  	[sflag:s9] =	ssyncset.done $0x0  }
0x3bf: {  	[sflag:s9] =	ssyncadd.s32 $0xFFFFE000  }
0x3c0: {  	_ =	sfence.sel $0x180000  }
0x3c1: {  	[bflag:$0x0] =	sbarrier.arrive $0xFFFF  }
0x3c2: {  	_ =	strace $0x90000047  }
0x3c3: {  	s0 =	stileid.u32;
	[bflag:$0x2] =	sbarrier.arrive $0xFFFF  }
0x3c4: {  	p0 =	sne.s32 s0, $0x0;
	s0 =	rddreg [dreg:$0x4]  }
0x3c5: {  	s0 =	sadd.s32 @!p0 $0x100000, s0  }
0x3c6: {  	[sflag:s0] =	ssyncadd.tile.s32 @!p0 $0x1;
	_ =	shalt  }
.Lfunc_end2:
_tile_overlayer_lowered:
.L_overlay_start_2:
0x3c7: {  	(tag) =	ssettag $0x2  }
0x3c8: {  	s0 =	rddreg [dreg:$0x0];
	s2 =	stileid.u32  }
0x3c9: {  	s1 =	rddreg [dreg:$0x1];
	p0 =	sne.s32 s2, $0x0  }
0x3ca: {  	s3 =	rddreg [dreg:$0x2];
	[bflag:$0x3] =	sbarrier.arrive $0xFFFF;
	s2 =	simm.s32 @!p0 $0x1C0D  }
0x3cb: {  	[timem:s3], [sflag:s2] =	dma.local @!p0 [hbm:s0], s1  }
0x3cc: {  	s0 =	simm.s32 @!p0 $0xD  }
0x3cd: {  	_ =	swait.ge @!p0 [sflag:s0], s1  }
0x3ce: {  	s1 =	ssub.s32 @!p0 $0x0, s1;
	[sflag:s0] =	ssyncset.done @!p0 $0x0  }
0x3cf: {  	[sflag:s0] =	ssyncadd.s32 @!p0 s1  }
0x3d0: {  	[bflag:$0x3] =	sbarrier.arrive $0xFFFF  }
0x3d1: {  	_ =	shalt  }

</sc_bundles>
